<compile_context>
chip_gen: v7x
topology: tpu7x:2x2x1
jax: 0.10.2.dev20260603
libtpu: 0.0.44.dev20260713+nightly
codegen_flags: <defaults>
</compile_context>

<pallas_src>
import jax
import jax.numpy as jnp
from jax import lax
from jax.experimental import pallas as pl
from jax.experimental.pallas import tpu as pltpu
from jax.experimental.pallas import tpu_sc as plsc

N = 10000
E = 320000
D = 128

NC = 2
NS = 16
NW = NC * NS
CH = 80
C0 = 160
C1 = 0
GS = 40
TCH = NS * (C0 + C1)
EPAD = TCH * 128
TBL = 10240
STRIPE = TBL // NS
KS = STRIPE // 128
DUMMY = N

BM = 2000
G = N // BM

_mesh = plsc.VectorSubcoreMesh(core_axis_name="c", subcore_axis_name="s")



def _deg_body(dst2, ones128, zeros128, out, dstv, onesv, table, ssem):
    c = lax.axis_index("c")
    s = lax.axis_index("s")
    wid = c * NS + s
    base = s * STRIPE
    for k in range(KS):
        pltpu.sync_copy(zeros128, table.at[pl.ds(base + k * 128, 128)])
    pltpu.sync_copy(dst2.at[pl.ds(wid * CH, CH)], dstv)
    pltpu.sync_copy(ones128, onesv)
    plsc.subcore_barrier()

    def body(t, carry):
        for b in range(4):
            pltpu.async_copy(onesv, table.at[dstv.at[t * 4 + b]], ssem,
                             add=True)
        for b in range(4):
            pltpu.make_async_copy(onesv, table.at[dstv.at[t * 4 + b]],
                                  ssem).wait()
        return carry

    lax.fori_loop(0, CH // 4, body, 0)
    plsc.subcore_barrier()
    for k in range(KS):
        pltpu.sync_copy(table.at[pl.ds(base + k * 128, 128)],
                        out.at[c, pl.ds(base + k * 128, 128)])


_deg = pl.kernel(
    _deg_body,
    mesh=_mesh,
    out_type=jax.ShapeDtypeStruct((NC, TBL, D), jnp.float32),
    scratch_types=[
        pltpu.VMEM((CH, 128), jnp.int32),
        pltpu.VMEM((128, D), jnp.float32),
        pltpu.VMEM_SHARED((TBL, D), jnp.float32),
        pltpu.SemaphoreType.DMA,
    ],
)


def _layer_body(mp, src3, dst3, zeros128, out, srcv, dstv, rowsA, rowsB,
                table, gsemA, gsemB, ssemA, ssemB):
    c = lax.axis_index("c")
    s = lax.axis_index("s")
    wid = c * NS + s
    base = s * STRIPE
    for k in range(KS):
        pltpu.sync_copy(zeros128, table.at[pl.ds(base + k * 128, 128)])
    def fire_gather(j, rows, gsem):
        pltpu.async_copy(mp.at[srcv.at[j]], rows, gsem)

    def drain_gather(j, rows, gsem):
        pltpu.make_async_copy(mp.at[srcv.at[j]], rows, gsem).wait()

    def fire_scatter(j, rows, ssem):
        pltpu.async_copy(rows, table.at[dstv.at[j]], ssem, add=True)

    def drain_scatter(j, rows, ssem):
        pltpu.make_async_copy(rows, table.at[dstv.at[j]], ssem).wait()

    plsc.subcore_barrier()

    cb = lax.select(c == 0, s * C0, NS * C0 + s * C1)
    ng = lax.select(c == 0, C0 // GS, C1 // GS)

    def group(g, carry0):
        off = pl.multiple_of(cb + g * GS, 8)
        pltpu.sync_copy(src3.at[pl.ds(off, GS)], srcv)
        pltpu.sync_copy(dst3.at[pl.ds(off, GS)], dstv)
        fire_gather(0, rowsA, gsemA)

        def body(t, carry):
            jA = 2 * t
            jB = 2 * t + 1
            drain_gather(jA, rowsA, gsemA)
            fire_gather(jB, rowsB, gsemB)
            fire_scatter(jA, rowsA, ssemA)
            drain_scatter(jA, rowsA, ssemA)
            drain_gather(jB, rowsB, gsemB)

            @pl.when(t < GS // 2 - 1)
            def _():
                fire_gather(jA + 2, rowsA, gsemA)

            fire_scatter(jB, rowsB, ssemB)
            drain_scatter(jB, rowsB, ssemB)
            return carry

        lax.fori_loop(0, GS // 2, body, 0)
        return carry0

    lax.fori_loop(0, ng, group, 0)
    plsc.subcore_barrier()
    for k in range(KS):
        pltpu.sync_copy(table.at[pl.ds(base + k * 128, 128)],
                        out.at[c, pl.ds(base + k * 128, 128)])


_layer = pl.kernel(
    _layer_body,
    mesh=_mesh,
    out_type=jax.ShapeDtypeStruct((NC, TBL, D), jnp.float32),
    scratch_types=[
        pltpu.VMEM((GS, 128), jnp.int32),
        pltpu.VMEM((GS, 128), jnp.int32),
        pltpu.VMEM((128, D), jnp.float32),
        pltpu.VMEM((128, D), jnp.float32),
        pltpu.VMEM_SHARED((TBL, D), jnp.float32),
        pltpu.SemaphoreType.DMA,
        pltpu.SemaphoreType.DMA,
        pltpu.SemaphoreType.DMA,
        pltpu.SemaphoreType.DMA,
    ],
)



def _enc_body(x_ref, we_ref, be_ref, wg_ref, out_ref):
    h = jnp.maximum(
        jnp.dot(x_ref[...], we_ref[...], preferred_element_type=jnp.float32)
        + be_ref[...], 0.0)
    out_ref[...] = jnp.dot(h, wg_ref[...], preferred_element_type=jnp.float32)


_enc = pl.pallas_call(
    _enc_body,
    grid=(G,),
    in_specs=[
        pl.BlockSpec((BM, D), lambda i: (i, 0)),
        pl.BlockSpec((D, D), lambda i: (0, 0)),
        pl.BlockSpec((1, D), lambda i: (0, 0)),
        pl.BlockSpec((D, D), lambda i: (0, 0)),
    ],
    out_specs=pl.BlockSpec((BM, D), lambda i: (i, 0)),
    out_shape=jax.ShapeDtypeStruct((N, D), jnp.float32),
)


def _scale_body(hm_ref, cnt_ref, mp_ref, dis_ref):
    deg = 1.0 + cnt_ref[0, :, 0:1] + cnt_ref[1, :, 0:1]
    dis = lax.rsqrt(deg)
    dis_ref[...] = jnp.broadcast_to(dis, (BM, D))
    mp_ref[...] = hm_ref[...] * dis


_scale = pl.pallas_call(
    _scale_body,
    grid=(G,),
    in_specs=[
        pl.BlockSpec((BM, D), lambda i: (i, 0)),
        pl.BlockSpec((NC, BM, D), lambda i: (0, i, 0)),
    ],
    out_specs=[
        pl.BlockSpec((BM, D), lambda i: (i, 0)),
        pl.BlockSpec((BM, D), lambda i: (i, 0)),
    ],
    out_shape=[
        jax.ShapeDtypeStruct((N, D), jnp.float32),
        jax.ShapeDtypeStruct((N, D), jnp.float32),
    ],
)


def _combine_body(parts_ref, mp_ref, dis_ref, b_ref, w_ref, out_ref):
    dis = dis_ref[...]
    q = parts_ref[0] + parts_ref[1] + mp_ref[...]
    h = jnp.maximum(dis * q + b_ref[...], 0.0)
    out_ref[...] = jnp.dot(
        h, w_ref[...], preferred_element_type=jnp.float32) * dis


_combine = pl.pallas_call(
    _combine_body,
    grid=(G,),
    in_specs=[
        pl.BlockSpec((NC, BM, D), lambda i: (0, i, 0)),
        pl.BlockSpec((BM, D), lambda i: (i, 0)),
        pl.BlockSpec((BM, D), lambda i: (i, 0)),
        pl.BlockSpec((1, D), lambda i: (0, 0)),
        pl.BlockSpec((D, D), lambda i: (0, 0)),
    ],
    out_specs=pl.BlockSpec((BM, D), lambda i: (i, 0)),
    out_shape=jax.ShapeDtypeStruct((N, D), jnp.float32),
)


def _final_body(parts_ref, mp_ref, dis_ref, b_ref, wp1_ref, bp1_ref,
                wp2_ref, bp2_ref, out_ref, acc_ref):
    i = pl.program_id(0)

    @pl.when(i == 0)
    def _():
        acc_ref[...] = jnp.zeros_like(acc_ref)

    h = jnp.maximum(
        dis_ref[...] * (parts_ref[0] + parts_ref[1] + mp_ref[...])
        + b_ref[...], 0.0)
    acc_ref[...] += jnp.sum(h, axis=0, keepdims=True)

    @pl.when(i == G - 1)
    def _():
        g = acc_ref[...] * (1.0 / N)
        z = jnp.maximum(
            jnp.dot(g, wp1_ref[...], preferred_element_type=jnp.float32)
            + bp1_ref[...], 0.0)
        out_ref[...] = jnp.dot(
            z, wp2_ref[...], preferred_element_type=jnp.float32) + bp2_ref[...]


_final = pl.pallas_call(
    _final_body,
    grid=(G,),
    in_specs=[
        pl.BlockSpec((NC, BM, D), lambda i: (0, i, 0)),
        pl.BlockSpec((BM, D), lambda i: (i, 0)),
        pl.BlockSpec((BM, D), lambda i: (i, 0)),
        pl.BlockSpec((1, D), lambda i: (0, 0)),
        pl.BlockSpec((D, D // 2), lambda i: (0, 0)),
        pl.BlockSpec((1, D // 2), lambda i: (0, 0)),
        pl.BlockSpec((D // 2, D), lambda i: (0, 0)),
        pl.BlockSpec((1, D), lambda i: (0, 0)),
    ],
    out_specs=pl.BlockSpec((1, D), lambda i: (0, 0)),
    out_shape=jax.ShapeDtypeStruct((1, D), jnp.float32),
    scratch_shapes=[pltpu.VMEM((1, D), jnp.float32)],
)


def kernel(x, edge_index, W_enc, b_enc, W_g0, b_g0, W_g1, b_g1, W_g2, b_g2,
           W_p1, b_p1, W_p2, b_p2):
    src = edge_index[0]
    dst = edge_index[1]
    pad = EPAD - E
    src3 = jnp.concatenate(
        [src, jnp.zeros((pad,), jnp.int32)]).reshape(TCH, 128)
    pad_dst = DUMMY + jnp.arange(pad, dtype=jnp.int32) % (TBL - N)
    dst3 = jnp.concatenate([dst, pad_dst]).reshape(TCH, 128)
    ones128 = jnp.ones((128, D), jnp.float32)
    zeros128 = jnp.zeros((128, D), jnp.float32)

    counts = _deg(dst3, ones128, zeros128)
    h0m = _enc(x, W_enc, b_enc.reshape(1, D), W_g0)
    mp, disb = _scale(h0m, counts)
    parts = _layer(mp, src3, dst3, zeros128)
    mp = _combine(parts, mp, disb, b_g0.reshape(1, D), W_g1)
    parts = _layer(mp, src3, dst3, zeros128)
    mp = _combine(parts, mp, disb, b_g1.reshape(1, D), W_g2)
    parts = _layer(mp, src3, dst3, zeros128)
    out = _final(parts, mp, disb, b_g2.reshape(1, D), W_p1,
                 b_p1.reshape(1, D // 2), W_p2, b_p2.reshape(1, D))
    return out.reshape(D)

# --- scband reference (transcript-rebuilt; emitter-appended) ---
"""Pipeline reference for scband-astro-survey-gnn-68633577390196 (READ-ONLY COPY).

The authoritative reference and input builder live on the scoring server;
editing this copy changes nothing except your own understanding.
"""

import jax, jax.numpy as jnp
import numpy as np

N = 10000
E = 320000
D_FEAT = 128
HID = 128
OUT = 128
NUM_LAYERS = 3


def setup_inputs(seed: int = 0) -> dict:
    key = jax.random.key(seed)
    ks = jax.random.split(key, 20)
    x = jax.random.normal(ks[0], (N, D_FEAT), dtype=jnp.float32)
    edge_index = jax.random.randint(ks[1], (2, E), 0, N, dtype=jnp.int32)
    s = 1.0 / np.sqrt(HID)
    inp = {
        'x': x,
        'edge_index': edge_index,
        'W_enc': jax.random.normal(ks[2], (D_FEAT, HID), dtype=jnp.float32) * s,
        'b_enc': jnp.zeros((HID,), dtype=jnp.float32),
        'W_g0': jax.random.normal(ks[3], (HID, HID), dtype=jnp.float32) * s,
        'b_g0': jnp.zeros((HID,), dtype=jnp.float32),
        'W_g1': jax.random.normal(ks[4], (HID, HID), dtype=jnp.float32) * s,
        'b_g1': jnp.zeros((HID,), dtype=jnp.float32),
        'W_g2': jax.random.normal(ks[5], (HID, HID), dtype=jnp.float32) * s,
        'b_g2': jnp.zeros((HID,), dtype=jnp.float32),
        'W_p1': jax.random.normal(ks[6], (HID, HID // 2), dtype=jnp.float32) * s,
        'b_p1': jnp.zeros((HID // 2,), dtype=jnp.float32),
        'W_p2': jax.random.normal(ks[7], (HID // 2, OUT), dtype=jnp.float32) * (1.0 / np.sqrt(HID // 2)),
        'b_p2': jnp.zeros((OUT,), dtype=jnp.float32),
    }
    return inp


def _gcn_layer(h, W, b, src, dst, norm):
    m = h @ W
    msg = m[src] * norm[:, None]
    agg = jax.ops.segment_sum(msg, dst, num_segments=N)
    return agg + b


def reference(x, edge_index, W_enc, b_enc, W_g0, b_g0, W_g1, b_g1, W_g2, b_g2, W_p1, b_p1, W_p2, b_p2):
    # survey encoder: project raw survey features to hidden dim
    h = x @ W_enc + b_enc
    h = jax.nn.relu(h)
    # add self-loops (GCNConv convention)
    loops = jnp.arange(N, dtype=edge_index.dtype)
    src = jnp.concatenate([edge_index[0], loops])
    dst = jnp.concatenate([edge_index[1], loops])
    deg = jax.ops.segment_sum(jnp.ones_like(dst, dtype=jnp.float32), dst, num_segments=N)
    deg_inv_sqrt = jnp.where(deg > 0, 1.0 / jnp.sqrt(deg), 0.0)
    norm = deg_inv_sqrt[src] * deg_inv_sqrt[dst]
    for (W, b) in ((W_g0, b_g0), (W_g1, b_g1), (W_g2, b_g2)):
        h = _gcn_layer(h, W, b, src, dst, norm)
        h = jax.nn.relu(h)  # dropout is identity in eval mode
    # global mean pooling (batch=None -> single graph)
    g = jnp.mean(h, axis=0)
    # output projection MLP
    out = jax.nn.relu(g @ W_p1 + b_p1)
    out = out @ W_p2 + b_p2
    return out

if __name__ == "__main__":
    import jax
    _d = setup_inputs()
    print(jax.jit(kernel)(*tuple(_d.values())))

</pallas_src>

<mosaic_0001>
#map = affine_map<(d0, d1) -> (0, 0)>
#map1 = affine_map<(d0, d1) -> (0, 0, 0)>
module attributes {stable_mosaic.version = 14 : i64} {
  func.func @_layer_body(%arg0: i32, %arg1: i32, %arg2: memref<10000x128xf32, #tpu.memory_space<hbm>>, %arg3: memref<2560x128xi32, #tpu.memory_space<hbm>>, %arg4: memref<2560x128xi32, #tpu.memory_space<hbm>>, %arg5: memref<128x128xf32, #tpu.memory_space<hbm>>, %arg6: memref<2x10240x128xf32, #tpu.memory_space<hbm>>, %arg7: memref<40x128xi32, #tpu.memory_space<vmem>>, %arg8: memref<40x128xi32, #tpu.memory_space<vmem>>, %arg9: memref<128x128xf32, #tpu.memory_space<vmem>>, %arg10: memref<128x128xf32, #tpu.memory_space<vmem>>, %arg11: memref<10240x128xf32, #tpu.memory_space<vmem_shared>>, %arg12: memref<!tpu.dma_semaphore, #tpu.memory_space<semaphore_mem>>, %arg13: memref<!tpu.dma_semaphore, #tpu.memory_space<semaphore_mem>>, %arg14: memref<!tpu.dma_semaphore, #tpu.memory_space<semaphore_mem>>, %arg15: memref<!tpu.dma_semaphore, #tpu.memory_space<semaphore_mem>>) attributes {dimension_semantics = [#tpu.dimension_semantics<core_parallel>, #tpu.dimension_semantics<subcore_parallel>], iteration_bounds = array<i64: 2, 16>, scalar_prefetch = 0 : i64, scratch_operands = 9 : i64, tpu.core_type = #tpu.core_type<sc_vector_subcore>, window_params = [{transform_indices = #map}, {transform_indices = #map}, {transform_indices = #map}, {transform_indices = #map}, {transform_indices = #map1}]} {
    %mul3A = arith.constant 16 : i32
    %mul3A_0 = arith.muli %arg0, %mul3A : i32
    %add3A = arith.addi %mul3A_0, %arg1 : i32
    %mul3A_1 = arith.constant 640 : i32
    %mul3A_2 = arith.muli %arg1, %mul3A_1 : i32
    %add3A_3 = arith.constant 0 : i32
    %add3A_4 = arith.addi %mul3A_2, %add3A_3 : i32
    "tpu.region"() ({
      %run_scoped3A = tpu.sem_alloc : memref<!tpu.dma_semaphore, #tpu.memory_space<semaphore_mem>>
      %dma_start3A = arith.constant 0 : i32
      %dma_start3A_55 = tpu.memref_slice %arg11[%add3A_4, %dma_start3A] : memref<10240x128xf32, #tpu.memory_space<vmem_shared>> -> memref<128x128xf32, #tpu.memory_space<vmem_shared>>
      tpu.enqueue_dma source(%arg5 : memref<128x128xf32, #tpu.memory_space<hbm>>) target(%dma_start3A_55 : memref<128x128xf32, #tpu.memory_space<vmem_shared>>) target_semaphore(%run_scoped3A : memref<!tpu.dma_semaphore, #tpu.memory_space<semaphore_mem>>)
      %dma_wait3A = arith.constant 0 : i32
      %dma_wait3A_56 = tpu.memref_slice %arg11[%add3A_4, %dma_wait3A] : memref<10240x128xf32, #tpu.memory_space<vmem_shared>> -> memref<128x128xf32, #tpu.memory_space<vmem_shared>>
      tpu.wait_dma2 semaphore(%run_scoped3A : memref<!tpu.dma_semaphore, #tpu.memory_space<semaphore_mem>>) src(%arg5 : memref<128x128xf32, #tpu.memory_space<hbm>>) dst(%dma_wait3A_56 : memref<128x128xf32, #tpu.memory_space<vmem_shared>>)
      tpu.yield
    }) : () -> ()
    %add3A_5 = arith.constant 128 : i32
    %add3A_6 = arith.addi %mul3A_2, %add3A_5 : i32
    "tpu.region"() ({
      %run_scoped3A = tpu.sem_alloc : memref<!tpu.dma_semaphore, #tpu.memory_space<semaphore_mem>>
      %dma_start3A = arith.constant 0 : i32
      %dma_start3A_55 = tpu.memref_slice %arg11[%add3A_6, %dma_start3A] : memref<10240x128xf32, #tpu.memory_space<vmem_shared>> -> memref<128x128xf32, #tpu.memory_space<vmem_shared>>
      tpu.enqueue_dma source(%arg5 : memref<128x128xf32, #tpu.memory_space<hbm>>) target(%dma_start3A_55 : memref<128x128xf32, #tpu.memory_space<vmem_shared>>) target_semaphore(%run_scoped3A : memref<!tpu.dma_semaphore, #tpu.memory_space<semaphore_mem>>)
      %dma_wait3A = arith.constant 0 : i32
      %dma_wait3A_56 = tpu.memref_slice %arg11[%add3A_6, %dma_wait3A] : memref<10240x128xf32, #tpu.memory_space<vmem_shared>> -> memref<128x128xf32, #tpu.memory_space<vmem_shared>>
      tpu.wait_dma2 semaphore(%run_scoped3A : memref<!tpu.dma_semaphore, #tpu.memory_space<semaphore_mem>>) src(%arg5 : memref<128x128xf32, #tpu.memory_space<hbm>>) dst(%dma_wait3A_56 : memref<128x128xf32, #tpu.memory_space<vmem_shared>>)
      tpu.yield
    }) : () -> ()
    %add3A_7 = arith.constant 256 : i32
    %add3A_8 = arith.addi %mul3A_2, %add3A_7 : i32
    "tpu.region"() ({
      %run_scoped3A = tpu.sem_alloc : memref<!tpu.dma_semaphore, #tpu.memory_space<semaphore_mem>>
      %dma_start3A = arith.constant 0 : i32
      %dma_start3A_55 = tpu.memref_slice %arg11[%add3A_8, %dma_start3A] : memref<10240x128xf32, #tpu.memory_space<vmem_shared>> -> memref<128x128xf32, #tpu.memory_space<vmem_shared>>
      tpu.enqueue_dma source(%arg5 : memref<128x128xf32, #tpu.memory_space<hbm>>) target(%dma_start3A_55 : memref<128x128xf32, #tpu.memory_space<vmem_shared>>) target_semaphore(%run_scoped3A : memref<!tpu.dma_semaphore, #tpu.memory_space<semaphore_mem>>)
      %dma_wait3A = arith.constant 0 : i32
      %dma_wait3A_56 = tpu.memref_slice %arg11[%add3A_8, %dma_wait3A] : memref<10240x128xf32, #tpu.memory_space<vmem_shared>> -> memref<128x128xf32, #tpu.memory_space<vmem_shared>>
      tpu.wait_dma2 semaphore(%run_scoped3A : memref<!tpu.dma_semaphore, #tpu.memory_space<semaphore_mem>>) src(%arg5 : memref<128x128xf32, #tpu.memory_space<hbm>>) dst(%dma_wait3A_56 : memref<128x128xf32, #tpu.memory_space<vmem_shared>>)
      tpu.yield
    }) : () -> ()
    %add3A_9 = arith.constant 384 : i32
    %add3A_10 = arith.addi %mul3A_2, %add3A_9 : i32
    "tpu.region"() ({
      %run_scoped3A = tpu.sem_alloc : memref<!tpu.dma_semaphore, #tpu.memory_space<semaphore_mem>>
      %dma_start3A = arith.constant 0 : i32
      %dma_start3A_55 = tpu.memref_slice %arg11[%add3A_10, %dma_start3A] : memref<10240x128xf32, #tpu.memory_space<vmem_shared>> -> memref<128x128xf32, #tpu.memory_space<vmem_shared>>
      tpu.enqueue_dma source(%arg5 : memref<128x128xf32, #tpu.memory_space<hbm>>) target(%dma_start3A_55 : memref<128x128xf32, #tpu.memory_space<vmem_shared>>) target_semaphore(%run_scoped3A : memref<!tpu.dma_semaphore, #tpu.memory_space<semaphore_mem>>)
      %dma_wait3A = arith.constant 0 : i32
      %dma_wait3A_56 = tpu.memref_slice %arg11[%add3A_10, %dma_wait3A] : memref<10240x128xf32, #tpu.memory_space<vmem_shared>> -> memref<128x128xf32, #tpu.memory_space<vmem_shared>>
      tpu.wait_dma2 semaphore(%run_scoped3A : memref<!tpu.dma_semaphore, #tpu.memory_space<semaphore_mem>>) src(%arg5 : memref<128x128xf32, #tpu.memory_space<hbm>>) dst(%dma_wait3A_56 : memref<128x128xf32, #tpu.memory_space<vmem_shared>>)
      tpu.yield
    }) : () -> ()
    %add3A_11 = arith.constant 512 : i32
    %add3A_12 = arith.addi %mul3A_2, %add3A_11 : i32
    "tpu.region"() ({
      %run_scoped3A = tpu.sem_alloc : memref<!tpu.dma_semaphore, #tpu.memory_space<semaphore_mem>>
      %dma_start3A = arith.constant 0 : i32
      %dma_start3A_55 = tpu.memref_slice %arg11[%add3A_12, %dma_start3A] : memref<10240x128xf32, #tpu.memory_space<vmem_shared>> -> memref<128x128xf32, #tpu.memory_space<vmem_shared>>
      tpu.enqueue_dma source(%arg5 : memref<128x128xf32, #tpu.memory_space<hbm>>) target(%dma_start3A_55 : memref<128x128xf32, #tpu.memory_space<vmem_shared>>) target_semaphore(%run_scoped3A : memref<!tpu.dma_semaphore, #tpu.memory_space<semaphore_mem>>)
      %dma_wait3A = arith.constant 0 : i32
      %dma_wait3A_56 = tpu.memref_slice %arg11[%add3A_12, %dma_wait3A] : memref<10240x128xf32, #tpu.memory_space<vmem_shared>> -> memref<128x128xf32, #tpu.memory_space<vmem_shared>>
      tpu.wait_dma2 semaphore(%run_scoped3A : memref<!tpu.dma_semaphore, #tpu.memory_space<semaphore_mem>>) src(%arg5 : memref<128x128xf32, #tpu.memory_space<hbm>>) dst(%dma_wait3A_56 : memref<128x128xf32, #tpu.memory_space<vmem_shared>>)
      tpu.yield
    }) : () -> ()
    %barrier3A = arith.constant 0 : index
    tpu.barrier barrier_id(%barrier3A)
    %eq3A = arith.constant 0 : i32
    %eq3A_13 = arith.cmpi eq, %arg0, %eq3A : i32
    %mul3A_14 = arith.constant 160 : i32
    %mul3A_15 = arith.muli %arg1, %mul3A_14 : i32
    %mul3A_16 = arith.constant 0 : i32
    %mul3A_17 = arith.muli %arg1, %mul3A_16 : i32
    %add3A_18 = arith.constant 2560 : i32
    %add3A_19 = arith.addi %add3A_18, %mul3A_17 : i32
    %select_n3A = arith.select %eq3A_13, %mul3A_15, %add3A_19 : i32
    %eq3A_20 = arith.constant 0 : i32
    %eq3A_21 = arith.cmpi eq, %arg0, %eq3A_20 : i32
    %select_n3A_22 = arith.constant 0 : i32
    %select_n3A_23 = arith.constant 4 : i32
    %select_n3A_24 = arith.select %eq3A_21, %select_n3A_23, %select_n3A_22 : i32
    %while3A = arith.constant 0 : i32
    %while3A_25 = arith.constant 0 : i32
    %while3A_26 = arith.subi %select_n3A_24, %while3A_25 : i32
    %while3A_27 = arith.addi %while3A_25, %while3A_26 : i32
    %while3A_28 = arith.constant 1 : i32
    %while3A_29 = arith.divsi %while3A_26, %while3A_28 : i32
    %while3A_30 = arith.muli %while3A_29, %while3A_28 : i32
    %while3A_31 = arith.addi %while3A_25, %while3A_30 : i32
    %while3A_32 = arith.constant 1 : i32
    scf.for %while3A_55 = %while3A_25 to %while3A_31 step %while3A_32  : i32 {
      %mul3A_56 = arith.constant 40 : i32
      %mul3A_57 = arith.muli %while3A_55, %mul3A_56 : i32
      %add3A_58 = arith.addi %select_n3A, %mul3A_57 : i32
      %multiple_of3A = tpu.assume_multiple %add3A_58, 8 : i32
      "tpu.region"() ({
        %run_scoped3A = tpu.sem_alloc : memref<!tpu.dma_semaphore, #tpu.memory_space<semaphore_mem>>
        %dma_start3A_70 = arith.constant 0 : i32
        %dma_start3A_71 = tpu.memref_slice %arg3[%multiple_of3A, %dma_start3A_70] : memref<2560x128xi32, #tpu.memory_space<hbm>> -> memref<40x128xi32, #tpu.memory_space<hbm>>
        %dma_start3A_72 = arith.constant 0 : i32
        %dma_start3A_73 = tpu.memref_slice %arg3[%multiple_of3A, %dma_start3A_72] : memref<2560x128xi32, #tpu.memory_space<hbm>> -> memref<40x128xi32, #tpu.memory_space<hbm>>
        tpu.enqueue_dma source(%dma_start3A_73 : memref<40x128xi32, #tpu.memory_space<hbm>>) target(%arg7 : memref<40x128xi32, #tpu.memory_space<vmem>>) target_semaphore(%run_scoped3A : memref<!tpu.dma_semaphore, #tpu.memory_space<semaphore_mem>>)
        %dma_wait3A = arith.constant 0 : i32
        %dma_wait3A_74 = tpu.memref_slice %arg3[%multiple_of3A, %dma_wait3A] : memref<2560x128xi32, #tpu.memory_space<hbm>> -> memref<40x128xi32, #tpu.memory_space<hbm>>
        %dma_wait3A_75 = arith.constant 0 : i32
        %dma_wait3A_76 = tpu.memref_slice %arg3[%multiple_of3A, %dma_wait3A_75] : memref<2560x128xi32, #tpu.memory_space<hbm>> -> memref<40x128xi32, #tpu.memory_space<hbm>>
        tpu.wait_dma2 semaphore(%run_scoped3A : memref<!tpu.dma_semaphore, #tpu.memory_space<semaphore_mem>>) src(%dma_wait3A_76 : memref<40x128xi32, #tpu.memory_space<hbm>>) dst(%arg7 : memref<40x128xi32, #tpu.memory_space<vmem>>)
        tpu.yield
      }) : () -> ()
      "tpu.region"() ({
        %run_scoped3A = tpu.sem_alloc : memref<!tpu.dma_semaphore, #tpu.memory_space<semaphore_mem>>
        %dma_start3A_70 = arith.constant 0 : i32
        %dma_start3A_71 = tpu.memref_slice %arg4[%multiple_of3A, %dma_start3A_70] : memref<2560x128xi32, #tpu.memory_space<hbm>> -> memref<40x128xi32, #tpu.memory_space<hbm>>
        %dma_start3A_72 = arith.constant 0 : i32
        %dma_start3A_73 = tpu.memref_slice %arg4[%multiple_of3A, %dma_start3A_72] : memref<2560x128xi32, #tpu.memory_space<hbm>> -> memref<40x128xi32, #tpu.memory_space<hbm>>
        tpu.enqueue_dma source(%dma_start3A_73 : memref<40x128xi32, #tpu.memory_space<hbm>>) target(%arg8 : memref<40x128xi32, #tpu.memory_space<vmem>>) target_semaphore(%run_scoped3A : memref<!tpu.dma_semaphore, #tpu.memory_space<semaphore_mem>>)
        %dma_wait3A = arith.constant 0 : i32
        %dma_wait3A_74 = tpu.memref_slice %arg4[%multiple_of3A, %dma_wait3A] : memref<2560x128xi32, #tpu.memory_space<hbm>> -> memref<40x128xi32, #tpu.memory_space<hbm>>
        %dma_wait3A_75 = arith.constant 0 : i32
        %dma_wait3A_76 = tpu.memref_slice %arg4[%multiple_of3A, %dma_wait3A_75] : memref<2560x128xi32, #tpu.memory_space<hbm>> -> memref<40x128xi32, #tpu.memory_space<hbm>>
        tpu.wait_dma2 semaphore(%run_scoped3A : memref<!tpu.dma_semaphore, #tpu.memory_space<semaphore_mem>>) src(%dma_wait3A_76 : memref<40x128xi32, #tpu.memory_space<hbm>>) dst(%arg8 : memref<40x128xi32, #tpu.memory_space<vmem>>)
        tpu.yield
      }) : () -> ()
      %dma_start3A = arith.constant 0 : i32
      %dma_start3A_59 = arith.constant 0 : i32
      %dma_start3A_60 = tpu.memref_slice %arg7[%dma_start3A, %dma_start3A_59] : memref<40x128xi32, #tpu.memory_space<vmem>> -> memref<1x128xi32, #tpu.memory_space<vmem>>
      %dma_start3A_61 = tpu.memref_squeeze %dma_start3A_60 : memref<1x128xi32, #tpu.memory_space<vmem>> -> memref<128xi32, #tpu.memory_space<vmem>>
      %dma_start3A_62 = arith.constant 0 : i32
      %dma_start3A_63 = arith.constant 0 : i32
      %dma_start3A_64 = tpu.memref_slice %arg2[%dma_start3A_62, %dma_start3A_63] : memref<10000x128xf32, #tpu.memory_space<hbm>> -> memref<10000x128xf32, #tpu.memory_space<hbm>>
      tpu.enqueue_indirect_dma source(%dma_start3A_64 : memref<10000x128xf32, #tpu.memory_space<hbm>>) target(%arg9 : memref<128x128xf32, #tpu.memory_space<vmem>>) offsets(%dma_start3A_61 : memref<128xi32, #tpu.memory_space<vmem>>) semaphore(%arg12 : memref<!tpu.dma_semaphore, #tpu.memory_space<semaphore_mem>>)
      %scan3A = arith.constant 0 : i32
      %scan3A_65 = arith.constant 0 : i32
      %scan3A_66 = arith.constant 20 : i32
      %scan3A_67 = arith.addi %scan3A_65, %scan3A_66 : i32
      %scan3A_68 = arith.constant 1 : i32
      scf.for %scan3A_70 = %scan3A_65 to %scan3A_67 step %scan3A_68  : i32 {
        %mul3A_71 = arith.constant 2 : i32
        %mul3A_72 = arith.muli %mul3A_71, %scan3A_70 : i32
        %mul3A_73 = arith.constant 2 : i32
        %mul3A_74 = arith.muli %mul3A_73, %scan3A_70 : i32
        %add3A_75 = arith.constant 1 : i32
        %add3A_76 = arith.addi %mul3A_74, %add3A_75 : i32
        %dma_wait3A = arith.constant 0 : i32
        %dma_wait3A_77 = tpu.memref_slice %arg7[%mul3A_72, %dma_wait3A] : memref<40x128xi32, #tpu.memory_space<vmem>> -> memref<1x128xi32, #tpu.memory_space<vmem>>
        %dma_wait3A_78 = tpu.memref_squeeze %dma_wait3A_77 : memref<1x128xi32, #tpu.memory_space<vmem>> -> memref<128xi32, #tpu.memory_space<vmem>>
        %dma_wait3A_79 = arith.constant 0 : i32
        %dma_wait3A_80 = arith.constant 0 : i32
        %dma_wait3A_81 = tpu.memref_slice %arg2[%dma_wait3A_79, %dma_wait3A_80] : memref<10000x128xf32, #tpu.memory_space<hbm>> -> memref<10000x128xf32, #tpu.memory_space<hbm>>
        tpu.wait_indirect_dma semaphore(%arg12 : memref<!tpu.dma_semaphore, #tpu.memory_space<semaphore_mem>>) src(%dma_wait3A_81 : memref<10000x128xf32, #tpu.memory_space<hbm>>) dst(%arg9 : memref<128x128xf32, #tpu.memory_space<vmem>>)
        %dma_start3A_82 = arith.constant 0 : i32
        %dma_start3A_83 = tpu.memref_slice %arg7[%add3A_76, %dma_start3A_82] : memref<40x128xi32, #tpu.memory_space<vmem>> -> memref<1x128xi32, #tpu.memory_space<vmem>>
        %dma_start3A_84 = tpu.memref_squeeze %dma_start3A_83 : memref<1x128xi32, #tpu.memory_space<vmem>> -> memref<128xi32, #tpu.memory_space<vmem>>
        %dma_start3A_85 = arith.constant 0 : i32
        %dma_start3A_86 = arith.constant 0 : i32
        %dma_start3A_87 = tpu.memref_slice %arg2[%dma_start3A_85, %dma_start3A_86] : memref<10000x128xf32, #tpu.memory_space<hbm>> -> memref<10000x128xf32, #tpu.memory_space<hbm>>
        tpu.enqueue_indirect_dma source(%dma_start3A_87 : memref<10000x128xf32, #tpu.memory_space<hbm>>) target(%arg10 : memref<128x128xf32, #tpu.memory_space<vmem>>) offsets(%dma_start3A_84 : memref<128xi32, #tpu.memory_space<vmem>>) semaphore(%arg13 : memref<!tpu.dma_semaphore, #tpu.memory_space<semaphore_mem>>)
        %dma_start3A_88 = arith.constant 0 : i32
        %dma_start3A_89 = tpu.memref_slice %arg8[%mul3A_72, %dma_start3A_88] : memref<40x128xi32, #tpu.memory_space<vmem>> -> memref<1x128xi32, #tpu.memory_space<vmem>>
        %dma_start3A_90 = tpu.memref_squeeze %dma_start3A_89 : memref<1x128xi32, #tpu.memory_space<vmem>> -> memref<128xi32, #tpu.memory_space<vmem>>
        %dma_start3A_91 = arith.constant 0 : i32
        %dma_start3A_92 = arith.constant 0 : i32
        %dma_start3A_93 = tpu.memref_slice %arg11[%dma_start3A_91, %dma_start3A_92] : memref<10240x128xf32, #tpu.memory_space<vmem_shared>> -> memref<10240x128xf32, #tpu.memory_space<vmem_shared>>
        tpu.enqueue_indirect_dma source(%arg9 : memref<128x128xf32, #tpu.memory_space<vmem>>) target(%dma_start3A_93 : memref<10240x128xf32, #tpu.memory_space<vmem_shared>>) offsets(%dma_start3A_90 : memref<128xi32, #tpu.memory_space<vmem>>) semaphore(%arg14 : memref<!tpu.dma_semaphore, #tpu.memory_space<semaphore_mem>>) {add = true}
        %dma_wait3A_94 = arith.constant 0 : i32
        %dma_wait3A_95 = tpu.memref_slice %arg8[%mul3A_72, %dma_wait3A_94] : memref<40x128xi32, #tpu.memory_space<vmem>> -> memref<1x128xi32, #tpu.memory_space<vmem>>
        %dma_wait3A_96 = tpu.memref_squeeze %dma_wait3A_95 : memref<1x128xi32, #tpu.memory_space<vmem>> -> memref<128xi32, #tpu.memory_space<vmem>>
        %dma_wait3A_97 = arith.constant 0 : i32
        %dma_wait3A_98 = arith.constant 0 : i32
        %dma_wait3A_99 = tpu.memref_slice %arg11[%dma_wait3A_97, %dma_wait3A_98] : memref<10240x128xf32, #tpu.memory_space<vmem_shared>> -> memref<10240x128xf32, #tpu.memory_space<vmem_shared>>
        tpu.wait_indirect_dma semaphore(%arg14 : memref<!tpu.dma_semaphore, #tpu.memory_space<semaphore_mem>>) src(%arg9 : memref<128x128xf32, #tpu.memory_space<vmem>>) dst(%dma_wait3A_99 : memref<10240x128xf32, #tpu.memory_space<vmem_shared>>)
        %dma_wait3A_100 = arith.constant 0 : i32
        %dma_wait3A_101 = tpu.memref_slice %arg7[%add3A_76, %dma_wait3A_100] : memref<40x128xi32, #tpu.memory_space<vmem>> -> memref<1x128xi32, #tpu.memory_space<vmem>>
        %dma_wait3A_102 = tpu.memref_squeeze %dma_wait3A_101 : memref<1x128xi32, #tpu.memory_space<vmem>> -> memref<128xi32, #tpu.memory_space<vmem>>
        %dma_wait3A_103 = arith.constant 0 : i32
        %dma_wait3A_104 = arith.constant 0 : i32
        %dma_wait3A_105 = tpu.memref_slice %arg2[%dma_wait3A_103, %dma_wait3A_104] : memref<10000x128xf32, #tpu.memory_space<hbm>> -> memref<10000x128xf32, #tpu.memory_space<hbm>>
        tpu.wait_indirect_dma semaphore(%arg13 : memref<!tpu.dma_semaphore, #tpu.memory_space<semaphore_mem>>) src(%dma_wait3A_105 : memref<10000x128xf32, #tpu.memory_space<hbm>>) dst(%arg10 : memref<128x128xf32, #tpu.memory_space<vmem>>)
        %lt3A = arith.constant 19 : i32
        %lt3A_106 = arith.cmpi slt, %scan3A_70, %lt3A : i32
        %convert_element_type3A = arith.extui %lt3A_106 : i1 to i32
        %cond3A = arith.constant 0 : i32
        %cond3A_107 = arith.cmpi ne, %convert_element_type3A, %cond3A : i32
        scf.if %cond3A_107 {
          %add3A_120 = arith.constant 2 : i32
          %add3A_121 = arith.addi %mul3A_72, %add3A_120 : i32
          %dma_start3A_122 = arith.constant 0 : i32
          %dma_start3A_123 = tpu.memref_slice %arg7[%add3A_121, %dma_start3A_122] : memref<40x128xi32, #tpu.memory_space<vmem>> -> memref<1x128xi32, #tpu.memory_space<vmem>>
          %dma_start3A_124 = tpu.memref_squeeze %dma_start3A_123 : memref<1x128xi32, #tpu.memory_space<vmem>> -> memref<128xi32, #tpu.memory_space<vmem>>
          %dma_start3A_125 = arith.constant 0 : i32
          %dma_start3A_126 = arith.constant 0 : i32
          %dma_start3A_127 = tpu.memref_slice %arg2[%dma_start3A_125, %dma_start3A_126] : memref<10000x128xf32, #tpu.memory_space<hbm>> -> memref<10000x128xf32, #tpu.memory_space<hbm>>
          tpu.enqueue_indirect_dma source(%dma_start3A_127 : memref<10000x128xf32, #tpu.memory_space<hbm>>) target(%arg9 : memref<128x128xf32, #tpu.memory_space<vmem>>) offsets(%dma_start3A_124 : memref<128xi32, #tpu.memory_space<vmem>>) semaphore(%arg12 : memref<!tpu.dma_semaphore, #tpu.memory_space<semaphore_mem>>)
        } else {
        }
        %dma_start3A_108 = arith.constant 0 : i32
        %dma_start3A_109 = tpu.memref_slice %arg8[%add3A_76, %dma_start3A_108] : memref<40x128xi32, #tpu.memory_space<vmem>> -> memref<1x128xi32, #tpu.memory_space<vmem>>
        %dma_start3A_110 = tpu.memref_squeeze %dma_start3A_109 : memref<1x128xi32, #tpu.memory_space<vmem>> -> memref<128xi32, #tpu.memory_space<vmem>>
        %dma_start3A_111 = arith.constant 0 : i32
        %dma_start3A_112 = arith.constant 0 : i32
        %dma_start3A_113 = tpu.memref_slice %arg11[%dma_start3A_111, %dma_start3A_112] : memref<10240x128xf32, #tpu.memory_space<vmem_shared>> -> memref<10240x128xf32, #tpu.memory_space<vmem_shared>>
        tpu.enqueue_indirect_dma source(%arg10 : memref<128x128xf32, #tpu.memory_space<vmem>>) target(%dma_start3A_113 : memref<10240x128xf32, #tpu.memory_space<vmem_shared>>) offsets(%dma_start3A_110 : memref<128xi32, #tpu.memory_space<vmem>>) semaphore(%arg15 : memref<!tpu.dma_semaphore, #tpu.memory_space<semaphore_mem>>) {add = true}
        %dma_wait3A_114 = arith.constant 0 : i32
        %dma_wait3A_115 = tpu.memref_slice %arg8[%add3A_76, %dma_wait3A_114] : memref<40x128xi32, #tpu.memory_space<vmem>> -> memref<1x128xi32, #tpu.memory_space<vmem>>
        %dma_wait3A_116 = tpu.memref_squeeze %dma_wait3A_115 : memref<1x128xi32, #tpu.memory_space<vmem>> -> memref<128xi32, #tpu.memory_space<vmem>>
        %dma_wait3A_117 = arith.constant 0 : i32
        %dma_wait3A_118 = arith.constant 0 : i32
        %dma_wait3A_119 = tpu.memref_slice %arg11[%dma_wait3A_117, %dma_wait3A_118] : memref<10240x128xf32, #tpu.memory_space<vmem_shared>> -> memref<10240x128xf32, #tpu.memory_space<vmem_shared>>
        tpu.wait_indirect_dma semaphore(%arg15 : memref<!tpu.dma_semaphore, #tpu.memory_space<semaphore_mem>>) src(%arg10 : memref<128x128xf32, #tpu.memory_space<vmem>>) dst(%dma_wait3A_119 : memref<10240x128xf32, #tpu.memory_space<vmem_shared>>)
      }
      %scan3A_69 = arith.constant 20 : i32
    }
    %while3A_33 = arith.constant 1 : i32
    scf.for %while3A_55 = %while3A_31 to %while3A_27 step %while3A_33  : i32 {
      %mul3A_56 = arith.constant 40 : i32
      %mul3A_57 = arith.muli %while3A_55, %mul3A_56 : i32
      %add3A_58 = arith.addi %select_n3A, %mul3A_57 : i32
      %multiple_of3A = tpu.assume_multiple %add3A_58, 8 : i32
      "tpu.region"() ({
        %run_scoped3A = tpu.sem_alloc : memref<!tpu.dma_semaphore, #tpu.memory_space<semaphore_mem>>
        %dma_start3A_70 = arith.constant 0 : i32
        %dma_start3A_71 = tpu.memref_slice %arg3[%multiple_of3A, %dma_start3A_70] : memref<2560x128xi32, #tpu.memory_space<hbm>> -> memref<40x128xi32, #tpu.memory_space<hbm>>
        %dma_start3A_72 = arith.constant 0 : i32
        %dma_start3A_73 = tpu.memref_slice %arg3[%multiple_of3A, %dma_start3A_72] : memref<2560x128xi32, #tpu.memory_space<hbm>> -> memref<40x128xi32, #tpu.memory_space<hbm>>
        tpu.enqueue_dma source(%dma_start3A_73 : memref<40x128xi32, #tpu.memory_space<hbm>>) target(%arg7 : memref<40x128xi32, #tpu.memory_space<vmem>>) target_semaphore(%run_scoped3A : memref<!tpu.dma_semaphore, #tpu.memory_space<semaphore_mem>>)
        %dma_wait3A = arith.constant 0 : i32
        %dma_wait3A_74 = tpu.memref_slice %arg3[%multiple_of3A, %dma_wait3A] : memref<2560x128xi32, #tpu.memory_space<hbm>> -> memref<40x128xi32, #tpu.memory_space<hbm>>
        %dma_wait3A_75 = arith.constant 0 : i32
        %dma_wait3A_76 = tpu.memref_slice %arg3[%multiple_of3A, %dma_wait3A_75] : memref<2560x128xi32, #tpu.memory_space<hbm>> -> memref<40x128xi32, #tpu.memory_space<hbm>>
        tpu.wait_dma2 semaphore(%run_scoped3A : memref<!tpu.dma_semaphore, #tpu.memory_space<semaphore_mem>>) src(%dma_wait3A_76 : memref<40x128xi32, #tpu.memory_space<hbm>>) dst(%arg7 : memref<40x128xi32, #tpu.memory_space<vmem>>)
        tpu.yield
      }) : () -> ()
      "tpu.region"() ({
        %run_scoped3A = tpu.sem_alloc : memref<!tpu.dma_semaphore, #tpu.memory_space<semaphore_mem>>
        %dma_start3A_70 = arith.constant 0 : i32
        %dma_start3A_71 = tpu.memref_slice %arg4[%multiple_of3A, %dma_start3A_70] : memref<2560x128xi32, #tpu.memory_space<hbm>> -> memref<40x128xi32, #tpu.memory_space<hbm>>
        %dma_start3A_72 = arith.constant 0 : i32
        %dma_start3A_73 = tpu.memref_slice %arg4[%multiple_of3A, %dma_start3A_72] : memref<2560x128xi32, #tpu.memory_space<hbm>> -> memref<40x128xi32, #tpu.memory_space<hbm>>
        tpu.enqueue_dma source(%dma_start3A_73 : memref<40x128xi32, #tpu.memory_space<hbm>>) target(%arg8 : memref<40x128xi32, #tpu.memory_space<vmem>>) target_semaphore(%run_scoped3A : memref<!tpu.dma_semaphore, #tpu.memory_space<semaphore_mem>>)
        %dma_wait3A = arith.constant 0 : i32
        %dma_wait3A_74 = tpu.memref_slice %arg4[%multiple_of3A, %dma_wait3A] : memref<2560x128xi32, #tpu.memory_space<hbm>> -> memref<40x128xi32, #tpu.memory_space<hbm>>
        %dma_wait3A_75 = arith.constant 0 : i32
        %dma_wait3A_76 = tpu.memref_slice %arg4[%multiple_of3A, %dma_wait3A_75] : memref<2560x128xi32, #tpu.memory_space<hbm>> -> memref<40x128xi32, #tpu.memory_space<hbm>>
        tpu.wait_dma2 semaphore(%run_scoped3A : memref<!tpu.dma_semaphore, #tpu.memory_space<semaphore_mem>>) src(%dma_wait3A_76 : memref<40x128xi32, #tpu.memory_space<hbm>>) dst(%arg8 : memref<40x128xi32, #tpu.memory_space<vmem>>)
        tpu.yield
      }) : () -> ()
      %dma_start3A = arith.constant 0 : i32
      %dma_start3A_59 = arith.constant 0 : i32
      %dma_start3A_60 = tpu.memref_slice %arg7[%dma_start3A, %dma_start3A_59] : memref<40x128xi32, #tpu.memory_space<vmem>> -> memref<1x128xi32, #tpu.memory_space<vmem>>
      %dma_start3A_61 = tpu.memref_squeeze %dma_start3A_60 : memref<1x128xi32, #tpu.memory_space<vmem>> -> memref<128xi32, #tpu.memory_space<vmem>>
      %dma_start3A_62 = arith.constant 0 : i32
      %dma_start3A_63 = arith.constant 0 : i32
      %dma_start3A_64 = tpu.memref_slice %arg2[%dma_start3A_62, %dma_start3A_63] : memref<10000x128xf32, #tpu.memory_space<hbm>> -> memref<10000x128xf32, #tpu.memory_space<hbm>>
      tpu.enqueue_indirect_dma source(%dma_start3A_64 : memref<10000x128xf32, #tpu.memory_space<hbm>>) target(%arg9 : memref<128x128xf32, #tpu.memory_space<vmem>>) offsets(%dma_start3A_61 : memref<128xi32, #tpu.memory_space<vmem>>) semaphore(%arg12 : memref<!tpu.dma_semaphore, #tpu.memory_space<semaphore_mem>>)
      %scan3A = arith.constant 0 : i32
      %scan3A_65 = arith.constant 0 : i32
      %scan3A_66 = arith.constant 20 : i32
      %scan3A_67 = arith.addi %scan3A_65, %scan3A_66 : i32
      %scan3A_68 = arith.constant 1 : i32
      scf.for %scan3A_70 = %scan3A_65 to %scan3A_67 step %scan3A_68  : i32 {
        %mul3A_71 = arith.constant 2 : i32
        %mul3A_72 = arith.muli %mul3A_71, %scan3A_70 : i32
        %mul3A_73 = arith.constant 2 : i32
        %mul3A_74 = arith.muli %mul3A_73, %scan3A_70 : i32
        %add3A_75 = arith.constant 1 : i32
        %add3A_76 = arith.addi %mul3A_74, %add3A_75 : i32
        %dma_wait3A = arith.constant 0 : i32
        %dma_wait3A_77 = tpu.memref_slice %arg7[%mul3A_72, %dma_wait3A] : memref<40x128xi32, #tpu.memory_space<vmem>> -> memref<1x128xi32, #tpu.memory_space<vmem>>
        %dma_wait3A_78 = tpu.memref_squeeze %dma_wait3A_77 : memref<1x128xi32, #tpu.memory_space<vmem>> -> memref<128xi32, #tpu.memory_space<vmem>>
        %dma_wait3A_79 = arith.constant 0 : i32
        %dma_wait3A_80 = arith.constant 0 : i32
        %dma_wait3A_81 = tpu.memref_slice %arg2[%dma_wait3A_79, %dma_wait3A_80] : memref<10000x128xf32, #tpu.memory_space<hbm>> -> memref<10000x128xf32, #tpu.memory_space<hbm>>
        tpu.wait_indirect_dma semaphore(%arg12 : memref<!tpu.dma_semaphore, #tpu.memory_space<semaphore_mem>>) src(%dma_wait3A_81 : memref<10000x128xf32, #tpu.memory_space<hbm>>) dst(%arg9 : memref<128x128xf32, #tpu.memory_space<vmem>>)
        %dma_start3A_82 = arith.constant 0 : i32
        %dma_start3A_83 = tpu.memref_slice %arg7[%add3A_76, %dma_start3A_82] : memref<40x128xi32, #tpu.memory_space<vmem>> -> memref<1x128xi32, #tpu.memory_space<vmem>>
        %dma_start3A_84 = tpu.memref_squeeze %dma_start3A_83 : memref<1x128xi32, #tpu.memory_space<vmem>> -> memref<128xi32, #tpu.memory_space<vmem>>
        %dma_start3A_85 = arith.constant 0 : i32
        %dma_start3A_86 = arith.constant 0 : i32
        %dma_start3A_87 = tpu.memref_slice %arg2[%dma_start3A_85, %dma_start3A_86] : memref<10000x128xf32, #tpu.memory_space<hbm>> -> memref<10000x128xf32, #tpu.memory_space<hbm>>
        tpu.enqueue_indirect_dma source(%dma_start3A_87 : memref<10000x128xf32, #tpu.memory_space<hbm>>) target(%arg10 : memref<128x128xf32, #tpu.memory_space<vmem>>) offsets(%dma_start3A_84 : memref<128xi32, #tpu.memory_space<vmem>>) semaphore(%arg13 : memref<!tpu.dma_semaphore, #tpu.memory_space<semaphore_mem>>)
        %dma_start3A_88 = arith.constant 0 : i32
        %dma_start3A_89 = tpu.memref_slice %arg8[%mul3A_72, %dma_start3A_88] : memref<40x128xi32, #tpu.memory_space<vmem>> -> memref<1x128xi32, #tpu.memory_space<vmem>>
        %dma_start3A_90 = tpu.memref_squeeze %dma_start3A_89 : memref<1x128xi32, #tpu.memory_space<vmem>> -> memref<128xi32, #tpu.memory_space<vmem>>
        %dma_start3A_91 = arith.constant 0 : i32
        %dma_start3A_92 = arith.constant 0 : i32
        %dma_start3A_93 = tpu.memref_slice %arg11[%dma_start3A_91, %dma_start3A_92] : memref<10240x128xf32, #tpu.memory_space<vmem_shared>> -> memref<10240x128xf32, #tpu.memory_space<vmem_shared>>
        tpu.enqueue_indirect_dma source(%arg9 : memref<128x128xf32, #tpu.memory_space<vmem>>) target(%dma_start3A_93 : memref<10240x128xf32, #tpu.memory_space<vmem_shared>>) offsets(%dma_start3A_90 : memref<128xi32, #tpu.memory_space<vmem>>) semaphore(%arg14 : memref<!tpu.dma_semaphore, #tpu.memory_space<semaphore_mem>>) {add = true}
        %dma_wait3A_94 = arith.constant 0 : i32
        %dma_wait3A_95 = tpu.memref_slice %arg8[%mul3A_72, %dma_wait3A_94] : memref<40x128xi32, #tpu.memory_space<vmem>> -> memref<1x128xi32, #tpu.memory_space<vmem>>
        %dma_wait3A_96 = tpu.memref_squeeze %dma_wait3A_95 : memref<1x128xi32, #tpu.memory_space<vmem>> -> memref<128xi32, #tpu.memory_space<vmem>>
        %dma_wait3A_97 = arith.constant 0 : i32
        %dma_wait3A_98 = arith.constant 0 : i32
        %dma_wait3A_99 = tpu.memref_slice %arg11[%dma_wait3A_97, %dma_wait3A_98] : memref<10240x128xf32, #tpu.memory_space<vmem_shared>> -> memref<10240x128xf32, #tpu.memory_space<vmem_shared>>
        tpu.wait_indirect_dma semaphore(%arg14 : memref<!tpu.dma_semaphore, #tpu.memory_space<semaphore_mem>>) src(%arg9 : memref<128x128xf32, #tpu.memory_space<vmem>>) dst(%dma_wait3A_99 : memref<10240x128xf32, #tpu.memory_space<vmem_shared>>)
        %dma_wait3A_100 = arith.constant 0 : i32
        %dma_wait3A_101 = tpu.memref_slice %arg7[%add3A_76, %dma_wait3A_100] : memref<40x128xi32, #tpu.memory_space<vmem>> -> memref<1x128xi32, #tpu.memory_space<vmem>>
        %dma_wait3A_102 = tpu.memref_squeeze %dma_wait3A_101 : memref<1x128xi32, #tpu.memory_space<vmem>> -> memref<128xi32, #tpu.memory_space<vmem>>
        %dma_wait3A_103 = arith.constant 0 : i32
        %dma_wait3A_104 = arith.constant 0 : i32
        %dma_wait3A_105 = tpu.memref_slice %arg2[%dma_wait3A_103, %dma_wait3A_104] : memref<10000x128xf32, #tpu.memory_space<hbm>> -> memref<10000x128xf32, #tpu.memory_space<hbm>>
        tpu.wait_indirect_dma semaphore(%arg13 : memref<!tpu.dma_semaphore, #tpu.memory_space<semaphore_mem>>) src(%dma_wait3A_105 : memref<10000x128xf32, #tpu.memory_space<hbm>>) dst(%arg10 : memref<128x128xf32, #tpu.memory_space<vmem>>)
        %lt3A = arith.constant 19 : i32
        %lt3A_106 = arith.cmpi slt, %scan3A_70, %lt3A : i32
        %convert_element_type3A = arith.extui %lt3A_106 : i1 to i32
        %cond3A = arith.constant 0 : i32
        %cond3A_107 = arith.cmpi ne, %convert_element_type3A, %cond3A : i32
        scf.if %cond3A_107 {
          %add3A_120 = arith.constant 2 : i32
          %add3A_121 = arith.addi %mul3A_72, %add3A_120 : i32
          %dma_start3A_122 = arith.constant 0 : i32
          %dma_start3A_123 = tpu.memref_slice %arg7[%add3A_121, %dma_start3A_122] : memref<40x128xi32, #tpu.memory_space<vmem>> -> memref<1x128xi32, #tpu.memory_space<vmem>>
          %dma_start3A_124 = tpu.memref_squeeze %dma_start3A_123 : memref<1x128xi32, #tpu.memory_space<vmem>> -> memref<128xi32, #tpu.memory_space<vmem>>
          %dma_start3A_125 = arith.constant 0 : i32
          %dma_start3A_126 = arith.constant 0 : i32
          %dma_start3A_127 = tpu.memref_slice %arg2[%dma_start3A_125, %dma_start3A_126] : memref<10000x128xf32, #tpu.memory_space<hbm>> -> memref<10000x128xf32, #tpu.memory_space<hbm>>
          tpu.enqueue_indirect_dma source(%dma_start3A_127 : memref<10000x128xf32, #tpu.memory_space<hbm>>) target(%arg9 : memref<128x128xf32, #tpu.memory_space<vmem>>) offsets(%dma_start3A_124 : memref<128xi32, #tpu.memory_space<vmem>>) semaphore(%arg12 : memref<!tpu.dma_semaphore, #tpu.memory_space<semaphore_mem>>)
        } else {
        }
        %dma_start3A_108 = arith.constant 0 : i32
        %dma_start3A_109 = tpu.memref_slice %arg8[%add3A_76, %dma_start3A_108] : memref<40x128xi32, #tpu.memory_space<vmem>> -> memref<1x128xi32, #tpu.memory_space<vmem>>
        %dma_start3A_110 = tpu.memref_squeeze %dma_start3A_109 : memref<1x128xi32, #tpu.memory_space<vmem>> -> memref<128xi32, #tpu.memory_space<vmem>>
        %dma_start3A_111 = arith.constant 0 : i32
        %dma_start3A_112 = arith.constant 0 : i32
        %dma_start3A_113 = tpu.memref_slice %arg11[%dma_start3A_111, %dma_start3A_112] : memref<10240x128xf32, #tpu.memory_space<vmem_shared>> -> memref<10240x128xf32, #tpu.memory_space<vmem_shared>>
        tpu.enqueue_indirect_dma source(%arg10 : memref<128x128xf32, #tpu.memory_space<vmem>>) target(%dma_start3A_113 : memref<10240x128xf32, #tpu.memory_space<vmem_shared>>) offsets(%dma_start3A_110 : memref<128xi32, #tpu.memory_space<vmem>>) semaphore(%arg15 : memref<!tpu.dma_semaphore, #tpu.memory_space<semaphore_mem>>) {add = true}
        %dma_wait3A_114 = arith.constant 0 : i32
        %dma_wait3A_115 = tpu.memref_slice %arg8[%add3A_76, %dma_wait3A_114] : memref<40x128xi32, #tpu.memory_space<vmem>> -> memref<1x128xi32, #tpu.memory_space<vmem>>
        %dma_wait3A_116 = tpu.memref_squeeze %dma_wait3A_115 : memref<1x128xi32, #tpu.memory_space<vmem>> -> memref<128xi32, #tpu.memory_space<vmem>>
        %dma_wait3A_117 = arith.constant 0 : i32
        %dma_wait3A_118 = arith.constant 0 : i32
        %dma_wait3A_119 = tpu.memref_slice %arg11[%dma_wait3A_117, %dma_wait3A_118] : memref<10240x128xf32, #tpu.memory_space<vmem_shared>> -> memref<10240x128xf32, #tpu.memory_space<vmem_shared>>
        tpu.wait_indirect_dma semaphore(%arg15 : memref<!tpu.dma_semaphore, #tpu.memory_space<semaphore_mem>>) src(%arg10 : memref<128x128xf32, #tpu.memory_space<vmem>>) dst(%dma_wait3A_119 : memref<10240x128xf32, #tpu.memory_space<vmem_shared>>)
      }
      %scan3A_69 = arith.constant 20 : i32
    }
    %barrier3A_34 = arith.constant 0 : index
    tpu.barrier barrier_id(%barrier3A_34)
    %add3A_35 = arith.constant 0 : i32
    %add3A_36 = arith.addi %mul3A_2, %add3A_35 : i32
    %add3A_37 = arith.constant 0 : i32
    %add3A_38 = arith.addi %mul3A_2, %add3A_37 : i32
    "tpu.region"() ({
      %run_scoped3A = tpu.sem_alloc : memref<!tpu.dma_semaphore, #tpu.memory_space<semaphore_mem>>
      %dma_start3A = arith.constant 0 : i32
      %dma_start3A_55 = tpu.memref_slice %arg6[%arg0, %add3A_38, %dma_start3A] : memref<2x10240x128xf32, #tpu.memory_space<hbm>> -> memref<1x128x128xf32, #tpu.memory_space<hbm>>
      %dma_start3A_56 = tpu.memref_squeeze %dma_start3A_55 : memref<1x128x128xf32, #tpu.memory_space<hbm>> -> memref<128x128xf32, #tpu.memory_space<hbm>>
      %dma_start3A_57 = arith.constant 0 : i32
      %dma_start3A_58 = tpu.memref_slice %arg11[%add3A_36, %dma_start3A_57] : memref<10240x128xf32, #tpu.memory_space<vmem_shared>> -> memref<128x128xf32, #tpu.memory_space<vmem_shared>>
      tpu.enqueue_dma source(%dma_start3A_58 : memref<128x128xf32, #tpu.memory_space<vmem_shared>>) target(%dma_start3A_56 : memref<128x128xf32, #tpu.memory_space<hbm>>) target_semaphore(%run_scoped3A : memref<!tpu.dma_semaphore, #tpu.memory_space<semaphore_mem>>)
      %dma_wait3A = arith.constant 0 : i32
      %dma_wait3A_59 = tpu.memref_slice %arg6[%arg0, %add3A_38, %dma_wait3A] : memref<2x10240x128xf32, #tpu.memory_space<hbm>> -> memref<1x128x128xf32, #tpu.memory_space<hbm>>
      %dma_wait3A_60 = tpu.memref_squeeze %dma_wait3A_59 : memref<1x128x128xf32, #tpu.memory_space<hbm>> -> memref<128x128xf32, #tpu.memory_space<hbm>>
      %dma_wait3A_61 = arith.constant 0 : i32
      %dma_wait3A_62 = tpu.memref_slice %arg11[%add3A_36, %dma_wait3A_61] : memref<10240x128xf32, #tpu.memory_space<vmem_shared>> -> memref<128x128xf32, #tpu.memory_space<vmem_shared>>
      tpu.wait_dma2 semaphore(%run_scoped3A : memref<!tpu.dma_semaphore, #tpu.memory_space<semaphore_mem>>) src(%dma_wait3A_62 : memref<128x128xf32, #tpu.memory_space<vmem_shared>>) dst(%dma_wait3A_60 : memref<128x128xf32, #tpu.memory_space<hbm>>)
      tpu.yield
    }) : () -> ()
    %add3A_39 = arith.constant 128 : i32
    %add3A_40 = arith.addi %mul3A_2, %add3A_39 : i32
    %add3A_41 = arith.constant 128 : i32
    %add3A_42 = arith.addi %mul3A_2, %add3A_41 : i32
    "tpu.region"() ({
      %run_scoped3A = tpu.sem_alloc : memref<!tpu.dma_semaphore, #tpu.memory_space<semaphore_mem>>
      %dma_start3A = arith.constant 0 : i32
      %dma_start3A_55 = tpu.memref_slice %arg6[%arg0, %add3A_42, %dma_start3A] : memref<2x10240x128xf32, #tpu.memory_space<hbm>> -> memref<1x128x128xf32, #tpu.memory_space<hbm>>
      %dma_start3A_56 = tpu.memref_squeeze %dma_start3A_55 : memref<1x128x128xf32, #tpu.memory_space<hbm>> -> memref<128x128xf32, #tpu.memory_space<hbm>>
      %dma_start3A_57 = arith.constant 0 : i32
      %dma_start3A_58 = tpu.memref_slice %arg11[%add3A_40, %dma_start3A_57] : memref<10240x128xf32, #tpu.memory_space<vmem_shared>> -> memref<128x128xf32, #tpu.memory_space<vmem_shared>>
      tpu.enqueue_dma source(%dma_start3A_58 : memref<128x128xf32, #tpu.memory_space<vmem_shared>>) target(%dma_start3A_56 : memref<128x128xf32, #tpu.memory_space<hbm>>) target_semaphore(%run_scoped3A : memref<!tpu.dma_semaphore, #tpu.memory_space<semaphore_mem>>)
      %dma_wait3A = arith.constant 0 : i32
      %dma_wait3A_59 = tpu.memref_slice %arg6[%arg0, %add3A_42, %dma_wait3A] : memref<2x10240x128xf32, #tpu.memory_space<hbm>> -> memref<1x128x128xf32, #tpu.memory_space<hbm>>
      %dma_wait3A_60 = tpu.memref_squeeze %dma_wait3A_59 : memref<1x128x128xf32, #tpu.memory_space<hbm>> -> memref<128x128xf32, #tpu.memory_space<hbm>>
      %dma_wait3A_61 = arith.constant 0 : i32
      %dma_wait3A_62 = tpu.memref_slice %arg11[%add3A_40, %dma_wait3A_61] : memref<10240x128xf32, #tpu.memory_space<vmem_shared>> -> memref<128x128xf32, #tpu.memory_space<vmem_shared>>
      tpu.wait_dma2 semaphore(%run_scoped3A : memref<!tpu.dma_semaphore, #tpu.memory_space<semaphore_mem>>) src(%dma_wait3A_62 : memref<128x128xf32, #tpu.memory_space<vmem_shared>>) dst(%dma_wait3A_60 : memref<128x128xf32, #tpu.memory_space<hbm>>)
      tpu.yield
    }) : () -> ()
    %add3A_43 = arith.constant 256 : i32
    %add3A_44 = arith.addi %mul3A_2, %add3A_43 : i32
    %add3A_45 = arith.constant 256 : i32
    %add3A_46 = arith.addi %mul3A_2, %add3A_45 : i32
    "tpu.region"() ({
      %run_scoped3A = tpu.sem_alloc : memref<!tpu.dma_semaphore, #tpu.memory_space<semaphore_mem>>
      %dma_start3A = arith.constant 0 : i32
      %dma_start3A_55 = tpu.memref_slice %arg6[%arg0, %add3A_46, %dma_start3A] : memref<2x10240x128xf32, #tpu.memory_space<hbm>> -> memref<1x128x128xf32, #tpu.memory_space<hbm>>
      %dma_start3A_56 = tpu.memref_squeeze %dma_start3A_55 : memref<1x128x128xf32, #tpu.memory_space<hbm>> -> memref<128x128xf32, #tpu.memory_space<hbm>>
      %dma_start3A_57 = arith.constant 0 : i32
      %dma_start3A_58 = tpu.memref_slice %arg11[%add3A_44, %dma_start3A_57] : memref<10240x128xf32, #tpu.memory_space<vmem_shared>> -> memref<128x128xf32, #tpu.memory_space<vmem_shared>>
      tpu.enqueue_dma source(%dma_start3A_58 : memref<128x128xf32, #tpu.memory_space<vmem_shared>>) target(%dma_start3A_56 : memref<128x128xf32, #tpu.memory_space<hbm>>) target_semaphore(%run_scoped3A : memref<!tpu.dma_semaphore, #tpu.memory_space<semaphore_mem>>)
      %dma_wait3A = arith.constant 0 : i32
      %dma_wait3A_59 = tpu.memref_slice %arg6[%arg0, %add3A_46, %dma_wait3A] : memref<2x10240x128xf32, #tpu.memory_space<hbm>> -> memref<1x128x128xf32, #tpu.memory_space<hbm>>
      %dma_wait3A_60 = tpu.memref_squeeze %dma_wait3A_59 : memref<1x128x128xf32, #tpu.memory_space<hbm>> -> memref<128x128xf32, #tpu.memory_space<hbm>>
      %dma_wait3A_61 = arith.constant 0 : i32
      %dma_wait3A_62 = tpu.memref_slice %arg11[%add3A_44, %dma_wait3A_61] : memref<10240x128xf32, #tpu.memory_space<vmem_shared>> -> memref<128x128xf32, #tpu.memory_space<vmem_shared>>
      tpu.wait_dma2 semaphore(%run_scoped3A : memref<!tpu.dma_semaphore, #tpu.memory_space<semaphore_mem>>) src(%dma_wait3A_62 : memref<128x128xf32, #tpu.memory_space<vmem_shared>>) dst(%dma_wait3A_60 : memref<128x128xf32, #tpu.memory_space<hbm>>)
      tpu.yield
    }) : () -> ()
    %add3A_47 = arith.constant 384 : i32
    %add3A_48 = arith.addi %mul3A_2, %add3A_47 : i32
    %add3A_49 = arith.constant 384 : i32
    %add3A_50 = arith.addi %mul3A_2, %add3A_49 : i32
    "tpu.region"() ({
      %run_scoped3A = tpu.sem_alloc : memref<!tpu.dma_semaphore, #tpu.memory_space<semaphore_mem>>
      %dma_start3A = arith.constant 0 : i32
      %dma_start3A_55 = tpu.memref_slice %arg6[%arg0, %add3A_50, %dma_start3A] : memref<2x10240x128xf32, #tpu.memory_space<hbm>> -> memref<1x128x128xf32, #tpu.memory_space<hbm>>
      %dma_start3A_56 = tpu.memref_squeeze %dma_start3A_55 : memref<1x128x128xf32, #tpu.memory_space<hbm>> -> memref<128x128xf32, #tpu.memory_space<hbm>>
      %dma_start3A_57 = arith.constant 0 : i32
      %dma_start3A_58 = tpu.memref_slice %arg11[%add3A_48, %dma_start3A_57] : memref<10240x128xf32, #tpu.memory_space<vmem_shared>> -> memref<128x128xf32, #tpu.memory_space<vmem_shared>>
      tpu.enqueue_dma source(%dma_start3A_58 : memref<128x128xf32, #tpu.memory_space<vmem_shared>>) target(%dma_start3A_56 : memref<128x128xf32, #tpu.memory_space<hbm>>) target_semaphore(%run_scoped3A : memref<!tpu.dma_semaphore, #tpu.memory_space<semaphore_mem>>)
      %dma_wait3A = arith.constant 0 : i32
      %dma_wait3A_59 = tpu.memref_slice %arg6[%arg0, %add3A_50, %dma_wait3A] : memref<2x10240x128xf32, #tpu.memory_space<hbm>> -> memref<1x128x128xf32, #tpu.memory_space<hbm>>
      %dma_wait3A_60 = tpu.memref_squeeze %dma_wait3A_59 : memref<1x128x128xf32, #tpu.memory_space<hbm>> -> memref<128x128xf32, #tpu.memory_space<hbm>>
      %dma_wait3A_61 = arith.constant 0 : i32
      %dma_wait3A_62 = tpu.memref_slice %arg11[%add3A_48, %dma_wait3A_61] : memref<10240x128xf32, #tpu.memory_space<vmem_shared>> -> memref<128x128xf32, #tpu.memory_space<vmem_shared>>
      tpu.wait_dma2 semaphore(%run_scoped3A : memref<!tpu.dma_semaphore, #tpu.memory_space<semaphore_mem>>) src(%dma_wait3A_62 : memref<128x128xf32, #tpu.memory_space<vmem_shared>>) dst(%dma_wait3A_60 : memref<128x128xf32, #tpu.memory_space<hbm>>)
      tpu.yield
    }) : () -> ()
    %add3A_51 = arith.constant 512 : i32
    %add3A_52 = arith.addi %mul3A_2, %add3A_51 : i32
    %add3A_53 = arith.constant 512 : i32
    %add3A_54 = arith.addi %mul3A_2, %add3A_53 : i32
    "tpu.region"() ({
      %run_scoped3A = tpu.sem_alloc : memref<!tpu.dma_semaphore, #tpu.memory_space<semaphore_mem>>
      %dma_start3A = arith.constant 0 : i32
      %dma_start3A_55 = tpu.memref_slice %arg6[%arg0, %add3A_54, %dma_start3A] : memref<2x10240x128xf32, #tpu.memory_space<hbm>> -> memref<1x128x128xf32, #tpu.memory_space<hbm>>
      %dma_start3A_56 = tpu.memref_squeeze %dma_start3A_55 : memref<1x128x128xf32, #tpu.memory_space<hbm>> -> memref<128x128xf32, #tpu.memory_space<hbm>>
      %dma_start3A_57 = arith.constant 0 : i32
      %dma_start3A_58 = tpu.memref_slice %arg11[%add3A_52, %dma_start3A_57] : memref<10240x128xf32, #tpu.memory_space<vmem_shared>> -> memref<128x128xf32, #tpu.memory_space<vmem_shared>>
      tpu.enqueue_dma source(%dma_start3A_58 : memref<128x128xf32, #tpu.memory_space<vmem_shared>>) target(%dma_start3A_56 : memref<128x128xf32, #tpu.memory_space<hbm>>) target_semaphore(%run_scoped3A : memref<!tpu.dma_semaphore, #tpu.memory_space<semaphore_mem>>)
      %dma_wait3A = arith.constant 0 : i32
      %dma_wait3A_59 = tpu.memref_slice %arg6[%arg0, %add3A_54, %dma_wait3A] : memref<2x10240x128xf32, #tpu.memory_space<hbm>> -> memref<1x128x128xf32, #tpu.memory_space<hbm>>
      %dma_wait3A_60 = tpu.memref_squeeze %dma_wait3A_59 : memref<1x128x128xf32, #tpu.memory_space<hbm>> -> memref<128x128xf32, #tpu.memory_space<hbm>>
      %dma_wait3A_61 = arith.constant 0 : i32
      %dma_wait3A_62 = tpu.memref_slice %arg11[%add3A_52, %dma_wait3A_61] : memref<10240x128xf32, #tpu.memory_space<vmem_shared>> -> memref<128x128xf32, #tpu.memory_space<vmem_shared>>
      tpu.wait_dma2 semaphore(%run_scoped3A : memref<!tpu.dma_semaphore, #tpu.memory_space<semaphore_mem>>) src(%dma_wait3A_62 : memref<128x128xf32, #tpu.memory_space<vmem_shared>>) dst(%dma_wait3A_60 : memref<128x128xf32, #tpu.memory_space<hbm>>)
      tpu.yield
    }) : () -> ()
    return
  }
}

#map = affine_map<(d0, d1) -> (0, 0)>
#map1 = affine_map<(d0, d1) -> (0, 0, 0)>
module attributes {stable_mosaic.version = 14 : i64} {
  func.func @_deg_body(%arg0: i32, %arg1: i32, %arg2: memref<2560x128xi32, #tpu.memory_space<hbm>>, %arg3: memref<128x128xf32, #tpu.memory_space<hbm>>, %arg4: memref<128x128xf32, #tpu.memory_space<hbm>>, %arg5: memref<2x10240x128xf32, #tpu.memory_space<hbm>>, %arg6: memref<80x128xi32, #tpu.memory_space<vmem>>, %arg7: memref<128x128xf32, #tpu.memory_space<vmem>>, %arg8: memref<10240x128xf32, #tpu.memory_space<vmem_shared>>, %arg9: memref<!tpu.dma_semaphore, #tpu.memory_space<semaphore_mem>>) attributes {dimension_semantics = [#tpu.dimension_semantics<core_parallel>, #tpu.dimension_semantics<subcore_parallel>], iteration_bounds = array<i64: 2, 16>, scalar_prefetch = 0 : i64, scratch_operands = 4 : i64, tpu.core_type = #tpu.core_type<sc_vector_subcore>, window_params = [{transform_indices = #map}, {transform_indices = #map}, {transform_indices = #map}, {transform_indices = #map1}]} {
    %mul3A = arith.constant 16 : i32
    %mul3A_0 = arith.muli %arg0, %mul3A : i32
    %add3A = arith.addi %mul3A_0, %arg1 : i32
    %mul3A_1 = arith.constant 640 : i32
    %mul3A_2 = arith.muli %arg1, %mul3A_1 : i32
    %add3A_3 = arith.constant 0 : i32
    %add3A_4 = arith.addi %mul3A_2, %add3A_3 : i32
    "tpu.region"() ({
      %run_scoped3A = tpu.sem_alloc : memref<!tpu.dma_semaphore, #tpu.memory_space<semaphore_mem>>
      %dma_start3A = arith.constant 0 : i32
      %dma_start3A_41 = tpu.memref_slice %arg8[%add3A_4, %dma_start3A] : memref<10240x128xf32, #tpu.memory_space<vmem_shared>> -> memref<128x128xf32, #tpu.memory_space<vmem_shared>>
      tpu.enqueue_dma source(%arg4 : memref<128x128xf32, #tpu.memory_space<hbm>>) target(%dma_start3A_41 : memref<128x128xf32, #tpu.memory_space<vmem_shared>>) target_semaphore(%run_scoped3A : memref<!tpu.dma_semaphore, #tpu.memory_space<semaphore_mem>>)
      %dma_wait3A = arith.constant 0 : i32
      %dma_wait3A_42 = tpu.memref_slice %arg8[%add3A_4, %dma_wait3A] : memref<10240x128xf32, #tpu.memory_space<vmem_shared>> -> memref<128x128xf32, #tpu.memory_space<vmem_shared>>
      tpu.wait_dma2 semaphore(%run_scoped3A : memref<!tpu.dma_semaphore, #tpu.memory_space<semaphore_mem>>) src(%arg4 : memref<128x128xf32, #tpu.memory_space<hbm>>) dst(%dma_wait3A_42 : memref<128x128xf32, #tpu.memory_space<vmem_shared>>)
      tpu.yield
    }) : () -> ()
    %add3A_5 = arith.constant 128 : i32
    %add3A_6 = arith.addi %mul3A_2, %add3A_5 : i32
    "tpu.region"() ({
      %run_scoped3A = tpu.sem_alloc : memref<!tpu.dma_semaphore, #tpu.memory_space<semaphore_mem>>
      %dma_start3A = arith.constant 0 : i32
      %dma_start3A_41 = tpu.memref_slice %arg8[%add3A_6, %dma_start3A] : memref<10240x128xf32, #tpu.memory_space<vmem_shared>> -> memref<128x128xf32, #tpu.memory_space<vmem_shared>>
      tpu.enqueue_dma source(%arg4 : memref<128x128xf32, #tpu.memory_space<hbm>>) target(%dma_start3A_41 : memref<128x128xf32, #tpu.memory_space<vmem_shared>>) target_semaphore(%run_scoped3A : memref<!tpu.dma_semaphore, #tpu.memory_space<semaphore_mem>>)
      %dma_wait3A = arith.constant 0 : i32
      %dma_wait3A_42 = tpu.memref_slice %arg8[%add3A_6, %dma_wait3A] : memref<10240x128xf32, #tpu.memory_space<vmem_shared>> -> memref<128x128xf32, #tpu.memory_space<vmem_shared>>
      tpu.wait_dma2 semaphore(%run_scoped3A : memref<!tpu.dma_semaphore, #tpu.memory_space<semaphore_mem>>) src(%arg4 : memref<128x128xf32, #tpu.memory_space<hbm>>) dst(%dma_wait3A_42 : memref<128x128xf32, #tpu.memory_space<vmem_shared>>)
      tpu.yield
    }) : () -> ()
    %add3A_7 = arith.constant 256 : i32
    %add3A_8 = arith.addi %mul3A_2, %add3A_7 : i32
    "tpu.region"() ({
      %run_scoped3A = tpu.sem_alloc : memref<!tpu.dma_semaphore, #tpu.memory_space<semaphore_mem>>
      %dma_start3A = arith.constant 0 : i32
      %dma_start3A_41 = tpu.memref_slice %arg8[%add3A_8, %dma_start3A] : memref<10240x128xf32, #tpu.memory_space<vmem_shared>> -> memref<128x128xf32, #tpu.memory_space<vmem_shared>>
      tpu.enqueue_dma source(%arg4 : memref<128x128xf32, #tpu.memory_space<hbm>>) target(%dma_start3A_41 : memref<128x128xf32, #tpu.memory_space<vmem_shared>>) target_semaphore(%run_scoped3A : memref<!tpu.dma_semaphore, #tpu.memory_space<semaphore_mem>>)
      %dma_wait3A = arith.constant 0 : i32
      %dma_wait3A_42 = tpu.memref_slice %arg8[%add3A_8, %dma_wait3A] : memref<10240x128xf32, #tpu.memory_space<vmem_shared>> -> memref<128x128xf32, #tpu.memory_space<vmem_shared>>
      tpu.wait_dma2 semaphore(%run_scoped3A : memref<!tpu.dma_semaphore, #tpu.memory_space<semaphore_mem>>) src(%arg4 : memref<128x128xf32, #tpu.memory_space<hbm>>) dst(%dma_wait3A_42 : memref<128x128xf32, #tpu.memory_space<vmem_shared>>)
      tpu.yield
    }) : () -> ()
    %add3A_9 = arith.constant 384 : i32
    %add3A_10 = arith.addi %mul3A_2, %add3A_9 : i32
    "tpu.region"() ({
      %run_scoped3A = tpu.sem_alloc : memref<!tpu.dma_semaphore, #tpu.memory_space<semaphore_mem>>
      %dma_start3A = arith.constant 0 : i32
      %dma_start3A_41 = tpu.memref_slice %arg8[%add3A_10, %dma_start3A] : memref<10240x128xf32, #tpu.memory_space<vmem_shared>> -> memref<128x128xf32, #tpu.memory_space<vmem_shared>>
      tpu.enqueue_dma source(%arg4 : memref<128x128xf32, #tpu.memory_space<hbm>>) target(%dma_start3A_41 : memref<128x128xf32, #tpu.memory_space<vmem_shared>>) target_semaphore(%run_scoped3A : memref<!tpu.dma_semaphore, #tpu.memory_space<semaphore_mem>>)
      %dma_wait3A = arith.constant 0 : i32
      %dma_wait3A_42 = tpu.memref_slice %arg8[%add3A_10, %dma_wait3A] : memref<10240x128xf32, #tpu.memory_space<vmem_shared>> -> memref<128x128xf32, #tpu.memory_space<vmem_shared>>
      tpu.wait_dma2 semaphore(%run_scoped3A : memref<!tpu.dma_semaphore, #tpu.memory_space<semaphore_mem>>) src(%arg4 : memref<128x128xf32, #tpu.memory_space<hbm>>) dst(%dma_wait3A_42 : memref<128x128xf32, #tpu.memory_space<vmem_shared>>)
      tpu.yield
    }) : () -> ()
    %add3A_11 = arith.constant 512 : i32
    %add3A_12 = arith.addi %mul3A_2, %add3A_11 : i32
    "tpu.region"() ({
      %run_scoped3A = tpu.sem_alloc : memref<!tpu.dma_semaphore, #tpu.memory_space<semaphore_mem>>
      %dma_start3A = arith.constant 0 : i32
      %dma_start3A_41 = tpu.memref_slice %arg8[%add3A_12, %dma_start3A] : memref<10240x128xf32, #tpu.memory_space<vmem_shared>> -> memref<128x128xf32, #tpu.memory_space<vmem_shared>>
      tpu.enqueue_dma source(%arg4 : memref<128x128xf32, #tpu.memory_space<hbm>>) target(%dma_start3A_41 : memref<128x128xf32, #tpu.memory_space<vmem_shared>>) target_semaphore(%run_scoped3A : memref<!tpu.dma_semaphore, #tpu.memory_space<semaphore_mem>>)
      %dma_wait3A = arith.constant 0 : i32
      %dma_wait3A_42 = tpu.memref_slice %arg8[%add3A_12, %dma_wait3A] : memref<10240x128xf32, #tpu.memory_space<vmem_shared>> -> memref<128x128xf32, #tpu.memory_space<vmem_shared>>
      tpu.wait_dma2 semaphore(%run_scoped3A : memref<!tpu.dma_semaphore, #tpu.memory_space<semaphore_mem>>) src(%arg4 : memref<128x128xf32, #tpu.memory_space<hbm>>) dst(%dma_wait3A_42 : memref<128x128xf32, #tpu.memory_space<vmem_shared>>)
      tpu.yield
    }) : () -> ()
    %mul3A_13 = arith.constant 80 : i32
    %mul3A_14 = arith.muli %add3A, %mul3A_13 : i32
    "tpu.region"() ({
      %run_scoped3A = tpu.sem_alloc : memref<!tpu.dma_semaphore, #tpu.memory_space<semaphore_mem>>
      %dma_start3A = arith.constant 0 : i32
      %dma_start3A_41 = tpu.memref_slice %arg2[%mul3A_14, %dma_start3A] : memref<2560x128xi32, #tpu.memory_space<hbm>> -> memref<80x128xi32, #tpu.memory_space<hbm>>
      %dma_start3A_42 = arith.constant 0 : i32
      %dma_start3A_43 = tpu.memref_slice %arg2[%mul3A_14, %dma_start3A_42] : memref<2560x128xi32, #tpu.memory_space<hbm>> -> memref<80x128xi32, #tpu.memory_space<hbm>>
      tpu.enqueue_dma source(%dma_start3A_43 : memref<80x128xi32, #tpu.memory_space<hbm>>) target(%arg6 : memref<80x128xi32, #tpu.memory_space<vmem>>) target_semaphore(%run_scoped3A : memref<!tpu.dma_semaphore, #tpu.memory_space<semaphore_mem>>)
      %dma_wait3A = arith.constant 0 : i32
      %dma_wait3A_44 = tpu.memref_slice %arg2[%mul3A_14, %dma_wait3A] : memref<2560x128xi32, #tpu.memory_space<hbm>> -> memref<80x128xi32, #tpu.memory_space<hbm>>
      %dma_wait3A_45 = arith.constant 0 : i32
      %dma_wait3A_46 = tpu.memref_slice %arg2[%mul3A_14, %dma_wait3A_45] : memref<2560x128xi32, #tpu.memory_space<hbm>> -> memref<80x128xi32, #tpu.memory_space<hbm>>
      tpu.wait_dma2 semaphore(%run_scoped3A : memref<!tpu.dma_semaphore, #tpu.memory_space<semaphore_mem>>) src(%dma_wait3A_46 : memref<80x128xi32, #tpu.memory_space<hbm>>) dst(%arg6 : memref<80x128xi32, #tpu.memory_space<vmem>>)
      tpu.yield
    }) : () -> ()
    "tpu.region"() ({
      %run_scoped3A = tpu.sem_alloc : memref<!tpu.dma_semaphore, #tpu.memory_space<semaphore_mem>>
      tpu.enqueue_dma source(%arg3 : memref<128x128xf32, #tpu.memory_space<hbm>>) target(%arg7 : memref<128x128xf32, #tpu.memory_space<vmem>>) target_semaphore(%run_scoped3A : memref<!tpu.dma_semaphore, #tpu.memory_space<semaphore_mem>>)
      tpu.wait_dma2 semaphore(%run_scoped3A : memref<!tpu.dma_semaphore, #tpu.memory_space<semaphore_mem>>) src(%arg3 : memref<128x128xf32, #tpu.memory_space<hbm>>) dst(%arg7 : memref<128x128xf32, #tpu.memory_space<vmem>>)
      tpu.yield
    }) : () -> ()
    %barrier3A = arith.constant 0 : index
    tpu.barrier barrier_id(%barrier3A)
    %scan3A = arith.constant 0 : i32
    %scan3A_15 = arith.constant 0 : i32
    %scan3A_16 = arith.constant 20 : i32
    %scan3A_17 = arith.addi %scan3A_15, %scan3A_16 : i32
    %scan3A_18 = arith.constant 1 : i32
    scf.for %scan3A_41 = %scan3A_15 to %scan3A_17 step %scan3A_18  : i32 {
      %mul3A_42 = arith.constant 4 : i32
      %mul3A_43 = arith.muli %scan3A_41, %mul3A_42 : i32
      %add3A_44 = arith.constant 0 : i32
      %add3A_45 = arith.addi %mul3A_43, %add3A_44 : i32
      %dma_start3A = arith.constant 0 : i32
      %dma_start3A_46 = tpu.memref_slice %arg6[%add3A_45, %dma_start3A] : memref<80x128xi32, #tpu.memory_space<vmem>> -> memref<1x128xi32, #tpu.memory_space<vmem>>
      %dma_start3A_47 = tpu.memref_squeeze %dma_start3A_46 : memref<1x128xi32, #tpu.memory_space<vmem>> -> memref<128xi32, #tpu.memory_space<vmem>>
      %dma_start3A_48 = arith.constant 0 : i32
      %dma_start3A_49 = arith.constant 0 : i32
      %dma_start3A_50 = tpu.memref_slice %arg8[%dma_start3A_48, %dma_start3A_49] : memref<10240x128xf32, #tpu.memory_space<vmem_shared>> -> memref<10240x128xf32, #tpu.memory_space<vmem_shared>>
      tpu.enqueue_indirect_dma source(%arg7 : memref<128x128xf32, #tpu.memory_space<vmem>>) target(%dma_start3A_50 : memref<10240x128xf32, #tpu.memory_space<vmem_shared>>) offsets(%dma_start3A_47 : memref<128xi32, #tpu.memory_space<vmem>>) semaphore(%arg9 : memref<!tpu.dma_semaphore, #tpu.memory_space<semaphore_mem>>) {add = true}
      %mul3A_51 = arith.constant 4 : i32
      %mul3A_52 = arith.muli %scan3A_41, %mul3A_51 : i32
      %add3A_53 = arith.constant 1 : i32
      %add3A_54 = arith.addi %mul3A_52, %add3A_53 : i32
      %dma_start3A_55 = arith.constant 0 : i32
      %dma_start3A_56 = tpu.memref_slice %arg6[%add3A_54, %dma_start3A_55] : memref<80x128xi32, #tpu.memory_space<vmem>> -> memref<1x128xi32, #tpu.memory_space<vmem>>
      %dma_start3A_57 = tpu.memref_squeeze %dma_start3A_56 : memref<1x128xi32, #tpu.memory_space<vmem>> -> memref<128xi32, #tpu.memory_space<vmem>>
      %dma_start3A_58 = arith.constant 0 : i32
      %dma_start3A_59 = arith.constant 0 : i32
      %dma_start3A_60 = tpu.memref_slice %arg8[%dma_start3A_58, %dma_start3A_59] : memref<10240x128xf32, #tpu.memory_space<vmem_shared>> -> memref<10240x128xf32, #tpu.memory_space<vmem_shared>>
      tpu.enqueue_indirect_dma source(%arg7 : memref<128x128xf32, #tpu.memory_space<vmem>>) target(%dma_start3A_60 : memref<10240x128xf32, #tpu.memory_space<vmem_shared>>) offsets(%dma_start3A_57 : memref<128xi32, #tpu.memory_space<vmem>>) semaphore(%arg9 : memref<!tpu.dma_semaphore, #tpu.memory_space<semaphore_mem>>) {add = true}
      %mul3A_61 = arith.constant 4 : i32
      %mul3A_62 = arith.muli %scan3A_41, %mul3A_61 : i32
      %add3A_63 = arith.constant 2 : i32
      %add3A_64 = arith.addi %mul3A_62, %add3A_63 : i32
      %dma_start3A_65 = arith.constant 0 : i32
      %dma_start3A_66 = tpu.memref_slice %arg6[%add3A_64, %dma_start3A_65] : memref<80x128xi32, #tpu.memory_space<vmem>> -> memref<1x128xi32, #tpu.memory_space<vmem>>
      %dma_start3A_67 = tpu.memref_squeeze %dma_start3A_66 : memref<1x128xi32, #tpu.memory_space<vmem>> -> memref<128xi32, #tpu.memory_space<vmem>>
      %dma_start3A_68 = arith.constant 0 : i32
      %dma_start3A_69 = arith.constant 0 : i32
      %dma_start3A_70 = tpu.memref_slice %arg8[%dma_start3A_68, %dma_start3A_69] : memref<10240x128xf32, #tpu.memory_space<vmem_shared>> -> memref<10240x128xf32, #tpu.memory_space<vmem_shared>>
      tpu.enqueue_indirect_dma source(%arg7 : memref<128x128xf32, #tpu.memory_space<vmem>>) target(%dma_start3A_70 : memref<10240x128xf32, #tpu.memory_space<vmem_shared>>) offsets(%dma_start3A_67 : memref<128xi32, #tpu.memory_space<vmem>>) semaphore(%arg9 : memref<!tpu.dma_semaphore, #tpu.memory_space<semaphore_mem>>) {add = true}
      %mul3A_71 = arith.constant 4 : i32
      %mul3A_72 = arith.muli %scan3A_41, %mul3A_71 : i32
      %add3A_73 = arith.constant 3 : i32
      %add3A_74 = arith.addi %mul3A_72, %add3A_73 : i32
      %dma_start3A_75 = arith.constant 0 : i32
      %dma_start3A_76 = tpu.memref_slice %arg6[%add3A_74, %dma_start3A_75] : memref<80x128xi32, #tpu.memory_space<vmem>> -> memref<1x128xi32, #tpu.memory_space<vmem>>
      %dma_start3A_77 = tpu.memref_squeeze %dma_start3A_76 : memref<1x128xi32, #tpu.memory_space<vmem>> -> memref<128xi32, #tpu.memory_space<vmem>>
      %dma_start3A_78 = arith.constant 0 : i32
      %dma_start3A_79 = arith.constant 0 : i32
      %dma_start3A_80 = tpu.memref_slice %arg8[%dma_start3A_78, %dma_start3A_79] : memref<10240x128xf32, #tpu.memory_space<vmem_shared>> -> memref<10240x128xf32, #tpu.memory_space<vmem_shared>>
      tpu.enqueue_indirect_dma source(%arg7 : memref<128x128xf32, #tpu.memory_space<vmem>>) target(%dma_start3A_80 : memref<10240x128xf32, #tpu.memory_space<vmem_shared>>) offsets(%dma_start3A_77 : memref<128xi32, #tpu.memory_space<vmem>>) semaphore(%arg9 : memref<!tpu.dma_semaphore, #tpu.memory_space<semaphore_mem>>) {add = true}
      %mul3A_81 = arith.constant 4 : i32
      %mul3A_82 = arith.muli %scan3A_41, %mul3A_81 : i32
      %add3A_83 = arith.constant 0 : i32
      %add3A_84 = arith.addi %mul3A_82, %add3A_83 : i32
      %dma_wait3A = arith.constant 0 : i32
      %dma_wait3A_85 = tpu.memref_slice %arg6[%add3A_84, %dma_wait3A] : memref<80x128xi32, #tpu.memory_space<vmem>> -> memref<1x128xi32, #tpu.memory_space<vmem>>
      %dma_wait3A_86 = tpu.memref_squeeze %dma_wait3A_85 : memref<1x128xi32, #tpu.memory_space<vmem>> -> memref<128xi32, #tpu.memory_space<vmem>>
      %dma_wait3A_87 = arith.constant 0 : i32
      %dma_wait3A_88 = arith.constant 0 : i32
      %dma_wait3A_89 = tpu.memref_slice %arg8[%dma_wait3A_87, %dma_wait3A_88] : memref<10240x128xf32, #tpu.memory_space<vmem_shared>> -> memref<10240x128xf32, #tpu.memory_space<vmem_shared>>
      tpu.wait_indirect_dma semaphore(%arg9 : memref<!tpu.dma_semaphore, #tpu.memory_space<semaphore_mem>>) src(%arg7 : memref<128x128xf32, #tpu.memory_space<vmem>>) dst(%dma_wait3A_89 : memref<10240x128xf32, #tpu.memory_space<vmem_shared>>)
      %mul3A_90 = arith.constant 4 : i32
      %mul3A_91 = arith.muli %scan3A_41, %mul3A_90 : i32
      %add3A_92 = arith.constant 1 : i32
      %add3A_93 = arith.addi %mul3A_91, %add3A_92 : i32
      %dma_wait3A_94 = arith.constant 0 : i32
      %dma_wait3A_95 = tpu.memref_slice %arg6[%add3A_93, %dma_wait3A_94] : memref<80x128xi32, #tpu.memory_space<vmem>> -> memref<1x128xi32, #tpu.memory_space<vmem>>
      %dma_wait3A_96 = tpu.memref_squeeze %dma_wait3A_95 : memref<1x128xi32, #tpu.memory_space<vmem>> -> memref<128xi32, #tpu.memory_space<vmem>>
      %dma_wait3A_97 = arith.constant 0 : i32
      %dma_wait3A_98 = arith.constant 0 : i32
      %dma_wait3A_99 = tpu.memref_slice %arg8[%dma_wait3A_97, %dma_wait3A_98] : memref<10240x128xf32, #tpu.memory_space<vmem_shared>> -> memref<10240x128xf32, #tpu.memory_space<vmem_shared>>
      tpu.wait_indirect_dma semaphore(%arg9 : memref<!tpu.dma_semaphore, #tpu.memory_space<semaphore_mem>>) src(%arg7 : memref<128x128xf32, #tpu.memory_space<vmem>>) dst(%dma_wait3A_99 : memref<10240x128xf32, #tpu.memory_space<vmem_shared>>)
      %mul3A_100 = arith.constant 4 : i32
      %mul3A_101 = arith.muli %scan3A_41, %mul3A_100 : i32
      %add3A_102 = arith.constant 2 : i32
      %add3A_103 = arith.addi %mul3A_101, %add3A_102 : i32
      %dma_wait3A_104 = arith.constant 0 : i32
      %dma_wait3A_105 = tpu.memref_slice %arg6[%add3A_103, %dma_wait3A_104] : memref<80x128xi32, #tpu.memory_space<vmem>> -> memref<1x128xi32, #tpu.memory_space<vmem>>
      %dma_wait3A_106 = tpu.memref_squeeze %dma_wait3A_105 : memref<1x128xi32, #tpu.memory_space<vmem>> -> memref<128xi32, #tpu.memory_space<vmem>>
      %dma_wait3A_107 = arith.constant 0 : i32
      %dma_wait3A_108 = arith.constant 0 : i32
      %dma_wait3A_109 = tpu.memref_slice %arg8[%dma_wait3A_107, %dma_wait3A_108] : memref<10240x128xf32, #tpu.memory_space<vmem_shared>> -> memref<10240x128xf32, #tpu.memory_space<vmem_shared>>
      tpu.wait_indirect_dma semaphore(%arg9 : memref<!tpu.dma_semaphore, #tpu.memory_space<semaphore_mem>>) src(%arg7 : memref<128x128xf32, #tpu.memory_space<vmem>>) dst(%dma_wait3A_109 : memref<10240x128xf32, #tpu.memory_space<vmem_shared>>)
      %mul3A_110 = arith.constant 4 : i32
      %mul3A_111 = arith.muli %scan3A_41, %mul3A_110 : i32
      %add3A_112 = arith.constant 3 : i32
      %add3A_113 = arith.addi %mul3A_111, %add3A_112 : i32
      %dma_wait3A_114 = arith.constant 0 : i32
      %dma_wait3A_115 = tpu.memref_slice %arg6[%add3A_113, %dma_wait3A_114] : memref<80x128xi32, #tpu.memory_space<vmem>> -> memref<1x128xi32, #tpu.memory_space<vmem>>
      %dma_wait3A_116 = tpu.memref_squeeze %dma_wait3A_115 : memref<1x128xi32, #tpu.memory_space<vmem>> -> memref<128xi32, #tpu.memory_space<vmem>>
      %dma_wait3A_117 = arith.constant 0 : i32
      %dma_wait3A_118 = arith.constant 0 : i32
      %dma_wait3A_119 = tpu.memref_slice %arg8[%dma_wait3A_117, %dma_wait3A_118] : memref<10240x128xf32, #tpu.memory_space<vmem_shared>> -> memref<10240x128xf32, #tpu.memory_space<vmem_shared>>
      tpu.wait_indirect_dma semaphore(%arg9 : memref<!tpu.dma_semaphore, #tpu.memory_space<semaphore_mem>>) src(%arg7 : memref<128x128xf32, #tpu.memory_space<vmem>>) dst(%dma_wait3A_119 : memref<10240x128xf32, #tpu.memory_space<vmem_shared>>)
    }
    %scan3A_19 = arith.constant 20 : i32
    %barrier3A_20 = arith.constant 0 : index
    tpu.barrier barrier_id(%barrier3A_20)
    %add3A_21 = arith.constant 0 : i32
    %add3A_22 = arith.addi %mul3A_2, %add3A_21 : i32
    %add3A_23 = arith.constant 0 : i32
    %add3A_24 = arith.addi %mul3A_2, %add3A_23 : i32
    "tpu.region"() ({
      %run_scoped3A = tpu.sem_alloc : memref<!tpu.dma_semaphore, #tpu.memory_space<semaphore_mem>>
      %dma_start3A = arith.constant 0 : i32
      %dma_start3A_41 = tpu.memref_slice %arg5[%arg0, %add3A_24, %dma_start3A] : memref<2x10240x128xf32, #tpu.memory_space<hbm>> -> memref<1x128x128xf32, #tpu.memory_space<hbm>>
      %dma_start3A_42 = tpu.memref_squeeze %dma_start3A_41 : memref<1x128x128xf32, #tpu.memory_space<hbm>> -> memref<128x128xf32, #tpu.memory_space<hbm>>
      %dma_start3A_43 = arith.constant 0 : i32
      %dma_start3A_44 = tpu.memref_slice %arg8[%add3A_22, %dma_start3A_43] : memref<10240x128xf32, #tpu.memory_space<vmem_shared>> -> memref<128x128xf32, #tpu.memory_space<vmem_shared>>
      tpu.enqueue_dma source(%dma_start3A_44 : memref<128x128xf32, #tpu.memory_space<vmem_shared>>) target(%dma_start3A_42 : memref<128x128xf32, #tpu.memory_space<hbm>>) target_semaphore(%run_scoped3A : memref<!tpu.dma_semaphore, #tpu.memory_space<semaphore_mem>>)
      %dma_wait3A = arith.constant 0 : i32
      %dma_wait3A_45 = tpu.memref_slice %arg5[%arg0, %add3A_24, %dma_wait3A] : memref<2x10240x128xf32, #tpu.memory_space<hbm>> -> memref<1x128x128xf32, #tpu.memory_space<hbm>>
      %dma_wait3A_46 = tpu.memref_squeeze %dma_wait3A_45 : memref<1x128x128xf32, #tpu.memory_space<hbm>> -> memref<128x128xf32, #tpu.memory_space<hbm>>
      %dma_wait3A_47 = arith.constant 0 : i32
      %dma_wait3A_48 = tpu.memref_slice %arg8[%add3A_22, %dma_wait3A_47] : memref<10240x128xf32, #tpu.memory_space<vmem_shared>> -> memref<128x128xf32, #tpu.memory_space<vmem_shared>>
      tpu.wait_dma2 semaphore(%run_scoped3A : memref<!tpu.dma_semaphore, #tpu.memory_space<semaphore_mem>>) src(%dma_wait3A_48 : memref<128x128xf32, #tpu.memory_space<vmem_shared>>) dst(%dma_wait3A_46 : memref<128x128xf32, #tpu.memory_space<hbm>>)
      tpu.yield
    }) : () -> ()
    %add3A_25 = arith.constant 128 : i32
    %add3A_26 = arith.addi %mul3A_2, %add3A_25 : i32
    %add3A_27 = arith.constant 128 : i32
    %add3A_28 = arith.addi %mul3A_2, %add3A_27 : i32
    "tpu.region"() ({
      %run_scoped3A = tpu.sem_alloc : memref<!tpu.dma_semaphore, #tpu.memory_space<semaphore_mem>>
      %dma_start3A = arith.constant 0 : i32
      %dma_start3A_41 = tpu.memref_slice %arg5[%arg0, %add3A_28, %dma_start3A] : memref<2x10240x128xf32, #tpu.memory_space<hbm>> -> memref<1x128x128xf32, #tpu.memory_space<hbm>>
      %dma_start3A_42 = tpu.memref_squeeze %dma_start3A_41 : memref<1x128x128xf32, #tpu.memory_space<hbm>> -> memref<128x128xf32, #tpu.memory_space<hbm>>
      %dma_start3A_43 = arith.constant 0 : i32
      %dma_start3A_44 = tpu.memref_slice %arg8[%add3A_26, %dma_start3A_43] : memref<10240x128xf32, #tpu.memory_space<vmem_shared>> -> memref<128x128xf32, #tpu.memory_space<vmem_shared>>
      tpu.enqueue_dma source(%dma_start3A_44 : memref<128x128xf32, #tpu.memory_space<vmem_shared>>) target(%dma_start3A_42 : memref<128x128xf32, #tpu.memory_space<hbm>>) target_semaphore(%run_scoped3A : memref<!tpu.dma_semaphore, #tpu.memory_space<semaphore_mem>>)
      %dma_wait3A = arith.constant 0 : i32
      %dma_wait3A_45 = tpu.memref_slice %arg5[%arg0, %add3A_28, %dma_wait3A] : memref<2x10240x128xf32, #tpu.memory_space<hbm>> -> memref<1x128x128xf32, #tpu.memory_space<hbm>>
      %dma_wait3A_46 = tpu.memref_squeeze %dma_wait3A_45 : memref<1x128x128xf32, #tpu.memory_space<hbm>> -> memref<128x128xf32, #tpu.memory_space<hbm>>
      %dma_wait3A_47 = arith.constant 0 : i32
      %dma_wait3A_48 = tpu.memref_slice %arg8[%add3A_26, %dma_wait3A_47] : memref<10240x128xf32, #tpu.memory_space<vmem_shared>> -> memref<128x128xf32, #tpu.memory_space<vmem_shared>>
      tpu.wait_dma2 semaphore(%run_scoped3A : memref<!tpu.dma_semaphore, #tpu.memory_space<semaphore_mem>>) src(%dma_wait3A_48 : memref<128x128xf32, #tpu.memory_space<vmem_shared>>) dst(%dma_wait3A_46 : memref<128x128xf32, #tpu.memory_space<hbm>>)
      tpu.yield
    }) : () -> ()
    %add3A_29 = arith.constant 256 : i32
    %add3A_30 = arith.addi %mul3A_2, %add3A_29 : i32
    %add3A_31 = arith.constant 256 : i32
    %add3A_32 = arith.addi %mul3A_2, %add3A_31 : i32
    "tpu.region"() ({
      %run_scoped3A = tpu.sem_alloc : memref<!tpu.dma_semaphore, #tpu.memory_space<semaphore_mem>>
      %dma_start3A = arith.constant 0 : i32
      %dma_start3A_41 = tpu.memref_slice %arg5[%arg0, %add3A_32, %dma_start3A] : memref<2x10240x128xf32, #tpu.memory_space<hbm>> -> memref<1x128x128xf32, #tpu.memory_space<hbm>>
      %dma_start3A_42 = tpu.memref_squeeze %dma_start3A_41 : memref<1x128x128xf32, #tpu.memory_space<hbm>> -> memref<128x128xf32, #tpu.memory_space<hbm>>
      %dma_start3A_43 = arith.constant 0 : i32
      %dma_start3A_44 = tpu.memref_slice %arg8[%add3A_30, %dma_start3A_43] : memref<10240x128xf32, #tpu.memory_space<vmem_shared>> -> memref<128x128xf32, #tpu.memory_space<vmem_shared>>
      tpu.enqueue_dma source(%dma_start3A_44 : memref<128x128xf32, #tpu.memory_space<vmem_shared>>) target(%dma_start3A_42 : memref<128x128xf32, #tpu.memory_space<hbm>>) target_semaphore(%run_scoped3A : memref<!tpu.dma_semaphore, #tpu.memory_space<semaphore_mem>>)
      %dma_wait3A = arith.constant 0 : i32
      %dma_wait3A_45 = tpu.memref_slice %arg5[%arg0, %add3A_32, %dma_wait3A] : memref<2x10240x128xf32, #tpu.memory_space<hbm>> -> memref<1x128x128xf32, #tpu.memory_space<hbm>>
      %dma_wait3A_46 = tpu.memref_squeeze %dma_wait3A_45 : memref<1x128x128xf32, #tpu.memory_space<hbm>> -> memref<128x128xf32, #tpu.memory_space<hbm>>
      %dma_wait3A_47 = arith.constant 0 : i32
      %dma_wait3A_48 = tpu.memref_slice %arg8[%add3A_30, %dma_wait3A_47] : memref<10240x128xf32, #tpu.memory_space<vmem_shared>> -> memref<128x128xf32, #tpu.memory_space<vmem_shared>>
      tpu.wait_dma2 semaphore(%run_scoped3A : memref<!tpu.dma_semaphore, #tpu.memory_space<semaphore_mem>>) src(%dma_wait3A_48 : memref<128x128xf32, #tpu.memory_space<vmem_shared>>) dst(%dma_wait3A_46 : memref<128x128xf32, #tpu.memory_space<hbm>>)
      tpu.yield
    }) : () -> ()
    %add3A_33 = arith.constant 384 : i32
    %add3A_34 = arith.addi %mul3A_2, %add3A_33 : i32
    %add3A_35 = arith.constant 384 : i32
    %add3A_36 = arith.addi %mul3A_2, %add3A_35 : i32
    "tpu.region"() ({
      %run_scoped3A = tpu.sem_alloc : memref<!tpu.dma_semaphore, #tpu.memory_space<semaphore_mem>>
      %dma_start3A = arith.constant 0 : i32
      %dma_start3A_41 = tpu.memref_slice %arg5[%arg0, %add3A_36, %dma_start3A] : memref<2x10240x128xf32, #tpu.memory_space<hbm>> -> memref<1x128x128xf32, #tpu.memory_space<hbm>>
      %dma_start3A_42 = tpu.memref_squeeze %dma_start3A_41 : memref<1x128x128xf32, #tpu.memory_space<hbm>> -> memref<128x128xf32, #tpu.memory_space<hbm>>
      %dma_start3A_43 = arith.constant 0 : i32
      %dma_start3A_44 = tpu.memref_slice %arg8[%add3A_34, %dma_start3A_43] : memref<10240x128xf32, #tpu.memory_space<vmem_shared>> -> memref<128x128xf32, #tpu.memory_space<vmem_shared>>
      tpu.enqueue_dma source(%dma_start3A_44 : memref<128x128xf32, #tpu.memory_space<vmem_shared>>) target(%dma_start3A_42 : memref<128x128xf32, #tpu.memory_space<hbm>>) target_semaphore(%run_scoped3A : memref<!tpu.dma_semaphore, #tpu.memory_space<semaphore_mem>>)
      %dma_wait3A = arith.constant 0 : i32
      %dma_wait3A_45 = tpu.memref_slice %arg5[%arg0, %add3A_36, %dma_wait3A] : memref<2x10240x128xf32, #tpu.memory_space<hbm>> -> memref<1x128x128xf32, #tpu.memory_space<hbm>>
      %dma_wait3A_46 = tpu.memref_squeeze %dma_wait3A_45 : memref<1x128x128xf32, #tpu.memory_space<hbm>> -> memref<128x128xf32, #tpu.memory_space<hbm>>
      %dma_wait3A_47 = arith.constant 0 : i32
      %dma_wait3A_48 = tpu.memref_slice %arg8[%add3A_34, %dma_wait3A_47] : memref<10240x128xf32, #tpu.memory_space<vmem_shared>> -> memref<128x128xf32, #tpu.memory_space<vmem_shared>>
      tpu.wait_dma2 semaphore(%run_scoped3A : memref<!tpu.dma_semaphore, #tpu.memory_space<semaphore_mem>>) src(%dma_wait3A_48 : memref<128x128xf32, #tpu.memory_space<vmem_shared>>) dst(%dma_wait3A_46 : memref<128x128xf32, #tpu.memory_space<hbm>>)
      tpu.yield
    }) : () -> ()
    %add3A_37 = arith.constant 512 : i32
    %add3A_38 = arith.addi %mul3A_2, %add3A_37 : i32
    %add3A_39 = arith.constant 512 : i32
    %add3A_40 = arith.addi %mul3A_2, %add3A_39 : i32
    "tpu.region"() ({
      %run_scoped3A = tpu.sem_alloc : memref<!tpu.dma_semaphore, #tpu.memory_space<semaphore_mem>>
      %dma_start3A = arith.constant 0 : i32
      %dma_start3A_41 = tpu.memref_slice %arg5[%arg0, %add3A_40, %dma_start3A] : memref<2x10240x128xf32, #tpu.memory_space<hbm>> -> memref<1x128x128xf32, #tpu.memory_space<hbm>>
      %dma_start3A_42 = tpu.memref_squeeze %dma_start3A_41 : memref<1x128x128xf32, #tpu.memory_space<hbm>> -> memref<128x128xf32, #tpu.memory_space<hbm>>
      %dma_start3A_43 = arith.constant 0 : i32
      %dma_start3A_44 = tpu.memref_slice %arg8[%add3A_38, %dma_start3A_43] : memref<10240x128xf32, #tpu.memory_space<vmem_shared>> -> memref<128x128xf32, #tpu.memory_space<vmem_shared>>
      tpu.enqueue_dma source(%dma_start3A_44 : memref<128x128xf32, #tpu.memory_space<vmem_shared>>) target(%dma_start3A_42 : memref<128x128xf32, #tpu.memory_space<hbm>>) target_semaphore(%run_scoped3A : memref<!tpu.dma_semaphore, #tpu.memory_space<semaphore_mem>>)
      %dma_wait3A = arith.constant 0 : i32
      %dma_wait3A_45 = tpu.memref_slice %arg5[%arg0, %add3A_40, %dma_wait3A] : memref<2x10240x128xf32, #tpu.memory_space<hbm>> -> memref<1x128x128xf32, #tpu.memory_space<hbm>>
      %dma_wait3A_46 = tpu.memref_squeeze %dma_wait3A_45 : memref<1x128x128xf32, #tpu.memory_space<hbm>> -> memref<128x128xf32, #tpu.memory_space<hbm>>
      %dma_wait3A_47 = arith.constant 0 : i32
      %dma_wait3A_48 = tpu.memref_slice %arg8[%add3A_38, %dma_wait3A_47] : memref<10240x128xf32, #tpu.memory_space<vmem_shared>> -> memref<128x128xf32, #tpu.memory_space<vmem_shared>>
      tpu.wait_dma2 semaphore(%run_scoped3A : memref<!tpu.dma_semaphore, #tpu.memory_space<semaphore_mem>>) src(%dma_wait3A_48 : memref<128x128xf32, #tpu.memory_space<vmem_shared>>) dst(%dma_wait3A_46 : memref<128x128xf32, #tpu.memory_space<hbm>>)
      tpu.yield
    }) : () -> ()
    return
  }
}

#map = affine_map<(d0, d1) -> (0, 0)>
#map1 = affine_map<(d0, d1) -> (0, 0, 0)>
module attributes {stable_mosaic.version = 14 : i64} {
  func.func @_layer_body(%arg0: i32, %arg1: i32, %arg2: memref<10000x128xf32, #tpu.memory_space<hbm>>, %arg3: memref<2560x128xi32, #tpu.memory_space<hbm>>, %arg4: memref<2560x128xi32, #tpu.memory_space<hbm>>, %arg5: memref<128x128xf32, #tpu.memory_space<hbm>>, %arg6: memref<2x10240x128xf32, #tpu.memory_space<hbm>>, %arg7: memref<40x128xi32, #tpu.memory_space<vmem>>, %arg8: memref<40x128xi32, #tpu.memory_space<vmem>>, %arg9: memref<128x128xf32, #tpu.memory_space<vmem>>, %arg10: memref<128x128xf32, #tpu.memory_space<vmem>>, %arg11: memref<10240x128xf32, #tpu.memory_space<vmem_shared>>, %arg12: memref<!tpu.dma_semaphore, #tpu.memory_space<semaphore_mem>>, %arg13: memref<!tpu.dma_semaphore, #tpu.memory_space<semaphore_mem>>, %arg14: memref<!tpu.dma_semaphore, #tpu.memory_space<semaphore_mem>>, %arg15: memref<!tpu.dma_semaphore, #tpu.memory_space<semaphore_mem>>) attributes {dimension_semantics = [#tpu.dimension_semantics<core_parallel>, #tpu.dimension_semantics<subcore_parallel>], iteration_bounds = array<i64: 2, 16>, scalar_prefetch = 0 : i64, scratch_operands = 9 : i64, tpu.core_type = #tpu.core_type<sc_vector_subcore>, window_params = [{transform_indices = #map}, {transform_indices = #map}, {transform_indices = #map}, {transform_indices = #map}, {transform_indices = #map1}]} {
    %mul3A = arith.constant 16 : i32
    %mul3A_0 = arith.muli %arg0, %mul3A : i32
    %add3A = arith.addi %mul3A_0, %arg1 : i32
    %mul3A_1 = arith.constant 640 : i32
    %mul3A_2 = arith.muli %arg1, %mul3A_1 : i32
    %add3A_3 = arith.constant 0 : i32
    %add3A_4 = arith.addi %mul3A_2, %add3A_3 : i32
    "tpu.region"() ({
      %run_scoped3A = tpu.sem_alloc : memref<!tpu.dma_semaphore, #tpu.memory_space<semaphore_mem>>
      %dma_start3A = arith.constant 0 : i32
      %dma_start3A_55 = tpu.memref_slice %arg11[%add3A_4, %dma_start3A] : memref<10240x128xf32, #tpu.memory_space<vmem_shared>> -> memref<128x128xf32, #tpu.memory_space<vmem_shared>>
      tpu.enqueue_dma source(%arg5 : memref<128x128xf32, #tpu.memory_space<hbm>>) target(%dma_start3A_55 : memref<128x128xf32, #tpu.memory_space<vmem_shared>>) target_semaphore(%run_scoped3A : memref<!tpu.dma_semaphore, #tpu.memory_space<semaphore_mem>>)
      %dma_wait3A = arith.constant 0 : i32
      %dma_wait3A_56 = tpu.memref_slice %arg11[%add3A_4, %dma_wait3A] : memref<10240x128xf32, #tpu.memory_space<vmem_shared>> -> memref<128x128xf32, #tpu.memory_space<vmem_shared>>
      tpu.wait_dma2 semaphore(%run_scoped3A : memref<!tpu.dma_semaphore, #tpu.memory_space<semaphore_mem>>) src(%arg5 : memref<128x128xf32, #tpu.memory_space<hbm>>) dst(%dma_wait3A_56 : memref<128x128xf32, #tpu.memory_space<vmem_shared>>)
      tpu.yield
    }) : () -> ()
    %add3A_5 = arith.constant 128 : i32
    %add3A_6 = arith.addi %mul3A_2, %add3A_5 : i32
    "tpu.region"() ({
      %run_scoped3A = tpu.sem_alloc : memref<!tpu.dma_semaphore, #tpu.memory_space<semaphore_mem>>
      %dma_start3A = arith.constant 0 : i32
      %dma_start3A_55 = tpu.memref_slice %arg11[%add3A_6, %dma_start3A] : memref<10240x128xf32, #tpu.memory_space<vmem_shared>> -> memref<128x128xf32, #tpu.memory_space<vmem_shared>>
      tpu.enqueue_dma source(%arg5 : memref<128x128xf32, #tpu.memory_space<hbm>>) target(%dma_start3A_55 : memref<128x128xf32, #tpu.memory_space<vmem_shared>>) target_semaphore(%run_scoped3A : memref<!tpu.dma_semaphore, #tpu.memory_space<semaphore_mem>>)
      %dma_wait3A = arith.constant 0 : i32
      %dma_wait3A_56 = tpu.memref_slice %arg11[%add3A_6, %dma_wait3A] : memref<10240x128xf32, #tpu.memory_space<vmem_shared>> -> memref<128x128xf32, #tpu.memory_space<vmem_shared>>
      tpu.wait_dma2 semaphore(%run_scoped3A : memref<!tpu.dma_semaphore, #tpu.memory_space<semaphore_mem>>) src(%arg5 : memref<128x128xf32, #tpu.memory_space<hbm>>) dst(%dma_wait3A_56 : memref<128x128xf32, #tpu.memory_space<vmem_shared>>)
      tpu.yield
    }) : () -> ()
    %add3A_7 = arith.constant 256 : i32
    %add3A_8 = arith.addi %mul3A_2, %add3A_7 : i32
    "tpu.region"() ({
      %run_scoped3A = tpu.sem_alloc : memref<!tpu.dma_semaphore, #tpu.memory_space<semaphore_mem>>
      %dma_start3A = arith.constant 0 : i32
      %dma_start3A_55 = tpu.memref_slice %arg11[%add3A_8, %dma_start3A] : memref<10240x128xf32, #tpu.memory_space<vmem_shared>> -> memref<128x128xf32, #tpu.memory_space<vmem_shared>>
      tpu.enqueue_dma source(%arg5 : memref<128x128xf32, #tpu.memory_space<hbm>>) target(%dma_start3A_55 : memref<128x128xf32, #tpu.memory_space<vmem_shared>>) target_semaphore(%run_scoped3A : memref<!tpu.dma_semaphore, #tpu.memory_space<semaphore_mem>>)
      %dma_wait3A = arith.constant 0 : i32
      %dma_wait3A_56 = tpu.memref_slice %arg11[%add3A_8, %dma_wait3A] : memref<10240x128xf32, #tpu.memory_space<vmem_shared>> -> memref<128x128xf32, #tpu.memory_space<vmem_shared>>
      tpu.wait_dma2 semaphore(%run_scoped3A : memref<!tpu.dma_semaphore, #tpu.memory_space<semaphore_mem>>) src(%arg5 : memref<128x128xf32, #tpu.memory_space<hbm>>) dst(%dma_wait3A_56 : memref<128x128xf32, #tpu.memory_space<vmem_shared>>)
      tpu.yield
    }) : () -> ()
    %add3A_9 = arith.constant 384 : i32
    %add3A_10 = arith.addi %mul3A_2, %add3A_9 : i32
    "tpu.region"() ({
      %run_scoped3A = tpu.sem_alloc : memref<!tpu.dma_semaphore, #tpu.memory_space<semaphore_mem>>
      %dma_start3A = arith.constant 0 : i32
      %dma_start3A_55 = tpu.memref_slice %arg11[%add3A_10, %dma_start3A] : memref<10240x128xf32, #tpu.memory_space<vmem_shared>> -> memref<128x128xf32, #tpu.memory_space<vmem_shared>>
      tpu.enqueue_dma source(%arg5 : memref<128x128xf32, #tpu.memory_space<hbm>>) target(%dma_start3A_55 : memref<128x128xf32, #tpu.memory_space<vmem_shared>>) target_semaphore(%run_scoped3A : memref<!tpu.dma_semaphore, #tpu.memory_space<semaphore_mem>>)
      %dma_wait3A = arith.constant 0 : i32
      %dma_wait3A_56 = tpu.memref_slice %arg11[%add3A_10, %dma_wait3A] : memref<10240x128xf32, #tpu.memory_space<vmem_shared>> -> memref<128x128xf32, #tpu.memory_space<vmem_shared>>
      tpu.wait_dma2 semaphore(%run_scoped3A : memref<!tpu.dma_semaphore, #tpu.memory_space<semaphore_mem>>) src(%arg5 : memref<128x128xf32, #tpu.memory_space<hbm>>) dst(%dma_wait3A_56 : memref<128x128xf32, #tpu.memory_space<vmem_shared>>)
      tpu.yield
    }) : () -> ()
    %add3A_11 = arith.constant 512 : i32
    %add3A_12 = arith.addi %mul3A_2, %add3A_11 : i32
    "tpu.region"() ({
      %run_scoped3A = tpu.sem_alloc : memref<!tpu.dma_semaphore, #tpu.memory_space<semaphore_mem>>
      %dma_start3A = arith.constant 0 : i32
      %dma_start3A_55 = tpu.memref_slice %arg11[%add3A_12, %dma_start3A] : memref<10240x128xf32, #tpu.memory_space<vmem_shared>> -> memref<128x128xf32, #tpu.memory_space<vmem_shared>>
      tpu.enqueue_dma source(%arg5 : memref<128x128xf32, #tpu.memory_space<hbm>>) target(%dma_start3A_55 : memref<128x128xf32, #tpu.memory_space<vmem_shared>>) target_semaphore(%run_scoped3A : memref<!tpu.dma_semaphore, #tpu.memory_space<semaphore_mem>>)
      %dma_wait3A = arith.constant 0 : i32
      %dma_wait3A_56 = tpu.memref_slice %arg11[%add3A_12, %dma_wait3A] : memref<10240x128xf32, #tpu.memory_space<vmem_shared>> -> memref<128x128xf32, #tpu.memory_space<vmem_shared>>
      tpu.wait_dma2 semaphore(%run_scoped3A : memref<!tpu.dma_semaphore, #tpu.memory_space<semaphore_mem>>) src(%arg5 : memref<128x128xf32, #tpu.memory_space<hbm>>) dst(%dma_wait3A_56 : memref<128x128xf32, #tpu.memory_space<vmem_shared>>)
      tpu.yield
    }) : () -> ()
    %barrier3A = arith.constant 0 : index
    tpu.barrier barrier_id(%barrier3A)
    %eq3A = arith.constant 0 : i32
    %eq3A_13 = arith.cmpi eq, %arg0, %eq3A : i32
    %mul3A_14 = arith.constant 160 : i32
    %mul3A_15 = arith.muli %arg1, %mul3A_14 : i32
    %mul3A_16 = arith.constant 0 : i32
    %mul3A_17 = arith.muli %arg1, %mul3A_16 : i32
    %add3A_18 = arith.constant 2560 : i32
    %add3A_19 = arith.addi %add3A_18, %mul3A_17 : i32
    %select_n3A = arith.select %eq3A_13, %mul3A_15, %add3A_19 : i32
    %eq3A_20 = arith.constant 0 : i32
    %eq3A_21 = arith.cmpi eq, %arg0, %eq3A_20 : i32
    %select_n3A_22 = arith.constant 0 : i32
    %select_n3A_23 = arith.constant 4 : i32
    %select_n3A_24 = arith.select %eq3A_21, %select_n3A_23, %select_n3A_22 : i32
    %while3A = arith.constant 0 : i32
    %while3A_25 = arith.constant 0 : i32
    %while3A_26 = arith.subi %select_n3A_24, %while3A_25 : i32
    %while3A_27 = arith.addi %while3A_25, %while3A_26 : i32
    %while3A_28 = arith.constant 1 : i32
    %while3A_29 = arith.divsi %while3A_26, %while3A_28 : i32
    %while3A_30 = arith.muli %while3A_29, %while3A_28 : i32
    %while3A_31 = arith.addi %while3A_25, %while3A_30 : i32
    %while3A_32 = arith.constant 1 : i32
    scf.for %while3A_55 = %while3A_25 to %while3A_31 step %while3A_32  : i32 {
      %mul3A_56 = arith.constant 40 : i32
      %mul3A_57 = arith.muli %while3A_55, %mul3A_56 : i32
      %add3A_58 = arith.addi %select_n3A, %mul3A_57 : i32
      %multiple_of3A = tpu.assume_multiple %add3A_58, 8 : i32
      "tpu.region"() ({
        %run_scoped3A = tpu.sem_alloc : memref<!tpu.dma_semaphore, #tpu.memory_space<semaphore_mem>>
        %dma_start3A_70 = arith.constant 0 : i32
        %dma_start3A_71 = tpu.memref_slice %arg3[%multiple_of3A, %dma_start3A_70] : memref<2560x128xi32, #tpu.memory_space<hbm>> -> memref<40x128xi32, #tpu.memory_space<hbm>>
        %dma_start3A_72 = arith.constant 0 : i32
        %dma_start3A_73 = tpu.memref_slice %arg3[%multiple_of3A, %dma_start3A_72] : memref<2560x128xi32, #tpu.memory_space<hbm>> -> memref<40x128xi32, #tpu.memory_space<hbm>>
        tpu.enqueue_dma source(%dma_start3A_73 : memref<40x128xi32, #tpu.memory_space<hbm>>) target(%arg7 : memref<40x128xi32, #tpu.memory_space<vmem>>) target_semaphore(%run_scoped3A : memref<!tpu.dma_semaphore, #tpu.memory_space<semaphore_mem>>)
        %dma_wait3A = arith.constant 0 : i32
        %dma_wait3A_74 = tpu.memref_slice %arg3[%multiple_of3A, %dma_wait3A] : memref<2560x128xi32, #tpu.memory_space<hbm>> -> memref<40x128xi32, #tpu.memory_space<hbm>>
        %dma_wait3A_75 = arith.constant 0 : i32
        %dma_wait3A_76 = tpu.memref_slice %arg3[%multiple_of3A, %dma_wait3A_75] : memref<2560x128xi32, #tpu.memory_space<hbm>> -> memref<40x128xi32, #tpu.memory_space<hbm>>
        tpu.wait_dma2 semaphore(%run_scoped3A : memref<!tpu.dma_semaphore, #tpu.memory_space<semaphore_mem>>) src(%dma_wait3A_76 : memref<40x128xi32, #tpu.memory_space<hbm>>) dst(%arg7 : memref<40x128xi32, #tpu.memory_space<vmem>>)
        tpu.yield
      }) : () -> ()
      "tpu.region"() ({
        %run_scoped3A = tpu.sem_alloc : memref<!tpu.dma_semaphore, #tpu.memory_space<semaphore_mem>>
        %dma_start3A_70 = arith.constant 0 : i32
        %dma_start3A_71 = tpu.memref_slice %arg4[%multiple_of3A, %dma_start3A_70] : memref<2560x128xi32, #tpu.memory_space<hbm>> -> memref<40x128xi32, #tpu.memory_space<hbm>>
        %dma_start3A_72 = arith.constant 0 : i32
        %dma_start3A_73 = tpu.memref_slice %arg4[%multiple_of3A, %dma_start3A_72] : memref<2560x128xi32, #tpu.memory_space<hbm>> -> memref<40x128xi32, #tpu.memory_space<hbm>>
        tpu.enqueue_dma source(%dma_start3A_73 : memref<40x128xi32, #tpu.memory_space<hbm>>) target(%arg8 : memref<40x128xi32, #tpu.memory_space<vmem>>) target_semaphore(%run_scoped3A : memref<!tpu.dma_semaphore, #tpu.memory_space<semaphore_mem>>)
        %dma_wait3A = arith.constant 0 : i32
        %dma_wait3A_74 = tpu.memref_slice %arg4[%multiple_of3A, %dma_wait3A] : memref<2560x128xi32, #tpu.memory_space<hbm>> -> memref<40x128xi32, #tpu.memory_space<hbm>>
        %dma_wait3A_75 = arith.constant 0 : i32
        %dma_wait3A_76 = tpu.memref_slice %arg4[%multiple_of3A, %dma_wait3A_75] : memref<2560x128xi32, #tpu.memory_space<hbm>> -> memref<40x128xi32, #tpu.memory_space<hbm>>
        tpu.wait_dma2 semaphore(%run_scoped3A : memref<!tpu.dma_semaphore, #tpu.memory_space<semaphore_mem>>) src(%dma_wait3A_76 : memref<40x128xi32, #tpu.memory_space<hbm>>) dst(%arg8 : memref<40x128xi32, #tpu.memory_space<vmem>>)
        tpu.yield
      }) : () -> ()
      %dma_start3A = arith.constant 0 : i32
      %dma_start3A_59 = arith.constant 0 : i32
      %dma_start3A_60 = tpu.memref_slice %arg7[%dma_start3A, %dma_start3A_59] : memref<40x128xi32, #tpu.memory_space<vmem>> -> memref<1x128xi32, #tpu.memory_space<vmem>>
      %dma_start3A_61 = tpu.memref_squeeze %dma_start3A_60 : memref<1x128xi32, #tpu.memory_space<vmem>> -> memref<128xi32, #tpu.memory_space<vmem>>
      %dma_start3A_62 = arith.constant 0 : i32
      %dma_start3A_63 = arith.constant 0 : i32
      %dma_start3A_64 = tpu.memref_slice %arg2[%dma_start3A_62, %dma_start3A_63] : memref<10000x128xf32, #tpu.memory_space<hbm>> -> memref<10000x128xf32, #tpu.memory_space<hbm>>
      tpu.enqueue_indirect_dma source(%dma_start3A_64 : memref<10000x128xf32, #tpu.memory_space<hbm>>) target(%arg9 : memref<128x128xf32, #tpu.memory_space<vmem>>) offsets(%dma_start3A_61 : memref<128xi32, #tpu.memory_space<vmem>>) semaphore(%arg12 : memref<!tpu.dma_semaphore, #tpu.memory_space<semaphore_mem>>)
      %scan3A = arith.constant 0 : i32
      %scan3A_65 = arith.constant 0 : i32
      %scan3A_66 = arith.constant 20 : i32
      %scan3A_67 = arith.addi %scan3A_65, %scan3A_66 : i32
      %scan3A_68 = arith.constant 1 : i32
      scf.for %scan3A_70 = %scan3A_65 to %scan3A_67 step %scan3A_68  : i32 {
        %mul3A_71 = arith.constant 2 : i32
        %mul3A_72 = arith.muli %mul3A_71, %scan3A_70 : i32
        %mul3A_73 = arith.constant 2 : i32
        %mul3A_74 = arith.muli %mul3A_73, %scan3A_70 : i32
        %add3A_75 = arith.constant 1 : i32
        %add3A_76 = arith.addi %mul3A_74, %add3A_75 : i32
        %dma_wait3A = arith.constant 0 : i32
        %dma_wait3A_77 = tpu.memref_slice %arg7[%mul3A_72, %dma_wait3A] : memref<40x128xi32, #tpu.memory_space<vmem>> -> memref<1x128xi32, #tpu.memory_space<vmem>>
        %dma_wait3A_78 = tpu.memref_squeeze %dma_wait3A_77 : memref<1x128xi32, #tpu.memory_space<vmem>> -> memref<128xi32, #tpu.memory_space<vmem>>
        %dma_wait3A_79 = arith.constant 0 : i32
        %dma_wait3A_80 = arith.constant 0 : i32
        %dma_wait3A_81 = tpu.memref_slice %arg2[%dma_wait3A_79, %dma_wait3A_80] : memref<10000x128xf32, #tpu.memory_space<hbm>> -> memref<10000x128xf32, #tpu.memory_space<hbm>>
        tpu.wait_indirect_dma semaphore(%arg12 : memref<!tpu.dma_semaphore, #tpu.memory_space<semaphore_mem>>) src(%dma_wait3A_81 : memref<10000x128xf32, #tpu.memory_space<hbm>>) dst(%arg9 : memref<128x128xf32, #tpu.memory_space<vmem>>)
        %dma_start3A_82 = arith.constant 0 : i32
        %dma_start3A_83 = tpu.memref_slice %arg7[%add3A_76, %dma_start3A_82] : memref<40x128xi32, #tpu.memory_space<vmem>> -> memref<1x128xi32, #tpu.memory_space<vmem>>
        %dma_start3A_84 = tpu.memref_squeeze %dma_start3A_83 : memref<1x128xi32, #tpu.memory_space<vmem>> -> memref<128xi32, #tpu.memory_space<vmem>>
        %dma_start3A_85 = arith.constant 0 : i32
        %dma_start3A_86 = arith.constant 0 : i32
        %dma_start3A_87 = tpu.memref_slice %arg2[%dma_start3A_85, %dma_start3A_86] : memref<10000x128xf32, #tpu.memory_space<hbm>> -> memref<10000x128xf32, #tpu.memory_space<hbm>>
        tpu.enqueue_indirect_dma source(%dma_start3A_87 : memref<10000x128xf32, #tpu.memory_space<hbm>>) target(%arg10 : memref<128x128xf32, #tpu.memory_space<vmem>>) offsets(%dma_start3A_84 : memref<128xi32, #tpu.memory_space<vmem>>) semaphore(%arg13 : memref<!tpu.dma_semaphore, #tpu.memory_space<semaphore_mem>>)
        %dma_start3A_88 = arith.constant 0 : i32
        %dma_start3A_89 = tpu.memref_slice %arg8[%mul3A_72, %dma_start3A_88] : memref<40x128xi32, #tpu.memory_space<vmem>> -> memref<1x128xi32, #tpu.memory_space<vmem>>
        %dma_start3A_90 = tpu.memref_squeeze %dma_start3A_89 : memref<1x128xi32, #tpu.memory_space<vmem>> -> memref<128xi32, #tpu.memory_space<vmem>>
        %dma_start3A_91 = arith.constant 0 : i32
        %dma_start3A_92 = arith.constant 0 : i32
        %dma_start3A_93 = tpu.memref_slice %arg11[%dma_start3A_91, %dma_start3A_92] : memref<10240x128xf32, #tpu.memory_space<vmem_shared>> -> memref<10240x128xf32, #tpu.memory_space<vmem_shared>>
        tpu.enqueue_indirect_dma source(%arg9 : memref<128x128xf32, #tpu.memory_space<vmem>>) target(%dma_start3A_93 : memref<10240x128xf32, #tpu.memory_space<vmem_shared>>) offsets(%dma_start3A_90 : memref<128xi32, #tpu.memory_space<vmem>>) semaphore(%arg14 : memref<!tpu.dma_semaphore, #tpu.memory_space<semaphore_mem>>) {add = true}
        %dma_wait3A_94 = arith.constant 0 : i32
        %dma_wait3A_95 = tpu.memref_slice %arg8[%mul3A_72, %dma_wait3A_94] : memref<40x128xi32, #tpu.memory_space<vmem>> -> memref<1x128xi32, #tpu.memory_space<vmem>>
        %dma_wait3A_96 = tpu.memref_squeeze %dma_wait3A_95 : memref<1x128xi32, #tpu.memory_space<vmem>> -> memref<128xi32, #tpu.memory_space<vmem>>
        %dma_wait3A_97 = arith.constant 0 : i32
        %dma_wait3A_98 = arith.constant 0 : i32
        %dma_wait3A_99 = tpu.memref_slice %arg11[%dma_wait3A_97, %dma_wait3A_98] : memref<10240x128xf32, #tpu.memory_space<vmem_shared>> -> memref<10240x128xf32, #tpu.memory_space<vmem_shared>>
        tpu.wait_indirect_dma semaphore(%arg14 : memref<!tpu.dma_semaphore, #tpu.memory_space<semaphore_mem>>) src(%arg9 : memref<128x128xf32, #tpu.memory_space<vmem>>) dst(%dma_wait3A_99 : memref<10240x128xf32, #tpu.memory_space<vmem_shared>>)
        %dma_wait3A_100 = arith.constant 0 : i32
        %dma_wait3A_101 = tpu.memref_slice %arg7[%add3A_76, %dma_wait3A_100] : memref<40x128xi32, #tpu.memory_space<vmem>> -> memref<1x128xi32, #tpu.memory_space<vmem>>
        %dma_wait3A_102 = tpu.memref_squeeze %dma_wait3A_101 : memref<1x128xi32, #tpu.memory_space<vmem>> -> memref<128xi32, #tpu.memory_space<vmem>>
        %dma_wait3A_103 = arith.constant 0 : i32
        %dma_wait3A_104 = arith.constant 0 : i32
        %dma_wait3A_105 = tpu.memref_slice %arg2[%dma_wait3A_103, %dma_wait3A_104] : memref<10000x128xf32, #tpu.memory_space<hbm>> -> memref<10000x128xf32, #tpu.memory_space<hbm>>
        tpu.wait_indirect_dma semaphore(%arg13 : memref<!tpu.dma_semaphore, #tpu.memory_space<semaphore_mem>>) src(%dma_wait3A_105 : memref<10000x128xf32, #tpu.memory_space<hbm>>) dst(%arg10 : memref<128x128xf32, #tpu.memory_space<vmem>>)
        %lt3A = arith.constant 19 : i32
        %lt3A_106 = arith.cmpi slt, %scan3A_70, %lt3A : i32
        %convert_element_type3A = arith.extui %lt3A_106 : i1 to i32
        %cond3A = arith.constant 0 : i32
        %cond3A_107 = arith.cmpi ne, %convert_element_type3A, %cond3A : i32
        scf.if %cond3A_107 {
          %add3A_120 = arith.constant 2 : i32
          %add3A_121 = arith.addi %mul3A_72, %add3A_120 : i32
          %dma_start3A_122 = arith.constant 0 : i32
          %dma_start3A_123 = tpu.memref_slice %arg7[%add3A_121, %dma_start3A_122] : memref<40x128xi32, #tpu.memory_space<vmem>> -> memref<1x128xi32, #tpu.memory_space<vmem>>
          %dma_start3A_124 = tpu.memref_squeeze %dma_start3A_123 : memref<1x128xi32, #tpu.memory_space<vmem>> -> memref<128xi32, #tpu.memory_space<vmem>>
          %dma_start3A_125 = arith.constant 0 : i32
          %dma_start3A_126 = arith.constant 0 : i32
          %dma_start3A_127 = tpu.memref_slice %arg2[%dma_start3A_125, %dma_start3A_126] : memref<10000x128xf32, #tpu.memory_space<hbm>> -> memref<10000x128xf32, #tpu.memory_space<hbm>>
          tpu.enqueue_indirect_dma source(%dma_start3A_127 : memref<10000x128xf32, #tpu.memory_space<hbm>>) target(%arg9 : memref<128x128xf32, #tpu.memory_space<vmem>>) offsets(%dma_start3A_124 : memref<128xi32, #tpu.memory_space<vmem>>) semaphore(%arg12 : memref<!tpu.dma_semaphore, #tpu.memory_space<semaphore_mem>>)
        } else {
        }
        %dma_start3A_108 = arith.constant 0 : i32
        %dma_start3A_109 = tpu.memref_slice %arg8[%add3A_76, %dma_start3A_108] : memref<40x128xi32, #tpu.memory_space<vmem>> -> memref<1x128xi32, #tpu.memory_space<vmem>>
        %dma_start3A_110 = tpu.memref_squeeze %dma_start3A_109 : memref<1x128xi32, #tpu.memory_space<vmem>> -> memref<128xi32, #tpu.memory_space<vmem>>
        %dma_start3A_111 = arith.constant 0 : i32
        %dma_start3A_112 = arith.constant 0 : i32
        %dma_start3A_113 = tpu.memref_slice %arg11[%dma_start3A_111, %dma_start3A_112] : memref<10240x128xf32, #tpu.memory_space<vmem_shared>> -> memref<10240x128xf32, #tpu.memory_space<vmem_shared>>
        tpu.enqueue_indirect_dma source(%arg10 : memref<128x128xf32, #tpu.memory_space<vmem>>) target(%dma_start3A_113 : memref<10240x128xf32, #tpu.memory_space<vmem_shared>>) offsets(%dma_start3A_110 : memref<128xi32, #tpu.memory_space<vmem>>) semaphore(%arg15 : memref<!tpu.dma_semaphore, #tpu.memory_space<semaphore_mem>>) {add = true}
        %dma_wait3A_114 = arith.constant 0 : i32
        %dma_wait3A_115 = tpu.memref_slice %arg8[%add3A_76, %dma_wait3A_114] : memref<40x128xi32, #tpu.memory_space<vmem>> -> memref<1x128xi32, #tpu.memory_space<vmem>>
        %dma_wait3A_116 = tpu.memref_squeeze %dma_wait3A_115 : memref<1x128xi32, #tpu.memory_space<vmem>> -> memref<128xi32, #tpu.memory_space<vmem>>
        %dma_wait3A_117 = arith.constant 0 : i32
        %dma_wait3A_118 = arith.constant 0 : i32
        %dma_wait3A_119 = tpu.memref_slice %arg11[%dma_wait3A_117, %dma_wait3A_118] : memref<10240x128xf32, #tpu.memory_space<vmem_shared>> -> memref<10240x128xf32, #tpu.memory_space<vmem_shared>>
        tpu.wait_indirect_dma semaphore(%arg15 : memref<!tpu.dma_semaphore, #tpu.memory_space<semaphore_mem>>) src(%arg10 : memref<128x128xf32, #tpu.memory_space<vmem>>) dst(%dma_wait3A_119 : memref<10240x128xf32, #tpu.memory_space<vmem_shared>>)
      }
      %scan3A_69 = arith.constant 20 : i32
    }
    %while3A_33 = arith.constant 1 : i32
    scf.for %while3A_55 = %while3A_31 to %while3A_27 step %while3A_33  : i32 {
      %mul3A_56 = arith.constant 40 : i32
      %mul3A_57 = arith.muli %while3A_55, %mul3A_56 : i32
      %add3A_58 = arith.addi %select_n3A, %mul3A_57 : i32
      %multiple_of3A = tpu.assume_multiple %add3A_58, 8 : i32
      "tpu.region"() ({
        %run_scoped3A = tpu.sem_alloc : memref<!tpu.dma_semaphore, #tpu.memory_space<semaphore_mem>>
        %dma_start3A_70 = arith.constant 0 : i32
        %dma_start3A_71 = tpu.memref_slice %arg3[%multiple_of3A, %dma_start3A_70] : memref<2560x128xi32, #tpu.memory_space<hbm>> -> memref<40x128xi32, #tpu.memory_space<hbm>>
        %dma_start3A_72 = arith.constant 0 : i32
        %dma_start3A_73 = tpu.memref_slice %arg3[%multiple_of3A, %dma_start3A_72] : memref<2560x128xi32, #tpu.memory_space<hbm>> -> memref<40x128xi32, #tpu.memory_space<hbm>>
        tpu.enqueue_dma source(%dma_start3A_73 : memref<40x128xi32, #tpu.memory_space<hbm>>) target(%arg7 : memref<40x128xi32, #tpu.memory_space<vmem>>) target_semaphore(%run_scoped3A : memref<!tpu.dma_semaphore, #tpu.memory_space<semaphore_mem>>)
        %dma_wait3A = arith.constant 0 : i32
        %dma_wait3A_74 = tpu.memref_slice %arg3[%multiple_of3A, %dma_wait3A] : memref<2560x128xi32, #tpu.memory_space<hbm>> -> memref<40x128xi32, #tpu.memory_space<hbm>>
        %dma_wait3A_75 = arith.constant 0 : i32
        %dma_wait3A_76 = tpu.memref_slice %arg3[%multiple_of3A, %dma_wait3A_75] : memref<2560x128xi32, #tpu.memory_space<hbm>> -> memref<40x128xi32, #tpu.memory_space<hbm>>
        tpu.wait_dma2 semaphore(%run_scoped3A : memref<!tpu.dma_semaphore, #tpu.memory_space<semaphore_mem>>) src(%dma_wait3A_76 : memref<40x128xi32, #tpu.memory_space<hbm>>) dst(%arg7 : memref<40x128xi32, #tpu.memory_space<vmem>>)
        tpu.yield
      }) : () -> ()
      "tpu.region"() ({
        %run_scoped3A = tpu.sem_alloc : memref<!tpu.dma_semaphore, #tpu.memory_space<semaphore_mem>>
        %dma_start3A_70 = arith.constant 0 : i32
        %dma_start3A_71 = tpu.memref_slice %arg4[%multiple_of3A, %dma_start3A_70] : memref<2560x128xi32, #tpu.memory_space<hbm>> -> memref<40x128xi32, #tpu.memory_space<hbm>>
        %dma_start3A_72 = arith.constant 0 : i32
        %dma_start3A_73 = tpu.memref_slice %arg4[%multiple_of3A, %dma_start3A_72] : memref<2560x128xi32, #tpu.memory_space<hbm>> -> memref<40x128xi32, #tpu.memory_space<hbm>>
        tpu.enqueue_dma source(%dma_start3A_73 : memref<40x128xi32, #tpu.memory_space<hbm>>) target(%arg8 : memref<40x128xi32, #tpu.memory_space<vmem>>) target_semaphore(%run_scoped3A : memref<!tpu.dma_semaphore, #tpu.memory_space<semaphore_mem>>)
        %dma_wait3A = arith.constant 0 : i32
        %dma_wait3A_74 = tpu.memref_slice %arg4[%multiple_of3A, %dma_wait3A] : memref<2560x128xi32, #tpu.memory_space<hbm>> -> memref<40x128xi32, #tpu.memory_space<hbm>>
        %dma_wait3A_75 = arith.constant 0 : i32
        %dma_wait3A_76 = tpu.memref_slice %arg4[%multiple_of3A, %dma_wait3A_75] : memref<2560x128xi32, #tpu.memory_space<hbm>> -> memref<40x128xi32, #tpu.memory_space<hbm>>
        tpu.wait_dma2 semaphore(%run_scoped3A : memref<!tpu.dma_semaphore, #tpu.memory_space<semaphore_mem>>) src(%dma_wait3A_76 : memref<40x128xi32, #tpu.memory_space<hbm>>) dst(%arg8 : memref<40x128xi32, #tpu.memory_space<vmem>>)
        tpu.yield
      }) : () -> ()
      %dma_start3A = arith.constant 0 : i32
      %dma_start3A_59 = arith.constant 0 : i32
      %dma_start3A_60 = tpu.memref_slice %arg7[%dma_start3A, %dma_start3A_59] : memref<40x128xi32, #tpu.memory_space<vmem>> -> memref<1x128xi32, #tpu.memory_space<vmem>>
      %dma_start3A_61 = tpu.memref_squeeze %dma_start3A_60 : memref<1x128xi32, #tpu.memory_space<vmem>> -> memref<128xi32, #tpu.memory_space<vmem>>
      %dma_start3A_62 = arith.constant 0 : i32
      %dma_start3A_63 = arith.constant 0 : i32
      %dma_start3A_64 = tpu.memref_slice %arg2[%dma_start3A_62, %dma_start3A_63] : memref<10000x128xf32, #tpu.memory_space<hbm>> -> memref<10000x128xf32, #tpu.memory_space<hbm>>
      tpu.enqueue_indirect_dma source(%dma_start3A_64 : memref<10000x128xf32, #tpu.memory_space<hbm>>) target(%arg9 : memref<128x128xf32, #tpu.memory_space<vmem>>) offsets(%dma_start3A_61 : memref<128xi32, #tpu.memory_space<vmem>>) semaphore(%arg12 : memref<!tpu.dma_semaphore, #tpu.memory_space<semaphore_mem>>)
      %scan3A = arith.constant 0 : i32
      %scan3A_65 = arith.constant 0 : i32
      %scan3A_66 = arith.constant 20 : i32
      %scan3A_67 = arith.addi %scan3A_65, %scan3A_66 : i32
      %scan3A_68 = arith.constant 1 : i32
      scf.for %scan3A_70 = %scan3A_65 to %scan3A_67 step %scan3A_68  : i32 {
        %mul3A_71 = arith.constant 2 : i32
        %mul3A_72 = arith.muli %mul3A_71, %scan3A_70 : i32
        %mul3A_73 = arith.constant 2 : i32
        %mul3A_74 = arith.muli %mul3A_73, %scan3A_70 : i32
        %add3A_75 = arith.constant 1 : i32
        %add3A_76 = arith.addi %mul3A_74, %add3A_75 : i32
        %dma_wait3A = arith.constant 0 : i32
        %dma_wait3A_77 = tpu.memref_slice %arg7[%mul3A_72, %dma_wait3A] : memref<40x128xi32, #tpu.memory_space<vmem>> -> memref<1x128xi32, #tpu.memory_space<vmem>>
        %dma_wait3A_78 = tpu.memref_squeeze %dma_wait3A_77 : memref<1x128xi32, #tpu.memory_space<vmem>> -> memref<128xi32, #tpu.memory_space<vmem>>
        %dma_wait3A_79 = arith.constant 0 : i32
        %dma_wait3A_80 = arith.constant 0 : i32
        %dma_wait3A_81 = tpu.memref_slice %arg2[%dma_wait3A_79, %dma_wait3A_80] : memref<10000x128xf32, #tpu.memory_space<hbm>> -> memref<10000x128xf32, #tpu.memory_space<hbm>>
        tpu.wait_indirect_dma semaphore(%arg12 : memref<!tpu.dma_semaphore, #tpu.memory_space<semaphore_mem>>) src(%dma_wait3A_81 : memref<10000x128xf32, #tpu.memory_space<hbm>>) dst(%arg9 : memref<128x128xf32, #tpu.memory_space<vmem>>)
        %dma_start3A_82 = arith.constant 0 : i32
        %dma_start3A_83 = tpu.memref_slice %arg7[%add3A_76, %dma_start3A_82] : memref<40x128xi32, #tpu.memory_space<vmem>> -> memref<1x128xi32, #tpu.memory_space<vmem>>
        %dma_start3A_84 = tpu.memref_squeeze %dma_start3A_83 : memref<1x128xi32, #tpu.memory_space<vmem>> -> memref<128xi32, #tpu.memory_space<vmem>>
        %dma_start3A_85 = arith.constant 0 : i32
        %dma_start3A_86 = arith.constant 0 : i32
        %dma_start3A_87 = tpu.memref_slice %arg2[%dma_start3A_85, %dma_start3A_86] : memref<10000x128xf32, #tpu.memory_space<hbm>> -> memref<10000x128xf32, #tpu.memory_space<hbm>>
        tpu.enqueue_indirect_dma source(%dma_start3A_87 : memref<10000x128xf32, #tpu.memory_space<hbm>>) target(%arg10 : memref<128x128xf32, #tpu.memory_space<vmem>>) offsets(%dma_start3A_84 : memref<128xi32, #tpu.memory_space<vmem>>) semaphore(%arg13 : memref<!tpu.dma_semaphore, #tpu.memory_space<semaphore_mem>>)
        %dma_start3A_88 = arith.constant 0 : i32
        %dma_start3A_89 = tpu.memref_slice %arg8[%mul3A_72, %dma_start3A_88] : memref<40x128xi32, #tpu.memory_space<vmem>> -> memref<1x128xi32, #tpu.memory_space<vmem>>
        %dma_start3A_90 = tpu.memref_squeeze %dma_start3A_89 : memref<1x128xi32, #tpu.memory_space<vmem>> -> memref<128xi32, #tpu.memory_space<vmem>>
        %dma_start3A_91 = arith.constant 0 : i32
        %dma_start3A_92 = arith.constant 0 : i32
        %dma_start3A_93 = tpu.memref_slice %arg11[%dma_start3A_91, %dma_start3A_92] : memref<10240x128xf32, #tpu.memory_space<vmem_shared>> -> memref<10240x128xf32, #tpu.memory_space<vmem_shared>>
        tpu.enqueue_indirect_dma source(%arg9 : memref<128x128xf32, #tpu.memory_space<vmem>>) target(%dma_start3A_93 : memref<10240x128xf32, #tpu.memory_space<vmem_shared>>) offsets(%dma_start3A_90 : memref<128xi32, #tpu.memory_space<vmem>>) semaphore(%arg14 : memref<!tpu.dma_semaphore, #tpu.memory_space<semaphore_mem>>) {add = true}
        %dma_wait3A_94 = arith.constant 0 : i32
        %dma_wait3A_95 = tpu.memref_slice %arg8[%mul3A_72, %dma_wait3A_94] : memref<40x128xi32, #tpu.memory_space<vmem>> -> memref<1x128xi32, #tpu.memory_space<vmem>>
        %dma_wait3A_96 = tpu.memref_squeeze %dma_wait3A_95 : memref<1x128xi32, #tpu.memory_space<vmem>> -> memref<128xi32, #tpu.memory_space<vmem>>
        %dma_wait3A_97 = arith.constant 0 : i32
        %dma_wait3A_98 = arith.constant 0 : i32
        %dma_wait3A_99 = tpu.memref_slice %arg11[%dma_wait3A_97, %dma_wait3A_98] : memref<10240x128xf32, #tpu.memory_space<vmem_shared>> -> memref<10240x128xf32, #tpu.memory_space<vmem_shared>>
        tpu.wait_indirect_dma semaphore(%arg14 : memref<!tpu.dma_semaphore, #tpu.memory_space<semaphore_mem>>) src(%arg9 : memref<128x128xf32, #tpu.memory_space<vmem>>) dst(%dma_wait3A_99 : memref<10240x128xf32, #tpu.memory_space<vmem_shared>>)
        %dma_wait3A_100 = arith.constant 0 : i32
        %dma_wait3A_101 = tpu.memref_slice %arg7[%add3A_76, %dma_wait3A_100] : memref<40x128xi32, #tpu.memory_space<vmem>> -> memref<1x128xi32, #tpu.memory_space<vmem>>
        %dma_wait3A_102 = tpu.memref_squeeze %dma_wait3A_101 : memref<1x128xi32, #tpu.memory_space<vmem>> -> memref<128xi32, #tpu.memory_space<vmem>>
        %dma_wait3A_103 = arith.constant 0 : i32
        %dma_wait3A_104 = arith.constant 0 : i32
        %dma_wait3A_105 = tpu.memref_slice %arg2[%dma_wait3A_103, %dma_wait3A_104] : memref<10000x128xf32, #tpu.memory_space<hbm>> -> memref<10000x128xf32, #tpu.memory_space<hbm>>
        tpu.wait_indirect_dma semaphore(%arg13 : memref<!tpu.dma_semaphore, #tpu.memory_space<semaphore_mem>>) src(%dma_wait3A_105 : memref<10000x128xf32, #tpu.memory_space<hbm>>) dst(%arg10 : memref<128x128xf32, #tpu.memory_space<vmem>>)
        %lt3A = arith.constant 19 : i32
        %lt3A_106 = arith.cmpi slt, %scan3A_70, %lt3A : i32
        %convert_element_type3A = arith.extui %lt3A_106 : i1 to i32
        %cond3A = arith.constant 0 : i32
        %cond3A_107 = arith.cmpi ne, %convert_element_type3A, %cond3A : i32
        scf.if %cond3A_107 {
          %add3A_120 = arith.constant 2 : i32
          %add3A_121 = arith.addi %mul3A_72, %add3A_120 : i32
          %dma_start3A_122 = arith.constant 0 : i32
          %dma_start3A_123 = tpu.memref_slice %arg7[%add3A_121, %dma_start3A_122] : memref<40x128xi32, #tpu.memory_space<vmem>> -> memref<1x128xi32, #tpu.memory_space<vmem>>
          %dma_start3A_124 = tpu.memref_squeeze %dma_start3A_123 : memref<1x128xi32, #tpu.memory_space<vmem>> -> memref<128xi32, #tpu.memory_space<vmem>>
          %dma_start3A_125 = arith.constant 0 : i32
          %dma_start3A_126 = arith.constant 0 : i32
          %dma_start3A_127 = tpu.memref_slice %arg2[%dma_start3A_125, %dma_start3A_126] : memref<10000x128xf32, #tpu.memory_space<hbm>> -> memref<10000x128xf32, #tpu.memory_space<hbm>>
          tpu.enqueue_indirect_dma source(%dma_start3A_127 : memref<10000x128xf32, #tpu.memory_space<hbm>>) target(%arg9 : memref<128x128xf32, #tpu.memory_space<vmem>>) offsets(%dma_start3A_124 : memref<128xi32, #tpu.memory_space<vmem>>) semaphore(%arg12 : memref<!tpu.dma_semaphore, #tpu.memory_space<semaphore_mem>>)
        } else {
        }
        %dma_start3A_108 = arith.constant 0 : i32
        %dma_start3A_109 = tpu.memref_slice %arg8[%add3A_76, %dma_start3A_108] : memref<40x128xi32, #tpu.memory_space<vmem>> -> memref<1x128xi32, #tpu.memory_space<vmem>>
        %dma_start3A_110 = tpu.memref_squeeze %dma_start3A_109 : memref<1x128xi32, #tpu.memory_space<vmem>> -> memref<128xi32, #tpu.memory_space<vmem>>
        %dma_start3A_111 = arith.constant 0 : i32
        %dma_start3A_112 = arith.constant 0 : i32
        %dma_start3A_113 = tpu.memref_slice %arg11[%dma_start3A_111, %dma_start3A_112] : memref<10240x128xf32, #tpu.memory_space<vmem_shared>> -> memref<10240x128xf32, #tpu.memory_space<vmem_shared>>
        tpu.enqueue_indirect_dma source(%arg10 : memref<128x128xf32, #tpu.memory_space<vmem>>) target(%dma_start3A_113 : memref<10240x128xf32, #tpu.memory_space<vmem_shared>>) offsets(%dma_start3A_110 : memref<128xi32, #tpu.memory_space<vmem>>) semaphore(%arg15 : memref<!tpu.dma_semaphore, #tpu.memory_space<semaphore_mem>>) {add = true}
        %dma_wait3A_114 = arith.constant 0 : i32
        %dma_wait3A_115 = tpu.memref_slice %arg8[%add3A_76, %dma_wait3A_114] : memref<40x128xi32, #tpu.memory_space<vmem>> -> memref<1x128xi32, #tpu.memory_space<vmem>>
        %dma_wait3A_116 = tpu.memref_squeeze %dma_wait3A_115 : memref<1x128xi32, #tpu.memory_space<vmem>> -> memref<128xi32, #tpu.memory_space<vmem>>
        %dma_wait3A_117 = arith.constant 0 : i32
        %dma_wait3A_118 = arith.constant 0 : i32
        %dma_wait3A_119 = tpu.memref_slice %arg11[%dma_wait3A_117, %dma_wait3A_118] : memref<10240x128xf32, #tpu.memory_space<vmem_shared>> -> memref<10240x128xf32, #tpu.memory_space<vmem_shared>>
        tpu.wait_indirect_dma semaphore(%arg15 : memref<!tpu.dma_semaphore, #tpu.memory_space<semaphore_mem>>) src(%arg10 : memref<128x128xf32, #tpu.memory_space<vmem>>) dst(%dma_wait3A_119 : memref<10240x128xf32, #tpu.memory_space<vmem_shared>>)
      }
      %scan3A_69 = arith.constant 20 : i32
    }
    %barrier3A_34 = arith.constant 0 : index
    tpu.barrier barrier_id(%barrier3A_34)
    %add3A_35 = arith.constant 0 : i32
    %add3A_36 = arith.addi %mul3A_2, %add3A_35 : i32
    %add3A_37 = arith.constant 0 : i32
    %add3A_38 = arith.addi %mul3A_2, %add3A_37 : i32
    "tpu.region"() ({
      %run_scoped3A = tpu.sem_alloc : memref<!tpu.dma_semaphore, #tpu.memory_space<semaphore_mem>>
      %dma_start3A = arith.constant 0 : i32
      %dma_start3A_55 = tpu.memref_slice %arg6[%arg0, %add3A_38, %dma_start3A] : memref<2x10240x128xf32, #tpu.memory_space<hbm>> -> memref<1x128x128xf32, #tpu.memory_space<hbm>>
      %dma_start3A_56 = tpu.memref_squeeze %dma_start3A_55 : memref<1x128x128xf32, #tpu.memory_space<hbm>> -> memref<128x128xf32, #tpu.memory_space<hbm>>
      %dma_start3A_57 = arith.constant 0 : i32
      %dma_start3A_58 = tpu.memref_slice %arg11[%add3A_36, %dma_start3A_57] : memref<10240x128xf32, #tpu.memory_space<vmem_shared>> -> memref<128x128xf32, #tpu.memory_space<vmem_shared>>
      tpu.enqueue_dma source(%dma_start3A_58 : memref<128x128xf32, #tpu.memory_space<vmem_shared>>) target(%dma_start3A_56 : memref<128x128xf32, #tpu.memory_space<hbm>>) target_semaphore(%run_scoped3A : memref<!tpu.dma_semaphore, #tpu.memory_space<semaphore_mem>>)
      %dma_wait3A = arith.constant 0 : i32
      %dma_wait3A_59 = tpu.memref_slice %arg6[%arg0, %add3A_38, %dma_wait3A] : memref<2x10240x128xf32, #tpu.memory_space<hbm>> -> memref<1x128x128xf32, #tpu.memory_space<hbm>>
      %dma_wait3A_60 = tpu.memref_squeeze %dma_wait3A_59 : memref<1x128x128xf32, #tpu.memory_space<hbm>> -> memref<128x128xf32, #tpu.memory_space<hbm>>
      %dma_wait3A_61 = arith.constant 0 : i32
      %dma_wait3A_62 = tpu.memref_slice %arg11[%add3A_36, %dma_wait3A_61] : memref<10240x128xf32, #tpu.memory_space<vmem_shared>> -> memref<128x128xf32, #tpu.memory_space<vmem_shared>>
      tpu.wait_dma2 semaphore(%run_scoped3A : memref<!tpu.dma_semaphore, #tpu.memory_space<semaphore_mem>>) src(%dma_wait3A_62 : memref<128x128xf32, #tpu.memory_space<vmem_shared>>) dst(%dma_wait3A_60 : memref<128x128xf32, #tpu.memory_space<hbm>>)
      tpu.yield
    }) : () -> ()
    %add3A_39 = arith.constant 128 : i32
    %add3A_40 = arith.addi %mul3A_2, %add3A_39 : i32
    %add3A_41 = arith.constant 128 : i32
    %add3A_42 = arith.addi %mul3A_2, %add3A_41 : i32
    "tpu.region"() ({
      %run_scoped3A = tpu.sem_alloc : memref<!tpu.dma_semaphore, #tpu.memory_space<semaphore_mem>>
      %dma_start3A = arith.constant 0 : i32
      %dma_start3A_55 = tpu.memref_slice %arg6[%arg0, %add3A_42, %dma_start3A] : memref<2x10240x128xf32, #tpu.memory_space<hbm>> -> memref<1x128x128xf32, #tpu.memory_space<hbm>>
      %dma_start3A_56 = tpu.memref_squeeze %dma_start3A_55 : memref<1x128x128xf32, #tpu.memory_space<hbm>> -> memref<128x128xf32, #tpu.memory_space<hbm>>
      %dma_start3A_57 = arith.constant 0 : i32
      %dma_start3A_58 = tpu.memref_slice %arg11[%add3A_40, %dma_start3A_57] : memref<10240x128xf32, #tpu.memory_space<vmem_shared>> -> memref<128x128xf32, #tpu.memory_space<vmem_shared>>
      tpu.enqueue_dma source(%dma_start3A_58 : memref<128x128xf32, #tpu.memory_space<vmem_shared>>) target(%dma_start3A_56 : memref<128x128xf32, #tpu.memory_space<hbm>>) target_semaphore(%run_scoped3A : memref<!tpu.dma_semaphore, #tpu.memory_space<semaphore_mem>>)
      %dma_wait3A = arith.constant 0 : i32
      %dma_wait3A_59 = tpu.memref_slice %arg6[%arg0, %add3A_42, %dma_wait3A] : memref<2x10240x128xf32, #tpu.memory_space<hbm>> -> memref<1x128x128xf32, #tpu.memory_space<hbm>>
      %dma_wait3A_60 = tpu.memref_squeeze %dma_wait3A_59 : memref<1x128x128xf32, #tpu.memory_space<hbm>> -> memref<128x128xf32, #tpu.memory_space<hbm>>
      %dma_wait3A_61 = arith.constant 0 : i32
      %dma_wait3A_62 = tpu.memref_slice %arg11[%add3A_40, %dma_wait3A_61] : memref<10240x128xf32, #tpu.memory_space<vmem_shared>> -> memref<128x128xf32, #tpu.memory_space<vmem_shared>>
      tpu.wait_dma2 semaphore(%run_scoped3A : memref<!tpu.dma_semaphore, #tpu.memory_space<semaphore_mem>>) src(%dma_wait3A_62 : memref<128x128xf32, #tpu.memory_space<vmem_shared>>) dst(%dma_wait3A_60 : memref<128x128xf32, #tpu.memory_space<hbm>>)
      tpu.yield
    }) : () -> ()
    %add3A_43 = arith.constant 256 : i32
    %add3A_44 = arith.addi %mul3A_2, %add3A_43 : i32
    %add3A_45 = arith.constant 256 : i32
    %add3A_46 = arith.addi %mul3A_2, %add3A_45 : i32
    "tpu.region"() ({
      %run_scoped3A = tpu.sem_alloc : memref<!tpu.dma_semaphore, #tpu.memory_space<semaphore_mem>>
      %dma_start3A = arith.constant 0 : i32
      %dma_start3A_55 = tpu.memref_slice %arg6[%arg0, %add3A_46, %dma_start3A] : memref<2x10240x128xf32, #tpu.memory_space<hbm>> -> memref<1x128x128xf32, #tpu.memory_space<hbm>>
      %dma_start3A_56 = tpu.memref_squeeze %dma_start3A_55 : memref<1x128x128xf32, #tpu.memory_space<hbm>> -> memref<128x128xf32, #tpu.memory_space<hbm>>
      %dma_start3A_57 = arith.constant 0 : i32
      %dma_start3A_58 = tpu.memref_slice %arg11[%add3A_44, %dma_start3A_57] : memref<10240x128xf32, #tpu.memory_space<vmem_shared>> -> memref<128x128xf32, #tpu.memory_space<vmem_shared>>
      tpu.enqueue_dma source(%dma_start3A_58 : memref<128x128xf32, #tpu.memory_space<vmem_shared>>) target(%dma_start3A_56 : memref<128x128xf32, #tpu.memory_space<hbm>>) target_semaphore(%run_scoped3A : memref<!tpu.dma_semaphore, #tpu.memory_space<semaphore_mem>>)
      %dma_wait3A = arith.constant 0 : i32
      %dma_wait3A_59 = tpu.memref_slice %arg6[%arg0, %add3A_46, %dma_wait3A] : memref<2x10240x128xf32, #tpu.memory_space<hbm>> -> memref<1x128x128xf32, #tpu.memory_space<hbm>>
      %dma_wait3A_60 = tpu.memref_squeeze %dma_wait3A_59 : memref<1x128x128xf32, #tpu.memory_space<hbm>> -> memref<128x128xf32, #tpu.memory_space<hbm>>
      %dma_wait3A_61 = arith.constant 0 : i32
      %dma_wait3A_62 = tpu.memref_slice %arg11[%add3A_44, %dma_wait3A_61] : memref<10240x128xf32, #tpu.memory_space<vmem_shared>> -> memref<128x128xf32, #tpu.memory_space<vmem_shared>>
      tpu.wait_dma2 semaphore(%run_scoped3A : memref<!tpu.dma_semaphore, #tpu.memory_space<semaphore_mem>>) src(%dma_wait3A_62 : memref<128x128xf32, #tpu.memory_space<vmem_shared>>) dst(%dma_wait3A_60 : memref<128x128xf32, #tpu.memory_space<hbm>>)
      tpu.yield
    }) : () -> ()
    %add3A_47 = arith.constant 384 : i32
    %add3A_48 = arith.addi %mul3A_2, %add3A_47 : i32
    %add3A_49 = arith.constant 384 : i32
    %add3A_50 = arith.addi %mul3A_2, %add3A_49 : i32
    "tpu.region"() ({
      %run_scoped3A = tpu.sem_alloc : memref<!tpu.dma_semaphore, #tpu.memory_space<semaphore_mem>>
      %dma_start3A = arith.constant 0 : i32
      %dma_start3A_55 = tpu.memref_slice %arg6[%arg0, %add3A_50, %dma_start3A] : memref<2x10240x128xf32, #tpu.memory_space<hbm>> -> memref<1x128x128xf32, #tpu.memory_space<hbm>>
      %dma_start3A_56 = tpu.memref_squeeze %dma_start3A_55 : memref<1x128x128xf32, #tpu.memory_space<hbm>> -> memref<128x128xf32, #tpu.memory_space<hbm>>
      %dma_start3A_57 = arith.constant 0 : i32
      %dma_start3A_58 = tpu.memref_slice %arg11[%add3A_48, %dma_start3A_57] : memref<10240x128xf32, #tpu.memory_space<vmem_shared>> -> memref<128x128xf32, #tpu.memory_space<vmem_shared>>
      tpu.enqueue_dma source(%dma_start3A_58 : memref<128x128xf32, #tpu.memory_space<vmem_shared>>) target(%dma_start3A_56 : memref<128x128xf32, #tpu.memory_space<hbm>>) target_semaphore(%run_scoped3A : memref<!tpu.dma_semaphore, #tpu.memory_space<semaphore_mem>>)
      %dma_wait3A = arith.constant 0 : i32
      %dma_wait3A_59 = tpu.memref_slice %arg6[%arg0, %add3A_50, %dma_wait3A] : memref<2x10240x128xf32, #tpu.memory_space<hbm>> -> memref<1x128x128xf32, #tpu.memory_space<hbm>>
      %dma_wait3A_60 = tpu.memref_squeeze %dma_wait3A_59 : memref<1x128x128xf32, #tpu.memory_space<hbm>> -> memref<128x128xf32, #tpu.memory_space<hbm>>
      %dma_wait3A_61 = arith.constant 0 : i32
      %dma_wait3A_62 = tpu.memref_slice %arg11[%add3A_48, %dma_wait3A_61] : memref<10240x128xf32, #tpu.memory_space<vmem_shared>> -> memref<128x128xf32, #tpu.memory_space<vmem_shared>>
      tpu.wait_dma2 semaphore(%run_scoped3A : memref<!tpu.dma_semaphore, #tpu.memory_space<semaphore_mem>>) src(%dma_wait3A_62 : memref<128x128xf32, #tpu.memory_space<vmem_shared>>) dst(%dma_wait3A_60 : memref<128x128xf32, #tpu.memory_space<hbm>>)
      tpu.yield
    }) : () -> ()
    %add3A_51 = arith.constant 512 : i32
    %add3A_52 = arith.addi %mul3A_2, %add3A_51 : i32
    %add3A_53 = arith.constant 512 : i32
    %add3A_54 = arith.addi %mul3A_2, %add3A_53 : i32
    "tpu.region"() ({
      %run_scoped3A = tpu.sem_alloc : memref<!tpu.dma_semaphore, #tpu.memory_space<semaphore_mem>>
      %dma_start3A = arith.constant 0 : i32
      %dma_start3A_55 = tpu.memref_slice %arg6[%arg0, %add3A_54, %dma_start3A] : memref<2x10240x128xf32, #tpu.memory_space<hbm>> -> memref<1x128x128xf32, #tpu.memory_space<hbm>>
      %dma_start3A_56 = tpu.memref_squeeze %dma_start3A_55 : memref<1x128x128xf32, #tpu.memory_space<hbm>> -> memref<128x128xf32, #tpu.memory_space<hbm>>
      %dma_start3A_57 = arith.constant 0 : i32
      %dma_start3A_58 = tpu.memref_slice %arg11[%add3A_52, %dma_start3A_57] : memref<10240x128xf32, #tpu.memory_space<vmem_shared>> -> memref<128x128xf32, #tpu.memory_space<vmem_shared>>
      tpu.enqueue_dma source(%dma_start3A_58 : memref<128x128xf32, #tpu.memory_space<vmem_shared>>) target(%dma_start3A_56 : memref<128x128xf32, #tpu.memory_space<hbm>>) target_semaphore(%run_scoped3A : memref<!tpu.dma_semaphore, #tpu.memory_space<semaphore_mem>>)
      %dma_wait3A = arith.constant 0 : i32
      %dma_wait3A_59 = tpu.memref_slice %arg6[%arg0, %add3A_54, %dma_wait3A] : memref<2x10240x128xf32, #tpu.memory_space<hbm>> -> memref<1x128x128xf32, #tpu.memory_space<hbm>>
      %dma_wait3A_60 = tpu.memref_squeeze %dma_wait3A_59 : memref<1x128x128xf32, #tpu.memory_space<hbm>> -> memref<128x128xf32, #tpu.memory_space<hbm>>
      %dma_wait3A_61 = arith.constant 0 : i32
      %dma_wait3A_62 = tpu.memref_slice %arg11[%add3A_52, %dma_wait3A_61] : memref<10240x128xf32, #tpu.memory_space<vmem_shared>> -> memref<128x128xf32, #tpu.memory_space<vmem_shared>>
      tpu.wait_dma2 semaphore(%run_scoped3A : memref<!tpu.dma_semaphore, #tpu.memory_space<semaphore_mem>>) src(%dma_wait3A_62 : memref<128x128xf32, #tpu.memory_space<vmem_shared>>) dst(%dma_wait3A_60 : memref<128x128xf32, #tpu.memory_space<hbm>>)
      tpu.yield
    }) : () -> ()
    return
  }
}

#map = affine_map<(d0, d1) -> (0, 0)>
#map1 = affine_map<(d0, d1) -> (0, 0, 0)>
module attributes {stable_mosaic.version = 14 : i64} {
  func.func @_layer_body(%arg0: i32, %arg1: i32, %arg2: memref<10000x128xf32, #tpu.memory_space<hbm>>, %arg3: memref<2560x128xi32, #tpu.memory_space<hbm>>, %arg4: memref<2560x128xi32, #tpu.memory_space<hbm>>, %arg5: memref<128x128xf32, #tpu.memory_space<hbm>>, %arg6: memref<2x10240x128xf32, #tpu.memory_space<hbm>>, %arg7: memref<40x128xi32, #tpu.memory_space<vmem>>, %arg8: memref<40x128xi32, #tpu.memory_space<vmem>>, %arg9: memref<128x128xf32, #tpu.memory_space<vmem>>, %arg10: memref<128x128xf32, #tpu.memory_space<vmem>>, %arg11: memref<10240x128xf32, #tpu.memory_space<vmem_shared>>, %arg12: memref<!tpu.dma_semaphore, #tpu.memory_space<semaphore_mem>>, %arg13: memref<!tpu.dma_semaphore, #tpu.memory_space<semaphore_mem>>, %arg14: memref<!tpu.dma_semaphore, #tpu.memory_space<semaphore_mem>>, %arg15: memref<!tpu.dma_semaphore, #tpu.memory_space<semaphore_mem>>) attributes {dimension_semantics = [#tpu.dimension_semantics<core_parallel>, #tpu.dimension_semantics<subcore_parallel>], iteration_bounds = array<i64: 2, 16>, scalar_prefetch = 0 : i64, scratch_operands = 9 : i64, tpu.core_type = #tpu.core_type<sc_vector_subcore>, window_params = [{transform_indices = #map}, {transform_indices = #map}, {transform_indices = #map}, {transform_indices = #map}, {transform_indices = #map1}]} {
    %mul3A = arith.constant 16 : i32
    %mul3A_0 = arith.muli %arg0, %mul3A : i32
    %add3A = arith.addi %mul3A_0, %arg1 : i32
    %mul3A_1 = arith.constant 640 : i32
    %mul3A_2 = arith.muli %arg1, %mul3A_1 : i32
    %add3A_3 = arith.constant 0 : i32
    %add3A_4 = arith.addi %mul3A_2, %add3A_3 : i32
    "tpu.region"() ({
      %run_scoped3A = tpu.sem_alloc : memref<!tpu.dma_semaphore, #tpu.memory_space<semaphore_mem>>
      %dma_start3A = arith.constant 0 : i32
      %dma_start3A_55 = tpu.memref_slice %arg11[%add3A_4, %dma_start3A] : memref<10240x128xf32, #tpu.memory_space<vmem_shared>> -> memref<128x128xf32, #tpu.memory_space<vmem_shared>>
      tpu.enqueue_dma source(%arg5 : memref<128x128xf32, #tpu.memory_space<hbm>>) target(%dma_start3A_55 : memref<128x128xf32, #tpu.memory_space<vmem_shared>>) target_semaphore(%run_scoped3A : memref<!tpu.dma_semaphore, #tpu.memory_space<semaphore_mem>>)
      %dma_wait3A = arith.constant 0 : i32
      %dma_wait3A_56 = tpu.memref_slice %arg11[%add3A_4, %dma_wait3A] : memref<10240x128xf32, #tpu.memory_space<vmem_shared>> -> memref<128x128xf32, #tpu.memory_space<vmem_shared>>
      tpu.wait_dma2 semaphore(%run_scoped3A : memref<!tpu.dma_semaphore, #tpu.memory_space<semaphore_mem>>) src(%arg5 : memref<128x128xf32, #tpu.memory_space<hbm>>) dst(%dma_wait3A_56 : memref<128x128xf32, #tpu.memory_space<vmem_shared>>)
      tpu.yield
    }) : () -> ()
    %add3A_5 = arith.constant 128 : i32
    %add3A_6 = arith.addi %mul3A_2, %add3A_5 : i32
    "tpu.region"() ({
      %run_scoped3A = tpu.sem_alloc : memref<!tpu.dma_semaphore, #tpu.memory_space<semaphore_mem>>
      %dma_start3A = arith.constant 0 : i32
      %dma_start3A_55 = tpu.memref_slice %arg11[%add3A_6, %dma_start3A] : memref<10240x128xf32, #tpu.memory_space<vmem_shared>> -> memref<128x128xf32, #tpu.memory_space<vmem_shared>>
      tpu.enqueue_dma source(%arg5 : memref<128x128xf32, #tpu.memory_space<hbm>>) target(%dma_start3A_55 : memref<128x128xf32, #tpu.memory_space<vmem_shared>>) target_semaphore(%run_scoped3A : memref<!tpu.dma_semaphore, #tpu.memory_space<semaphore_mem>>)
      %dma_wait3A = arith.constant 0 : i32
      %dma_wait3A_56 = tpu.memref_slice %arg11[%add3A_6, %dma_wait3A] : memref<10240x128xf32, #tpu.memory_space<vmem_shared>> -> memref<128x128xf32, #tpu.memory_space<vmem_shared>>
      tpu.wait_dma2 semaphore(%run_scoped3A : memref<!tpu.dma_semaphore, #tpu.memory_space<semaphore_mem>>) src(%arg5 : memref<128x128xf32, #tpu.memory_space<hbm>>) dst(%dma_wait3A_56 : memref<128x128xf32, #tpu.memory_space<vmem_shared>>)
      tpu.yield
    }) : () -> ()
    %add3A_7 = arith.constant 256 : i32
    %add3A_8 = arith.addi %mul3A_2, %add3A_7 : i32
    "tpu.region"() ({
      %run_scoped3A = tpu.sem_alloc : memref<!tpu.dma_semaphore, #tpu.memory_space<semaphore_mem>>
      %dma_start3A = arith.constant 0 : i32
      %dma_start3A_55 = tpu.memref_slice %arg11[%add3A_8, %dma_start3A] : memref<10240x128xf32, #tpu.memory_space<vmem_shared>> -> memref<128x128xf32, #tpu.memory_space<vmem_shared>>
      tpu.enqueue_dma source(%arg5 : memref<128x128xf32, #tpu.memory_space<hbm>>) target(%dma_start3A_55 : memref<128x128xf32, #tpu.memory_space<vmem_shared>>) target_semaphore(%run_scoped3A : memref<!tpu.dma_semaphore, #tpu.memory_space<semaphore_mem>>)
      %dma_wait3A = arith.constant 0 : i32
      %dma_wait3A_56 = tpu.memref_slice %arg11[%add3A_8, %dma_wait3A] : memref<10240x128xf32, #tpu.memory_space<vmem_shared>> -> memref<128x128xf32, #tpu.memory_space<vmem_shared>>
      tpu.wait_dma2 semaphore(%run_scoped3A : memref<!tpu.dma_semaphore, #tpu.memory_space<semaphore_mem>>) src(%arg5 : memref<128x128xf32, #tpu.memory_space<hbm>>) dst(%dma_wait3A_56 : memref<128x128xf32, #tpu.memory_space<vmem_shared>>)
      tpu.yield
    }) : () -> ()
    %add3A_9 = arith.constant 384 : i32
    %add3A_10 = arith.addi %mul3A_2, %add3A_9 : i32
    "tpu.region"() ({
      %run_scoped3A = tpu.sem_alloc : memref<!tpu.dma_semaphore, #tpu.memory_space<semaphore_mem>>
      %dma_start3A = arith.constant 0 : i32
      %dma_start3A_55 = tpu.memref_slice %arg11[%add3A_10, %dma_start3A] : memref<10240x128xf32, #tpu.memory_space<vmem_shared>> -> memref<128x128xf32, #tpu.memory_space<vmem_shared>>
      tpu.enqueue_dma source(%arg5 : memref<128x128xf32, #tpu.memory_space<hbm>>) target(%dma_start3A_55 : memref<128x128xf32, #tpu.memory_space<vmem_shared>>) target_semaphore(%run_scoped3A : memref<!tpu.dma_semaphore, #tpu.memory_space<semaphore_mem>>)
      %dma_wait3A = arith.constant 0 : i32
      %dma_wait3A_56 = tpu.memref_slice %arg11[%add3A_10, %dma_wait3A] : memref<10240x128xf32, #tpu.memory_space<vmem_shared>> -> memref<128x128xf32, #tpu.memory_space<vmem_shared>>
      tpu.wait_dma2 semaphore(%run_scoped3A : memref<!tpu.dma_semaphore, #tpu.memory_space<semaphore_mem>>) src(%arg5 : memref<128x128xf32, #tpu.memory_space<hbm>>) dst(%dma_wait3A_56 : memref<128x128xf32, #tpu.memory_space<vmem_shared>>)
      tpu.yield
    }) : () -> ()
    %add3A_11 = arith.constant 512 : i32
    %add3A_12 = arith.addi %mul3A_2, %add3A_11 : i32
    "tpu.region"() ({
      %run_scoped3A = tpu.sem_alloc : memref<!tpu.dma_semaphore, #tpu.memory_space<semaphore_mem>>
      %dma_start3A = arith.constant 0 : i32
      %dma_start3A_55 = tpu.memref_slice %arg11[%add3A_12, %dma_start3A] : memref<10240x128xf32, #tpu.memory_space<vmem_shared>> -> memref<128x128xf32, #tpu.memory_space<vmem_shared>>
      tpu.enqueue_dma source(%arg5 : memref<128x128xf32, #tpu.memory_space<hbm>>) target(%dma_start3A_55 : memref<128x128xf32, #tpu.memory_space<vmem_shared>>) target_semaphore(%run_scoped3A : memref<!tpu.dma_semaphore, #tpu.memory_space<semaphore_mem>>)
      %dma_wait3A = arith.constant 0 : i32
      %dma_wait3A_56 = tpu.memref_slice %arg11[%add3A_12, %dma_wait3A] : memref<10240x128xf32, #tpu.memory_space<vmem_shared>> -> memref<128x128xf32, #tpu.memory_space<vmem_shared>>
      tpu.wait_dma2 semaphore(%run_scoped3A : memref<!tpu.dma_semaphore, #tpu.memory_space<semaphore_mem>>) src(%arg5 : memref<128x128xf32, #tpu.memory_space<hbm>>) dst(%dma_wait3A_56 : memref<128x128xf32, #tpu.memory_space<vmem_shared>>)
      tpu.yield
    }) : () -> ()
    %barrier3A = arith.constant 0 : index
    tpu.barrier barrier_id(%barrier3A)
    %eq3A = arith.constant 0 : i32
    %eq3A_13 = arith.cmpi eq, %arg0, %eq3A : i32
    %mul3A_14 = arith.constant 160 : i32
    %mul3A_15 = arith.muli %arg1, %mul3A_14 : i32
    %mul3A_16 = arith.constant 0 : i32
    %mul3A_17 = arith.muli %arg1, %mul3A_16 : i32
    %add3A_18 = arith.constant 2560 : i32
    %add3A_19 = arith.addi %add3A_18, %mul3A_17 : i32
    %select_n3A = arith.select %eq3A_13, %mul3A_15, %add3A_19 : i32
    %eq3A_20 = arith.constant 0 : i32
    %eq3A_21 = arith.cmpi eq, %arg0, %eq3A_20 : i32
    %select_n3A_22 = arith.constant 0 : i32
    %select_n3A_23 = arith.constant 4 : i32
    %select_n3A_24 = arith.select %eq3A_21, %select_n3A_23, %select_n3A_22 : i32
    %while3A = arith.constant 0 : i32
    %while3A_25 = arith.constant 0 : i32
    %while3A_26 = arith.subi %select_n3A_24, %while3A_25 : i32
    %while3A_27 = arith.addi %while3A_25, %while3A_26 : i32
    %while3A_28 = arith.constant 1 : i32
    %while3A_29 = arith.divsi %while3A_26, %while3A_28 : i32
    %while3A_30 = arith.muli %while3A_29, %while3A_28 : i32
    %while3A_31 = arith.addi %while3A_25, %while3A_30 : i32
    %while3A_32 = arith.constant 1 : i32
    scf.for %while3A_55 = %while3A_25 to %while3A_31 step %while3A_32  : i32 {
      %mul3A_56 = arith.constant 40 : i32
      %mul3A_57 = arith.muli %while3A_55, %mul3A_56 : i32
      %add3A_58 = arith.addi %select_n3A, %mul3A_57 : i32
      %multiple_of3A = tpu.assume_multiple %add3A_58, 8 : i32
      "tpu.region"() ({
        %run_scoped3A = tpu.sem_alloc : memref<!tpu.dma_semaphore, #tpu.memory_space<semaphore_mem>>
        %dma_start3A_70 = arith.constant 0 : i32
        %dma_start3A_71 = tpu.memref_slice %arg3[%multiple_of3A, %dma_start3A_70] : memref<2560x128xi32, #tpu.memory_space<hbm>> -> memref<40x128xi32, #tpu.memory_space<hbm>>
        %dma_start3A_72 = arith.constant 0 : i32
        %dma_start3A_73 = tpu.memref_slice %arg3[%multiple_of3A, %dma_start3A_72] : memref<2560x128xi32, #tpu.memory_space<hbm>> -> memref<40x128xi32, #tpu.memory_space<hbm>>
        tpu.enqueue_dma source(%dma_start3A_73 : memref<40x128xi32, #tpu.memory_space<hbm>>) target(%arg7 : memref<40x128xi32, #tpu.memory_space<vmem>>) target_semaphore(%run_scoped3A : memref<!tpu.dma_semaphore, #tpu.memory_space<semaphore_mem>>)
        %dma_wait3A = arith.constant 0 : i32
        %dma_wait3A_74 = tpu.memref_slice %arg3[%multiple_of3A, %dma_wait3A] : memref<2560x128xi32, #tpu.memory_space<hbm>> -> memref<40x128xi32, #tpu.memory_space<hbm>>
        %dma_wait3A_75 = arith.constant 0 : i32
        %dma_wait3A_76 = tpu.memref_slice %arg3[%multiple_of3A, %dma_wait3A_75] : memref<2560x128xi32, #tpu.memory_space<hbm>> -> memref<40x128xi32, #tpu.memory_space<hbm>>
        tpu.wait_dma2 semaphore(%run_scoped3A : memref<!tpu.dma_semaphore, #tpu.memory_space<semaphore_mem>>) src(%dma_wait3A_76 : memref<40x128xi32, #tpu.memory_space<hbm>>) dst(%arg7 : memref<40x128xi32, #tpu.memory_space<vmem>>)
        tpu.yield
      }) : () -> ()
      "tpu.region"() ({
        %run_scoped3A = tpu.sem_alloc : memref<!tpu.dma_semaphore, #tpu.memory_space<semaphore_mem>>
        %dma_start3A_70 = arith.constant 0 : i32
        %dma_start3A_71 = tpu.memref_slice %arg4[%multiple_of3A, %dma_start3A_70] : memref<2560x128xi32, #tpu.memory_space<hbm>> -> memref<40x128xi32, #tpu.memory_space<hbm>>
        %dma_start3A_72 = arith.constant 0 : i32
        %dma_start3A_73 = tpu.memref_slice %arg4[%multiple_of3A, %dma_start3A_72] : memref<2560x128xi32, #tpu.memory_space<hbm>> -> memref<40x128xi32, #tpu.memory_space<hbm>>
        tpu.enqueue_dma source(%dma_start3A_73 : memref<40x128xi32, #tpu.memory_space<hbm>>) target(%arg8 : memref<40x128xi32, #tpu.memory_space<vmem>>) target_semaphore(%run_scoped3A : memref<!tpu.dma_semaphore, #tpu.memory_space<semaphore_mem>>)
        %dma_wait3A = arith.constant 0 : i32
        %dma_wait3A_74 = tpu.memref_slice %arg4[%multiple_of3A, %dma_wait3A] : memref<2560x128xi32, #tpu.memory_space<hbm>> -> memref<40x128xi32, #tpu.memory_space<hbm>>
        %dma_wait3A_75 = arith.constant 0 : i32
        %dma_wait3A_76 = tpu.memref_slice %arg4[%multiple_of3A, %dma_wait3A_75] : memref<2560x128xi32, #tpu.memory_space<hbm>> -> memref<40x128xi32, #tpu.memory_space<hbm>>
        tpu.wait_dma2 semaphore(%run_scoped3A : memref<!tpu.dma_semaphore, #tpu.memory_space<semaphore_mem>>) src(%dma_wait3A_76 : memref<40x128xi32, #tpu.memory_space<hbm>>) dst(%arg8 : memref<40x128xi32, #tpu.memory_space<vmem>>)
        tpu.yield
      }) : () -> ()
      %dma_start3A = arith.constant 0 : i32
      %dma_start3A_59 = arith.constant 0 : i32
      %dma_start3A_60 = tpu.memref_slice %arg7[%dma_start3A, %dma_start3A_59] : memref<40x128xi32, #tpu.memory_space<vmem>> -> memref<1x128xi32, #tpu.memory_space<vmem>>
      %dma_start3A_61 = tpu.memref_squeeze %dma_start3A_60 : memref<1x128xi32, #tpu.memory_space<vmem>> -> memref<128xi32, #tpu.memory_space<vmem>>
      %dma_start3A_62 = arith.constant 0 : i32
      %dma_start3A_63 = arith.constant 0 : i32
      %dma_start3A_64 = tpu.memref_slice %arg2[%dma_start3A_62, %dma_start3A_63] : memref<10000x128xf32, #tpu.memory_space<hbm>> -> memref<10000x128xf32, #tpu.memory_space<hbm>>
      tpu.enqueue_indirect_dma source(%dma_start3A_64 : memref<10000x128xf32, #tpu.memory_space<hbm>>) target(%arg9 : memref<128x128xf32, #tpu.memory_space<vmem>>) offsets(%dma_start3A_61 : memref<128xi32, #tpu.memory_space<vmem>>) semaphore(%arg12 : memref<!tpu.dma_semaphore, #tpu.memory_space<semaphore_mem>>)
      %scan3A = arith.constant 0 : i32
      %scan3A_65 = arith.constant 0 : i32
      %scan3A_66 = arith.constant 20 : i32
      %scan3A_67 = arith.addi %scan3A_65, %scan3A_66 : i32
      %scan3A_68 = arith.constant 1 : i32
      scf.for %scan3A_70 = %scan3A_65 to %scan3A_67 step %scan3A_68  : i32 {
        %mul3A_71 = arith.constant 2 : i32
        %mul3A_72 = arith.muli %mul3A_71, %scan3A_70 : i32
        %mul3A_73 = arith.constant 2 : i32
        %mul3A_74 = arith.muli %mul3A_73, %scan3A_70 : i32
        %add3A_75 = arith.constant 1 : i32
        %add3A_76 = arith.addi %mul3A_74, %add3A_75 : i32
        %dma_wait3A = arith.constant 0 : i32
        %dma_wait3A_77 = tpu.memref_slice %arg7[%mul3A_72, %dma_wait3A] : memref<40x128xi32, #tpu.memory_space<vmem>> -> memref<1x128xi32, #tpu.memory_space<vmem>>
        %dma_wait3A_78 = tpu.memref_squeeze %dma_wait3A_77 : memref<1x128xi32, #tpu.memory_space<vmem>> -> memref<128xi32, #tpu.memory_space<vmem>>
        %dma_wait3A_79 = arith.constant 0 : i32
        %dma_wait3A_80 = arith.constant 0 : i32
        %dma_wait3A_81 = tpu.memref_slice %arg2[%dma_wait3A_79, %dma_wait3A_80] : memref<10000x128xf32, #tpu.memory_space<hbm>> -> memref<10000x128xf32, #tpu.memory_space<hbm>>
        tpu.wait_indirect_dma semaphore(%arg12 : memref<!tpu.dma_semaphore, #tpu.memory_space<semaphore_mem>>) src(%dma_wait3A_81 : memref<10000x128xf32, #tpu.memory_space<hbm>>) dst(%arg9 : memref<128x128xf32, #tpu.memory_space<vmem>>)
        %dma_start3A_82 = arith.constant 0 : i32
        %dma_start3A_83 = tpu.memref_slice %arg7[%add3A_76, %dma_start3A_82] : memref<40x128xi32, #tpu.memory_space<vmem>> -> memref<1x128xi32, #tpu.memory_space<vmem>>
        %dma_start3A_84 = tpu.memref_squeeze %dma_start3A_83 : memref<1x128xi32, #tpu.memory_space<vmem>> -> memref<128xi32, #tpu.memory_space<vmem>>
        %dma_start3A_85 = arith.constant 0 : i32
        %dma_start3A_86 = arith.constant 0 : i32
        %dma_start3A_87 = tpu.memref_slice %arg2[%dma_start3A_85, %dma_start3A_86] : memref<10000x128xf32, #tpu.memory_space<hbm>> -> memref<10000x128xf32, #tpu.memory_space<hbm>>
        tpu.enqueue_indirect_dma source(%dma_start3A_87 : memref<10000x128xf32, #tpu.memory_space<hbm>>) target(%arg10 : memref<128x128xf32, #tpu.memory_space<vmem>>) offsets(%dma_start3A_84 : memref<128xi32, #tpu.memory_space<vmem>>) semaphore(%arg13 : memref<!tpu.dma_semaphore, #tpu.memory_space<semaphore_mem>>)
        %dma_start3A_88 = arith.constant 0 : i32
        %dma_start3A_89 = tpu.memref_slice %arg8[%mul3A_72, %dma_start3A_88] : memref<40x128xi32, #tpu.memory_space<vmem>> -> memref<1x128xi32, #tpu.memory_space<vmem>>
        %dma_start3A_90 = tpu.memref_squeeze %dma_start3A_89 : memref<1x128xi32, #tpu.memory_space<vmem>> -> memref<128xi32, #tpu.memory_space<vmem>>
        %dma_start3A_91 = arith.constant 0 : i32
        %dma_start3A_92 = arith.constant 0 : i32
        %dma_start3A_93 = tpu.memref_slice %arg11[%dma_start3A_91, %dma_start3A_92] : memref<10240x128xf32, #tpu.memory_space<vmem_shared>> -> memref<10240x128xf32, #tpu.memory_space<vmem_shared>>
        tpu.enqueue_indirect_dma source(%arg9 : memref<128x128xf32, #tpu.memory_space<vmem>>) target(%dma_start3A_93 : memref<10240x128xf32, #tpu.memory_space<vmem_shared>>) offsets(%dma_start3A_90 : memref<128xi32, #tpu.memory_space<vmem>>) semaphore(%arg14 : memref<!tpu.dma_semaphore, #tpu.memory_space<semaphore_mem>>) {add = true}
        %dma_wait3A_94 = arith.constant 0 : i32
        %dma_wait3A_95 = tpu.memref_slice %arg8[%mul3A_72, %dma_wait3A_94] : memref<40x128xi32, #tpu.memory_space<vmem>> -> memref<1x128xi32, #tpu.memory_space<vmem>>
        %dma_wait3A_96 = tpu.memref_squeeze %dma_wait3A_95 : memref<1x128xi32, #tpu.memory_space<vmem>> -> memref<128xi32, #tpu.memory_space<vmem>>
        %dma_wait3A_97 = arith.constant 0 : i32
        %dma_wait3A_98 = arith.constant 0 : i32
        %dma_wait3A_99 = tpu.memref_slice %arg11[%dma_wait3A_97, %dma_wait3A_98] : memref<10240x128xf32, #tpu.memory_space<vmem_shared>> -> memref<10240x128xf32, #tpu.memory_space<vmem_shared>>
        tpu.wait_indirect_dma semaphore(%arg14 : memref<!tpu.dma_semaphore, #tpu.memory_space<semaphore_mem>>) src(%arg9 : memref<128x128xf32, #tpu.memory_space<vmem>>) dst(%dma_wait3A_99 : memref<10240x128xf32, #tpu.memory_space<vmem_shared>>)
        %dma_wait3A_100 = arith.constant 0 : i32
        %dma_wait3A_101 = tpu.memref_slice %arg7[%add3A_76, %dma_wait3A_100] : memref<40x128xi32, #tpu.memory_space<vmem>> -> memref<1x128xi32, #tpu.memory_space<vmem>>
        %dma_wait3A_102 = tpu.memref_squeeze %dma_wait3A_101 : memref<1x128xi32, #tpu.memory_space<vmem>> -> memref<128xi32, #tpu.memory_space<vmem>>
        %dma_wait3A_103 = arith.constant 0 : i32
        %dma_wait3A_104 = arith.constant 0 : i32
        %dma_wait3A_105 = tpu.memref_slice %arg2[%dma_wait3A_103, %dma_wait3A_104] : memref<10000x128xf32, #tpu.memory_space<hbm>> -> memref<10000x128xf32, #tpu.memory_space<hbm>>
        tpu.wait_indirect_dma semaphore(%arg13 : memref<!tpu.dma_semaphore, #tpu.memory_space<semaphore_mem>>) src(%dma_wait3A_105 : memref<10000x128xf32, #tpu.memory_space<hbm>>) dst(%arg10 : memref<128x128xf32, #tpu.memory_space<vmem>>)
        %lt3A = arith.constant 19 : i32
        %lt3A_106 = arith.cmpi slt, %scan3A_70, %lt3A : i32
        %convert_element_type3A = arith.extui %lt3A_106 : i1 to i32
        %cond3A = arith.constant 0 : i32
        %cond3A_107 = arith.cmpi ne, %convert_element_type3A, %cond3A : i32
        scf.if %cond3A_107 {
          %add3A_120 = arith.constant 2 : i32
          %add3A_121 = arith.addi %mul3A_72, %add3A_120 : i32
          %dma_start3A_122 = arith.constant 0 : i32
          %dma_start3A_123 = tpu.memref_slice %arg7[%add3A_121, %dma_start3A_122] : memref<40x128xi32, #tpu.memory_space<vmem>> -> memref<1x128xi32, #tpu.memory_space<vmem>>
          %dma_start3A_124 = tpu.memref_squeeze %dma_start3A_123 : memref<1x128xi32, #tpu.memory_space<vmem>> -> memref<128xi32, #tpu.memory_space<vmem>>
          %dma_start3A_125 = arith.constant 0 : i32
          %dma_start3A_126 = arith.constant 0 : i32
          %dma_start3A_127 = tpu.memref_slice %arg2[%dma_start3A_125, %dma_start3A_126] : memref<10000x128xf32, #tpu.memory_space<hbm>> -> memref<10000x128xf32, #tpu.memory_space<hbm>>
          tpu.enqueue_indirect_dma source(%dma_start3A_127 : memref<10000x128xf32, #tpu.memory_space<hbm>>) target(%arg9 : memref<128x128xf32, #tpu.memory_space<vmem>>) offsets(%dma_start3A_124 : memref<128xi32, #tpu.memory_space<vmem>>) semaphore(%arg12 : memref<!tpu.dma_semaphore, #tpu.memory_space<semaphore_mem>>)
        } else {
        }
        %dma_start3A_108 = arith.constant 0 : i32
        %dma_start3A_109 = tpu.memref_slice %arg8[%add3A_76, %dma_start3A_108] : memref<40x128xi32, #tpu.memory_space<vmem>> -> memref<1x128xi32, #tpu.memory_space<vmem>>
        %dma_start3A_110 = tpu.memref_squeeze %dma_start3A_109 : memref<1x128xi32, #tpu.memory_space<vmem>> -> memref<128xi32, #tpu.memory_space<vmem>>
        %dma_start3A_111 = arith.constant 0 : i32
        %dma_start3A_112 = arith.constant 0 : i32
        %dma_start3A_113 = tpu.memref_slice %arg11[%dma_start3A_111, %dma_start3A_112] : memref<10240x128xf32, #tpu.memory_space<vmem_shared>> -> memref<10240x128xf32, #tpu.memory_space<vmem_shared>>
        tpu.enqueue_indirect_dma source(%arg10 : memref<128x128xf32, #tpu.memory_space<vmem>>) target(%dma_start3A_113 : memref<10240x128xf32, #tpu.memory_space<vmem_shared>>) offsets(%dma_start3A_110 : memref<128xi32, #tpu.memory_space<vmem>>) semaphore(%arg15 : memref<!tpu.dma_semaphore, #tpu.memory_space<semaphore_mem>>) {add = true}
        %dma_wait3A_114 = arith.constant 0 : i32
        %dma_wait3A_115 = tpu.memref_slice %arg8[%add3A_76, %dma_wait3A_114] : memref<40x128xi32, #tpu.memory_space<vmem>> -> memref<1x128xi32, #tpu.memory_space<vmem>>
        %dma_wait3A_116 = tpu.memref_squeeze %dma_wait3A_115 : memref<1x128xi32, #tpu.memory_space<vmem>> -> memref<128xi32, #tpu.memory_space<vmem>>
        %dma_wait3A_117 = arith.constant 0 : i32
        %dma_wait3A_118 = arith.constant 0 : i32
        %dma_wait3A_119 = tpu.memref_slice %arg11[%dma_wait3A_117, %dma_wait3A_118] : memref<10240x128xf32, #tpu.memory_space<vmem_shared>> -> memref<10240x128xf32, #tpu.memory_space<vmem_shared>>
        tpu.wait_indirect_dma semaphore(%arg15 : memref<!tpu.dma_semaphore, #tpu.memory_space<semaphore_mem>>) src(%arg10 : memref<128x128xf32, #tpu.memory_space<vmem>>) dst(%dma_wait3A_119 : memref<10240x128xf32, #tpu.memory_space<vmem_shared>>)
      }
      %scan3A_69 = arith.constant 20 : i32
    }
    %while3A_33 = arith.constant 1 : i32
    scf.for %while3A_55 = %while3A_31 to %while3A_27 step %while3A_33  : i32 {
      %mul3A_56 = arith.constant 40 : i32
      %mul3A_57 = arith.muli %while3A_55, %mul3A_56 : i32
      %add3A_58 = arith.addi %select_n3A, %mul3A_57 : i32
      %multiple_of3A = tpu.assume_multiple %add3A_58, 8 : i32
      "tpu.region"() ({
        %run_scoped3A = tpu.sem_alloc : memref<!tpu.dma_semaphore, #tpu.memory_space<semaphore_mem>>
        %dma_start3A_70 = arith.constant 0 : i32
        %dma_start3A_71 = tpu.memref_slice %arg3[%multiple_of3A, %dma_start3A_70] : memref<2560x128xi32, #tpu.memory_space<hbm>> -> memref<40x128xi32, #tpu.memory_space<hbm>>
        %dma_start3A_72 = arith.constant 0 : i32
        %dma_start3A_73 = tpu.memref_slice %arg3[%multiple_of3A, %dma_start3A_72] : memref<2560x128xi32, #tpu.memory_space<hbm>> -> memref<40x128xi32, #tpu.memory_space<hbm>>
        tpu.enqueue_dma source(%dma_start3A_73 : memref<40x128xi32, #tpu.memory_space<hbm>>) target(%arg7 : memref<40x128xi32, #tpu.memory_space<vmem>>) target_semaphore(%run_scoped3A : memref<!tpu.dma_semaphore, #tpu.memory_space<semaphore_mem>>)
        %dma_wait3A = arith.constant 0 : i32
        %dma_wait3A_74 = tpu.memref_slice %arg3[%multiple_of3A, %dma_wait3A] : memref<2560x128xi32, #tpu.memory_space<hbm>> -> memref<40x128xi32, #tpu.memory_space<hbm>>
        %dma_wait3A_75 = arith.constant 0 : i32
        %dma_wait3A_76 = tpu.memref_slice %arg3[%multiple_of3A, %dma_wait3A_75] : memref<2560x128xi32, #tpu.memory_space<hbm>> -> memref<40x128xi32, #tpu.memory_space<hbm>>
        tpu.wait_dma2 semaphore(%run_scoped3A : memref<!tpu.dma_semaphore, #tpu.memory_space<semaphore_mem>>) src(%dma_wait3A_76 : memref<40x128xi32, #tpu.memory_space<hbm>>) dst(%arg7 : memref<40x128xi32, #tpu.memory_space<vmem>>)
        tpu.yield
      }) : () -> ()
      "tpu.region"() ({
        %run_scoped3A = tpu.sem_alloc : memref<!tpu.dma_semaphore, #tpu.memory_space<semaphore_mem>>
        %dma_start3A_70 = arith.constant 0 : i32
        %dma_start3A_71 = tpu.memref_slice %arg4[%multiple_of3A, %dma_start3A_70] : memref<2560x128xi32, #tpu.memory_space<hbm>> -> memref<40x128xi32, #tpu.memory_space<hbm>>
        %dma_start3A_72 = arith.constant 0 : i32
        %dma_start3A_73 = tpu.memref_slice %arg4[%multiple_of3A, %dma_start3A_72] : memref<2560x128xi32, #tpu.memory_space<hbm>> -> memref<40x128xi32, #tpu.memory_space<hbm>>
        tpu.enqueue_dma source(%dma_start3A_73 : memref<40x128xi32, #tpu.memory_space<hbm>>) target(%arg8 : memref<40x128xi32, #tpu.memory_space<vmem>>) target_semaphore(%run_scoped3A : memref<!tpu.dma_semaphore, #tpu.memory_space<semaphore_mem>>)
        %dma_wait3A = arith.constant 0 : i32
        %dma_wait3A_74 = tpu.memref_slice %arg4[%multiple_of3A, %dma_wait3A] : memref<2560x128xi32, #tpu.memory_space<hbm>> -> memref<40x128xi32, #tpu.memory_space<hbm>>
        %dma_wait3A_75 = arith.constant 0 : i32
        %dma_wait3A_76 = tpu.memref_slice %arg4[%multiple_of3A, %dma_wait3A_75] : memref<2560x128xi32, #tpu.memory_space<hbm>> -> memref<40x128xi32, #tpu.memory_space<hbm>>
        tpu.wait_dma2 semaphore(%run_scoped3A : memref<!tpu.dma_semaphore, #tpu.memory_space<semaphore_mem>>) src(%dma_wait3A_76 : memref<40x128xi32, #tpu.memory_space<hbm>>) dst(%arg8 : memref<40x128xi32, #tpu.memory_space<vmem>>)
        tpu.yield
      }) : () -> ()
      %dma_start3A = arith.constant 0 : i32
      %dma_start3A_59 = arith.constant 0 : i32
      %dma_start3A_60 = tpu.memref_slice %arg7[%dma_start3A, %dma_start3A_59] : memref<40x128xi32, #tpu.memory_space<vmem>> -> memref<1x128xi32, #tpu.memory_space<vmem>>
      %dma_start3A_61 = tpu.memref_squeeze %dma_start3A_60 : memref<1x128xi32, #tpu.memory_space<vmem>> -> memref<128xi32, #tpu.memory_space<vmem>>
      %dma_start3A_62 = arith.constant 0 : i32
      %dma_start3A_63 = arith.constant 0 : i32
      %dma_start3A_64 = tpu.memref_slice %arg2[%dma_start3A_62, %dma_start3A_63] : memref<10000x128xf32, #tpu.memory_space<hbm>> -> memref<10000x128xf32, #tpu.memory_space<hbm>>
      tpu.enqueue_indirect_dma source(%dma_start3A_64 : memref<10000x128xf32, #tpu.memory_space<hbm>>) target(%arg9 : memref<128x128xf32, #tpu.memory_space<vmem>>) offsets(%dma_start3A_61 : memref<128xi32, #tpu.memory_space<vmem>>) semaphore(%arg12 : memref<!tpu.dma_semaphore, #tpu.memory_space<semaphore_mem>>)
      %scan3A = arith.constant 0 : i32
      %scan3A_65 = arith.constant 0 : i32
      %scan3A_66 = arith.constant 20 : i32
      %scan3A_67 = arith.addi %scan3A_65, %scan3A_66 : i32
      %scan3A_68 = arith.constant 1 : i32
      scf.for %scan3A_70 = %scan3A_65 to %scan3A_67 step %scan3A_68  : i32 {
        %mul3A_71 = arith.constant 2 : i32
        %mul3A_72 = arith.muli %mul3A_71, %scan3A_70 : i32
        %mul3A_73 = arith.constant 2 : i32
        %mul3A_74 = arith.muli %mul3A_73, %scan3A_70 : i32
        %add3A_75 = arith.constant 1 : i32
        %add3A_76 = arith.addi %mul3A_74, %add3A_75 : i32
        %dma_wait3A = arith.constant 0 : i32
        %dma_wait3A_77 = tpu.memref_slice %arg7[%mul3A_72, %dma_wait3A] : memref<40x128xi32, #tpu.memory_space<vmem>> -> memref<1x128xi32, #tpu.memory_space<vmem>>
        %dma_wait3A_78 = tpu.memref_squeeze %dma_wait3A_77 : memref<1x128xi32, #tpu.memory_space<vmem>> -> memref<128xi32, #tpu.memory_space<vmem>>
        %dma_wait3A_79 = arith.constant 0 : i32
        %dma_wait3A_80 = arith.constant 0 : i32
        %dma_wait3A_81 = tpu.memref_slice %arg2[%dma_wait3A_79, %dma_wait3A_80] : memref<10000x128xf32, #tpu.memory_space<hbm>> -> memref<10000x128xf32, #tpu.memory_space<hbm>>
        tpu.wait_indirect_dma semaphore(%arg12 : memref<!tpu.dma_semaphore, #tpu.memory_space<semaphore_mem>>) src(%dma_wait3A_81 : memref<10000x128xf32, #tpu.memory_space<hbm>>) dst(%arg9 : memref<128x128xf32, #tpu.memory_space<vmem>>)
        %dma_start3A_82 = arith.constant 0 : i32
        %dma_start3A_83 = tpu.memref_slice %arg7[%add3A_76, %dma_start3A_82] : memref<40x128xi32, #tpu.memory_space<vmem>> -> memref<1x128xi32, #tpu.memory_space<vmem>>
        %dma_start3A_84 = tpu.memref_squeeze %dma_start3A_83 : memref<1x128xi32, #tpu.memory_space<vmem>> -> memref<128xi32, #tpu.memory_space<vmem>>
        %dma_start3A_85 = arith.constant 0 : i32
        %dma_start3A_86 = arith.constant 0 : i32
        %dma_start3A_87 = tpu.memref_slice %arg2[%dma_start3A_85, %dma_start3A_86] : memref<10000x128xf32, #tpu.memory_space<hbm>> -> memref<10000x128xf32, #tpu.memory_space<hbm>>
        tpu.enqueue_indirect_dma source(%dma_start3A_87 : memref<10000x128xf32, #tpu.memory_space<hbm>>) target(%arg10 : memref<128x128xf32, #tpu.memory_space<vmem>>) offsets(%dma_start3A_84 : memref<128xi32, #tpu.memory_space<vmem>>) semaphore(%arg13 : memref<!tpu.dma_semaphore, #tpu.memory_space<semaphore_mem>>)
        %dma_start3A_88 = arith.constant 0 : i32
        %dma_start3A_89 = tpu.memref_slice %arg8[%mul3A_72, %dma_start3A_88] : memref<40x128xi32, #tpu.memory_space<vmem>> -> memref<1x128xi32, #tpu.memory_space<vmem>>
        %dma_start3A_90 = tpu.memref_squeeze %dma_start3A_89 : memref<1x128xi32, #tpu.memory_space<vmem>> -> memref<128xi32, #tpu.memory_space<vmem>>
        %dma_start3A_91 = arith.constant 0 : i32
        %dma_start3A_92 = arith.constant 0 : i32
        %dma_start3A_93 = tpu.memref_slice %arg11[%dma_start3A_91, %dma_start3A_92] : memref<10240x128xf32, #tpu.memory_space<vmem_shared>> -> memref<10240x128xf32, #tpu.memory_space<vmem_shared>>
        tpu.enqueue_indirect_dma source(%arg9 : memref<128x128xf32, #tpu.memory_space<vmem>>) target(%dma_start3A_93 : memref<10240x128xf32, #tpu.memory_space<vmem_shared>>) offsets(%dma_start3A_90 : memref<128xi32, #tpu.memory_space<vmem>>) semaphore(%arg14 : memref<!tpu.dma_semaphore, #tpu.memory_space<semaphore_mem>>) {add = true}
        %dma_wait3A_94 = arith.constant 0 : i32
        %dma_wait3A_95 = tpu.memref_slice %arg8[%mul3A_72, %dma_wait3A_94] : memref<40x128xi32, #tpu.memory_space<vmem>> -> memref<1x128xi32, #tpu.memory_space<vmem>>
        %dma_wait3A_96 = tpu.memref_squeeze %dma_wait3A_95 : memref<1x128xi32, #tpu.memory_space<vmem>> -> memref<128xi32, #tpu.memory_space<vmem>>
        %dma_wait3A_97 = arith.constant 0 : i32
        %dma_wait3A_98 = arith.constant 0 : i32
        %dma_wait3A_99 = tpu.memref_slice %arg11[%dma_wait3A_97, %dma_wait3A_98] : memref<10240x128xf32, #tpu.memory_space<vmem_shared>> -> memref<10240x128xf32, #tpu.memory_space<vmem_shared>>
        tpu.wait_indirect_dma semaphore(%arg14 : memref<!tpu.dma_semaphore, #tpu.memory_space<semaphore_mem>>) src(%arg9 : memref<128x128xf32, #tpu.memory_space<vmem>>) dst(%dma_wait3A_99 : memref<10240x128xf32, #tpu.memory_space<vmem_shared>>)
        %dma_wait3A_100 = arith.constant 0 : i32
        %dma_wait3A_101 = tpu.memref_slice %arg7[%add3A_76, %dma_wait3A_100] : memref<40x128xi32, #tpu.memory_space<vmem>> -> memref<1x128xi32, #tpu.memory_space<vmem>>
        %dma_wait3A_102 = tpu.memref_squeeze %dma_wait3A_101 : memref<1x128xi32, #tpu.memory_space<vmem>> -> memref<128xi32, #tpu.memory_space<vmem>>
        %dma_wait3A_103 = arith.constant 0 : i32
        %dma_wait3A_104 = arith.constant 0 : i32
        %dma_wait3A_105 = tpu.memref_slice %arg2[%dma_wait3A_103, %dma_wait3A_104] : memref<10000x128xf32, #tpu.memory_space<hbm>> -> memref<10000x128xf32, #tpu.memory_space<hbm>>
        tpu.wait_indirect_dma semaphore(%arg13 : memref<!tpu.dma_semaphore, #tpu.memory_space<semaphore_mem>>) src(%dma_wait3A_105 : memref<10000x128xf32, #tpu.memory_space<hbm>>) dst(%arg10 : memref<128x128xf32, #tpu.memory_space<vmem>>)
        %lt3A = arith.constant 19 : i32
        %lt3A_106 = arith.cmpi slt, %scan3A_70, %lt3A : i32
        %convert_element_type3A = arith.extui %lt3A_106 : i1 to i32
        %cond3A = arith.constant 0 : i32
        %cond3A_107 = arith.cmpi ne, %convert_element_type3A, %cond3A : i32
        scf.if %cond3A_107 {
          %add3A_120 = arith.constant 2 : i32
          %add3A_121 = arith.addi %mul3A_72, %add3A_120 : i32
          %dma_start3A_122 = arith.constant 0 : i32
          %dma_start3A_123 = tpu.memref_slice %arg7[%add3A_121, %dma_start3A_122] : memref<40x128xi32, #tpu.memory_space<vmem>> -> memref<1x128xi32, #tpu.memory_space<vmem>>
          %dma_start3A_124 = tpu.memref_squeeze %dma_start3A_123 : memref<1x128xi32, #tpu.memory_space<vmem>> -> memref<128xi32, #tpu.memory_space<vmem>>
          %dma_start3A_125 = arith.constant 0 : i32
          %dma_start3A_126 = arith.constant 0 : i32
          %dma_start3A_127 = tpu.memref_slice %arg2[%dma_start3A_125, %dma_start3A_126] : memref<10000x128xf32, #tpu.memory_space<hbm>> -> memref<10000x128xf32, #tpu.memory_space<hbm>>
          tpu.enqueue_indirect_dma source(%dma_start3A_127 : memref<10000x128xf32, #tpu.memory_space<hbm>>) target(%arg9 : memref<128x128xf32, #tpu.memory_space<vmem>>) offsets(%dma_start3A_124 : memref<128xi32, #tpu.memory_space<vmem>>) semaphore(%arg12 : memref<!tpu.dma_semaphore, #tpu.memory_space<semaphore_mem>>)
        } else {
        }
        %dma_start3A_108 = arith.constant 0 : i32
        %dma_start3A_109 = tpu.memref_slice %arg8[%add3A_76, %dma_start3A_108] : memref<40x128xi32, #tpu.memory_space<vmem>> -> memref<1x128xi32, #tpu.memory_space<vmem>>
        %dma_start3A_110 = tpu.memref_squeeze %dma_start3A_109 : memref<1x128xi32, #tpu.memory_space<vmem>> -> memref<128xi32, #tpu.memory_space<vmem>>
        %dma_start3A_111 = arith.constant 0 : i32
        %dma_start3A_112 = arith.constant 0 : i32
        %dma_start3A_113 = tpu.memref_slice %arg11[%dma_start3A_111, %dma_start3A_112] : memref<10240x128xf32, #tpu.memory_space<vmem_shared>> -> memref<10240x128xf32, #tpu.memory_space<vmem_shared>>
        tpu.enqueue_indirect_dma source(%arg10 : memref<128x128xf32, #tpu.memory_space<vmem>>) target(%dma_start3A_113 : memref<10240x128xf32, #tpu.memory_space<vmem_shared>>) offsets(%dma_start3A_110 : memref<128xi32, #tpu.memory_space<vmem>>) semaphore(%arg15 : memref<!tpu.dma_semaphore, #tpu.memory_space<semaphore_mem>>) {add = true}
        %dma_wait3A_114 = arith.constant 0 : i32
        %dma_wait3A_115 = tpu.memref_slice %arg8[%add3A_76, %dma_wait3A_114] : memref<40x128xi32, #tpu.memory_space<vmem>> -> memref<1x128xi32, #tpu.memory_space<vmem>>
        %dma_wait3A_116 = tpu.memref_squeeze %dma_wait3A_115 : memref<1x128xi32, #tpu.memory_space<vmem>> -> memref<128xi32, #tpu.memory_space<vmem>>
        %dma_wait3A_117 = arith.constant 0 : i32
        %dma_wait3A_118 = arith.constant 0 : i32
        %dma_wait3A_119 = tpu.memref_slice %arg11[%dma_wait3A_117, %dma_wait3A_118] : memref<10240x128xf32, #tpu.memory_space<vmem_shared>> -> memref<10240x128xf32, #tpu.memory_space<vmem_shared>>
        tpu.wait_indirect_dma semaphore(%arg15 : memref<!tpu.dma_semaphore, #tpu.memory_space<semaphore_mem>>) src(%arg10 : memref<128x128xf32, #tpu.memory_space<vmem>>) dst(%dma_wait3A_119 : memref<10240x128xf32, #tpu.memory_space<vmem_shared>>)
      }
      %scan3A_69 = arith.constant 20 : i32
    }
    %barrier3A_34 = arith.constant 0 : index
    tpu.barrier barrier_id(%barrier3A_34)
    %add3A_35 = arith.constant 0 : i32
    %add3A_36 = arith.addi %mul3A_2, %add3A_35 : i32
    %add3A_37 = arith.constant 0 : i32
    %add3A_38 = arith.addi %mul3A_2, %add3A_37 : i32
    "tpu.region"() ({
      %run_scoped3A = tpu.sem_alloc : memref<!tpu.dma_semaphore, #tpu.memory_space<semaphore_mem>>
      %dma_start3A = arith.constant 0 : i32
      %dma_start3A_55 = tpu.memref_slice %arg6[%arg0, %add3A_38, %dma_start3A] : memref<2x10240x128xf32, #tpu.memory_space<hbm>> -> memref<1x128x128xf32, #tpu.memory_space<hbm>>
      %dma_start3A_56 = tpu.memref_squeeze %dma_start3A_55 : memref<1x128x128xf32, #tpu.memory_space<hbm>> -> memref<128x128xf32, #tpu.memory_space<hbm>>
      %dma_start3A_57 = arith.constant 0 : i32
      %dma_start3A_58 = tpu.memref_slice %arg11[%add3A_36, %dma_start3A_57] : memref<10240x128xf32, #tpu.memory_space<vmem_shared>> -> memref<128x128xf32, #tpu.memory_space<vmem_shared>>
      tpu.enqueue_dma source(%dma_start3A_58 : memref<128x128xf32, #tpu.memory_space<vmem_shared>>) target(%dma_start3A_56 : memref<128x128xf32, #tpu.memory_space<hbm>>) target_semaphore(%run_scoped3A : memref<!tpu.dma_semaphore, #tpu.memory_space<semaphore_mem>>)
      %dma_wait3A = arith.constant 0 : i32
      %dma_wait3A_59 = tpu.memref_slice %arg6[%arg0, %add3A_38, %dma_wait3A] : memref<2x10240x128xf32, #tpu.memory_space<hbm>> -> memref<1x128x128xf32, #tpu.memory_space<hbm>>
      %dma_wait3A_60 = tpu.memref_squeeze %dma_wait3A_59 : memref<1x128x128xf32, #tpu.memory_space<hbm>> -> memref<128x128xf32, #tpu.memory_space<hbm>>
      %dma_wait3A_61 = arith.constant 0 : i32
      %dma_wait3A_62 = tpu.memref_slice %arg11[%add3A_36, %dma_wait3A_61] : memref<10240x128xf32, #tpu.memory_space<vmem_shared>> -> memref<128x128xf32, #tpu.memory_space<vmem_shared>>
      tpu.wait_dma2 semaphore(%run_scoped3A : memref<!tpu.dma_semaphore, #tpu.memory_space<semaphore_mem>>) src(%dma_wait3A_62 : memref<128x128xf32, #tpu.memory_space<vmem_shared>>) dst(%dma_wait3A_60 : memref<128x128xf32, #tpu.memory_space<hbm>>)
      tpu.yield
    }) : () -> ()
    %add3A_39 = arith.constant 128 : i32
    %add3A_40 = arith.addi %mul3A_2, %add3A_39 : i32
    %add3A_41 = arith.constant 128 : i32
    %add3A_42 = arith.addi %mul3A_2, %add3A_41 : i32
    "tpu.region"() ({
      %run_scoped3A = tpu.sem_alloc : memref<!tpu.dma_semaphore, #tpu.memory_space<semaphore_mem>>
      %dma_start3A = arith.constant 0 : i32
      %dma_start3A_55 = tpu.memref_slice %arg6[%arg0, %add3A_42, %dma_start3A] : memref<2x10240x128xf32, #tpu.memory_space<hbm>> -> memref<1x128x128xf32, #tpu.memory_space<hbm>>
      %dma_start3A_56 = tpu.memref_squeeze %dma_start3A_55 : memref<1x128x128xf32, #tpu.memory_space<hbm>> -> memref<128x128xf32, #tpu.memory_space<hbm>>
      %dma_start3A_57 = arith.constant 0 : i32
      %dma_start3A_58 = tpu.memref_slice %arg11[%add3A_40, %dma_start3A_57] : memref<10240x128xf32, #tpu.memory_space<vmem_shared>> -> memref<128x128xf32, #tpu.memory_space<vmem_shared>>
      tpu.enqueue_dma source(%dma_start3A_58 : memref<128x128xf32, #tpu.memory_space<vmem_shared>>) target(%dma_start3A_56 : memref<128x128xf32, #tpu.memory_space<hbm>>) target_semaphore(%run_scoped3A : memref<!tpu.dma_semaphore, #tpu.memory_space<semaphore_mem>>)
      %dma_wait3A = arith.constant 0 : i32
      %dma_wait3A_59 = tpu.memref_slice %arg6[%arg0, %add3A_42, %dma_wait3A] : memref<2x10240x128xf32, #tpu.memory_space<hbm>> -> memref<1x128x128xf32, #tpu.memory_space<hbm>>
      %dma_wait3A_60 = tpu.memref_squeeze %dma_wait3A_59 : memref<1x128x128xf32, #tpu.memory_space<hbm>> -> memref<128x128xf32, #tpu.memory_space<hbm>>
      %dma_wait3A_61 = arith.constant 0 : i32
      %dma_wait3A_62 = tpu.memref_slice %arg11[%add3A_40, %dma_wait3A_61] : memref<10240x128xf32, #tpu.memory_space<vmem_shared>> -> memref<128x128xf32, #tpu.memory_space<vmem_shared>>
      tpu.wait_dma2 semaphore(%run_scoped3A : memref<!tpu.dma_semaphore, #tpu.memory_space<semaphore_mem>>) src(%dma_wait3A_62 : memref<128x128xf32, #tpu.memory_space<vmem_shared>>) dst(%dma_wait3A_60 : memref<128x128xf32, #tpu.memory_space<hbm>>)
      tpu.yield
    }) : () -> ()
    %add3A_43 = arith.constant 256 : i32
    %add3A_44 = arith.addi %mul3A_2, %add3A_43 : i32
    %add3A_45 = arith.constant 256 : i32
    %add3A_46 = arith.addi %mul3A_2, %add3A_45 : i32
    "tpu.region"() ({
      %run_scoped3A = tpu.sem_alloc : memref<!tpu.dma_semaphore, #tpu.memory_space<semaphore_mem>>
      %dma_start3A = arith.constant 0 : i32
      %dma_start3A_55 = tpu.memref_slice %arg6[%arg0, %add3A_46, %dma_start3A] : memref<2x10240x128xf32, #tpu.memory_space<hbm>> -> memref<1x128x128xf32, #tpu.memory_space<hbm>>
      %dma_start3A_56 = tpu.memref_squeeze %dma_start3A_55 : memref<1x128x128xf32, #tpu.memory_space<hbm>> -> memref<128x128xf32, #tpu.memory_space<hbm>>
      %dma_start3A_57 = arith.constant 0 : i32
      %dma_start3A_58 = tpu.memref_slice %arg11[%add3A_44, %dma_start3A_57] : memref<10240x128xf32, #tpu.memory_space<vmem_shared>> -> memref<128x128xf32, #tpu.memory_space<vmem_shared>>
      tpu.enqueue_dma source(%dma_start3A_58 : memref<128x128xf32, #tpu.memory_space<vmem_shared>>) target(%dma_start3A_56 : memref<128x128xf32, #tpu.memory_space<hbm>>) target_semaphore(%run_scoped3A : memref<!tpu.dma_semaphore, #tpu.memory_space<semaphore_mem>>)
      %dma_wait3A = arith.constant 0 : i32
      %dma_wait3A_59 = tpu.memref_slice %arg6[%arg0, %add3A_46, %dma_wait3A] : memref<2x10240x128xf32, #tpu.memory_space<hbm>> -> memref<1x128x128xf32, #tpu.memory_space<hbm>>
      %dma_wait3A_60 = tpu.memref_squeeze %dma_wait3A_59 : memref<1x128x128xf32, #tpu.memory_space<hbm>> -> memref<128x128xf32, #tpu.memory_space<hbm>>
      %dma_wait3A_61 = arith.constant 0 : i32
      %dma_wait3A_62 = tpu.memref_slice %arg11[%add3A_44, %dma_wait3A_61] : memref<10240x128xf32, #tpu.memory_space<vmem_shared>> -> memref<128x128xf32, #tpu.memory_space<vmem_shared>>
      tpu.wait_dma2 semaphore(%run_scoped3A : memref<!tpu.dma_semaphore, #tpu.memory_space<semaphore_mem>>) src(%dma_wait3A_62 : memref<128x128xf32, #tpu.memory_space<vmem_shared>>) dst(%dma_wait3A_60 : memref<128x128xf32, #tpu.memory_space<hbm>>)
      tpu.yield
    }) : () -> ()
    %add3A_47 = arith.constant 384 : i32
    %add3A_48 = arith.addi %mul3A_2, %add3A_47 : i32
    %add3A_49 = arith.constant 384 : i32
    %add3A_50 = arith.addi %mul3A_2, %add3A_49 : i32
    "tpu.region"() ({
      %run_scoped3A = tpu.sem_alloc : memref<!tpu.dma_semaphore, #tpu.memory_space<semaphore_mem>>
      %dma_start3A = arith.constant 0 : i32
      %dma_start3A_55 = tpu.memref_slice %arg6[%arg0, %add3A_50, %dma_start3A] : memref<2x10240x128xf32, #tpu.memory_space<hbm>> -> memref<1x128x128xf32, #tpu.memory_space<hbm>>
      %dma_start3A_56 = tpu.memref_squeeze %dma_start3A_55 : memref<1x128x128xf32, #tpu.memory_space<hbm>> -> memref<128x128xf32, #tpu.memory_space<hbm>>
      %dma_start3A_57 = arith.constant 0 : i32
      %dma_start3A_58 = tpu.memref_slice %arg11[%add3A_48, %dma_start3A_57] : memref<10240x128xf32, #tpu.memory_space<vmem_shared>> -> memref<128x128xf32, #tpu.memory_space<vmem_shared>>
      tpu.enqueue_dma source(%dma_start3A_58 : memref<128x128xf32, #tpu.memory_space<vmem_shared>>) target(%dma_start3A_56 : memref<128x128xf32, #tpu.memory_space<hbm>>) target_semaphore(%run_scoped3A : memref<!tpu.dma_semaphore, #tpu.memory_space<semaphore_mem>>)
      %dma_wait3A = arith.constant 0 : i32
      %dma_wait3A_59 = tpu.memref_slice %arg6[%arg0, %add3A_50, %dma_wait3A] : memref<2x10240x128xf32, #tpu.memory_space<hbm>> -> memref<1x128x128xf32, #tpu.memory_space<hbm>>
      %dma_wait3A_60 = tpu.memref_squeeze %dma_wait3A_59 : memref<1x128x128xf32, #tpu.memory_space<hbm>> -> memref<128x128xf32, #tpu.memory_space<hbm>>
      %dma_wait3A_61 = arith.constant 0 : i32
      %dma_wait3A_62 = tpu.memref_slice %arg11[%add3A_48, %dma_wait3A_61] : memref<10240x128xf32, #tpu.memory_space<vmem_shared>> -> memref<128x128xf32, #tpu.memory_space<vmem_shared>>
      tpu.wait_dma2 semaphore(%run_scoped3A : memref<!tpu.dma_semaphore, #tpu.memory_space<semaphore_mem>>) src(%dma_wait3A_62 : memref<128x128xf32, #tpu.memory_space<vmem_shared>>) dst(%dma_wait3A_60 : memref<128x128xf32, #tpu.memory_space<hbm>>)
      tpu.yield
    }) : () -> ()
    %add3A_51 = arith.constant 512 : i32
    %add3A_52 = arith.addi %mul3A_2, %add3A_51 : i32
    %add3A_53 = arith.constant 512 : i32
    %add3A_54 = arith.addi %mul3A_2, %add3A_53 : i32
    "tpu.region"() ({
      %run_scoped3A = tpu.sem_alloc : memref<!tpu.dma_semaphore, #tpu.memory_space<semaphore_mem>>
      %dma_start3A = arith.constant 0 : i32
      %dma_start3A_55 = tpu.memref_slice %arg6[%arg0, %add3A_54, %dma_start3A] : memref<2x10240x128xf32, #tpu.memory_space<hbm>> -> memref<1x128x128xf32, #tpu.memory_space<hbm>>
      %dma_start3A_56 = tpu.memref_squeeze %dma_start3A_55 : memref<1x128x128xf32, #tpu.memory_space<hbm>> -> memref<128x128xf32, #tpu.memory_space<hbm>>
      %dma_start3A_57 = arith.constant 0 : i32
      %dma_start3A_58 = tpu.memref_slice %arg11[%add3A_52, %dma_start3A_57] : memref<10240x128xf32, #tpu.memory_space<vmem_shared>> -> memref<128x128xf32, #tpu.memory_space<vmem_shared>>
      tpu.enqueue_dma source(%dma_start3A_58 : memref<128x128xf32, #tpu.memory_space<vmem_shared>>) target(%dma_start3A_56 : memref<128x128xf32, #tpu.memory_space<hbm>>) target_semaphore(%run_scoped3A : memref<!tpu.dma_semaphore, #tpu.memory_space<semaphore_mem>>)
      %dma_wait3A = arith.constant 0 : i32
      %dma_wait3A_59 = tpu.memref_slice %arg6[%arg0, %add3A_54, %dma_wait3A] : memref<2x10240x128xf32, #tpu.memory_space<hbm>> -> memref<1x128x128xf32, #tpu.memory_space<hbm>>
      %dma_wait3A_60 = tpu.memref_squeeze %dma_wait3A_59 : memref<1x128x128xf32, #tpu.memory_space<hbm>> -> memref<128x128xf32, #tpu.memory_space<hbm>>
      %dma_wait3A_61 = arith.constant 0 : i32
      %dma_wait3A_62 = tpu.memref_slice %arg11[%add3A_52, %dma_wait3A_61] : memref<10240x128xf32, #tpu.memory_space<vmem_shared>> -> memref<128x128xf32, #tpu.memory_space<vmem_shared>>
      tpu.wait_dma2 semaphore(%run_scoped3A : memref<!tpu.dma_semaphore, #tpu.memory_space<semaphore_mem>>) src(%dma_wait3A_62 : memref<128x128xf32, #tpu.memory_space<vmem_shared>>) dst(%dma_wait3A_60 : memref<128x128xf32, #tpu.memory_space<hbm>>)
      tpu.yield
    }) : () -> ()
    return
  }
}

module attributes {stable_mosaic.version = 14 : i64} {
  func.func @_enc_body(%arg0: i32, %arg1: memref<2000x128xf32, #tpu.memory_space<vmem>>, %arg2: memref<128x128xf32, #tpu.memory_space<vmem>>, %arg3: memref<1x128xf32, #tpu.memory_space<vmem>>, %arg4: memref<128x128xf32, #tpu.memory_space<vmem>>, %arg5: memref<2000x128xf32, #tpu.memory_space<vmem>>) attributes {dimension_semantics = [#tpu.dimension_semantics<arbitrary>], iteration_bounds = array<i64: 5>, scalar_prefetch = 0 : i64, scratch_operands = 0 : i64, tpu.core_type = #tpu.core_type<tc>, window_params = [{transform_indices = @transform_0, window_bounds = array<i64: 2000, 128>}, {pipeline_mode = #tpu.pipeline_mode<synchronous>, transform_indices = @transform_1, window_bounds = array<i64: 128, 128>}, {pipeline_mode = #tpu.pipeline_mode<synchronous>, transform_indices = @transform_2, window_bounds = array<i64: 1, 128>}, {pipeline_mode = #tpu.pipeline_mode<synchronous>, transform_indices = @transform_3, window_bounds = array<i64: 128, 128>}, {transform_indices = @transform_4, window_bounds = array<i64: 2000, 128>}]} {
    %get3A = arith.constant 0 : index
    %get3A_0 = arith.constant 0 : index
    %get3A_1 = vector.load %arg1[%get3A, %get3A_0] : memref<2000x128xf32, #tpu.memory_space<vmem>>, vector<2000x128xf32>
    %get3A_2 = arith.constant 0 : index
    %get3A_3 = arith.constant 0 : index
    %get3A_4 = vector.load %arg2[%get3A_2, %get3A_3] : memref<128x128xf32, #tpu.memory_space<vmem>>, vector<128x128xf32>
    %dot_general3A = arith.constant dense<0.000000e+00> : vector<2000x128xf32>
    %dot_general3A_5 = tpu.matmul %get3A_1, %get3A_4, %dot_general3A {dimension_numbers = #tpu.dot_dimension_numbers<[1], [0], [0], [1], [0, 0, 1, 1], [], []>, transpose_lhs_hint = false} : vector<2000x128xf32>, vector<128x128xf32>, vector<2000x128xf32> -> vector<2000x128xf32>
    %get3A_6 = arith.constant 0 : index
    %get3A_7 = arith.constant 0 : index
    %get3A_8 = vector.load %arg3[%get3A_6, %get3A_7] : memref<1x128xf32, #tpu.memory_space<vmem>>, vector<1x128xf32>
    %add3A = vector.broadcast %get3A_8 : vector<1x128xf32> to vector<2000x128xf32>
    %add3A_9 = arith.addf %dot_general3A_5, %add3A : vector<2000x128xf32>
    %max3A = arith.constant 0.000000e+00 : f32
    %max3A_10 = vector.broadcast %max3A : f32 to vector<2000x128xf32>
    %max3A_11 = arith.maximumf %add3A_9, %max3A_10 : vector<2000x128xf32>
    %get3A_12 = arith.constant 0 : index
    %get3A_13 = arith.constant 0 : index
    %get3A_14 = vector.load %arg4[%get3A_12, %get3A_13] : memref<128x128xf32, #tpu.memory_space<vmem>>, vector<128x128xf32>
    %dot_general3A_15 = arith.constant dense<0.000000e+00> : vector<2000x128xf32>
    %dot_general3A_16 = tpu.matmul %max3A_11, %get3A_14, %dot_general3A_15 {dimension_numbers = #tpu.dot_dimension_numbers<[1], [0], [0], [1], [0, 0, 1, 1], [], []>, transpose_lhs_hint = false} : vector<2000x128xf32>, vector<128x128xf32>, vector<2000x128xf32> -> vector<2000x128xf32>
    %swap3A = arith.constant 0 : index
    %swap3A_17 = arith.constant 0 : index
    %swap3A_18 = vector.load %arg5[%swap3A, %swap3A_17] : memref<2000x128xf32, #tpu.memory_space<vmem>>, vector<2000x128xf32>
    tpu.vector_store %arg5[%swap3A, %swap3A_17], %dot_general3A_16 {strides = array<i32>} : memref<2000x128xf32, #tpu.memory_space<vmem>>, vector<2000x128xf32>,
    return
  }
  func.func @transform_0(%arg0: i32) -> (i32, i32) {
    %c0_i32 = arith.constant 0 : i32
    %c0_i32_0 = arith.constant 0 : i32
    return %arg0, %c0_i32 : i32, i32
  }
  func.func @transform_1(%arg0: i32) -> (i32, i32) {
    %c0_i32 = arith.constant 0 : i32
    %c0_i32_0 = arith.constant 0 : i32
    %c0_i32_1 = arith.constant 0 : i32
    return %c0_i32, %c0_i32_0 : i32, i32
  }
  func.func @transform_2(%arg0: i32) -> (i32, i32) {
    %c0_i32 = arith.constant 0 : i32
    %c0_i32_0 = arith.constant 0 : i32
    %c0_i32_1 = arith.constant 0 : i32
    return %c0_i32, %c0_i32_0 : i32, i32
  }
  func.func @transform_3(%arg0: i32) -> (i32, i32) {
    %c0_i32 = arith.constant 0 : i32
    %c0_i32_0 = arith.constant 0 : i32
    %c0_i32_1 = arith.constant 0 : i32
    return %c0_i32, %c0_i32_0 : i32, i32
  }
  func.func @transform_4(%arg0: i32) -> (i32, i32) {
    %c0_i32 = arith.constant 0 : i32
    %c0_i32_0 = arith.constant 0 : i32
    return %arg0, %c0_i32 : i32, i32
  }
}

module attributes {stable_mosaic.version = 14 : i64} {
  func.func @_scale_body(%arg0: i32, %arg1: memref<2000x128xf32, #tpu.memory_space<vmem>>, %arg2: memref<2x2000x128xf32, #tpu.memory_space<vmem>>, %arg3: memref<2000x128xf32, #tpu.memory_space<vmem>>, %arg4: memref<2000x128xf32, #tpu.memory_space<vmem>>) attributes {dimension_semantics = [#tpu.dimension_semantics<arbitrary>], iteration_bounds = array<i64: 5>, scalar_prefetch = 0 : i64, scratch_operands = 0 : i64, tpu.core_type = #tpu.core_type<tc>, window_params = [{transform_indices = @transform_0, window_bounds = array<i64: 2000, 128>}, {transform_indices = @transform_1, window_bounds = array<i64: 2, 2000, 128>}, {transform_indices = @transform_2, window_bounds = array<i64: 2000, 128>}, {transform_indices = @transform_3, window_bounds = array<i64: 2000, 128>}]} {
    %get3A = arith.constant 0 : index
    %get3A_0 = arith.constant 0 : index
    %get3A_1 = arith.constant 0 : index
    %get3A_2 = vector.load %arg2[%get3A, %get3A_0, %get3A_1] : memref<2x2000x128xf32, #tpu.memory_space<vmem>>, vector<1x2000x1xf32>
    %get3A_3 = vector.shape_cast %get3A_2 : vector<1x2000x1xf32> to vector<2000x1xf32>
    %add3A = arith.constant 1.000000e+00 : f32
    %add3A_4 = vector.broadcast %add3A : f32 to vector<2000x1xf32>
    %add3A_5 = arith.addf %add3A_4, %get3A_3 : vector<2000x1xf32>
    %get3A_6 = arith.constant 1 : index
    %get3A_7 = arith.constant 0 : index
    %get3A_8 = arith.constant 0 : index
    %get3A_9 = vector.load %arg2[%get3A_6, %get3A_7, %get3A_8] : memref<2x2000x128xf32, #tpu.memory_space<vmem>>, vector<1x2000x1xf32>
    %get3A_10 = vector.shape_cast %get3A_9 : vector<1x2000x1xf32> to vector<2000x1xf32>
    %add3A_11 = arith.addf %add3A_5, %get3A_10 : vector<2000x1xf32>
    %rsqrt3A = math.rsqrt %add3A_11 : vector<2000x1xf32>
    %broadcast_in_dim3A = vector.shape_cast %rsqrt3A : vector<2000x1xf32> to vector<2000x1xf32>
    %broadcast_in_dim3A_12 = vector.broadcast %broadcast_in_dim3A : vector<2000x1xf32> to vector<2000x128xf32>
    %swap3A = arith.constant 0 : index
    %swap3A_13 = arith.constant 0 : index
    %swap3A_14 = vector.load %arg4[%swap3A, %swap3A_13] : memref<2000x128xf32, #tpu.memory_space<vmem>>, vector<2000x128xf32>
    tpu.vector_store %arg4[%swap3A, %swap3A_13], %broadcast_in_dim3A_12 {strides = array<i32>} : memref<2000x128xf32, #tpu.memory_space<vmem>>, vector<2000x128xf32>,
    %get3A_15 = arith.constant 0 : index
    %get3A_16 = arith.constant 0 : index
    %get3A_17 = vector.load %arg1[%get3A_15, %get3A_16] : memref<2000x128xf32, #tpu.memory_space<vmem>>, vector<2000x128xf32>
    %mul3A = vector.broadcast %rsqrt3A : vector<2000x1xf32> to vector<2000x128xf32>
    %mul3A_18 = arith.mulf %get3A_17, %mul3A : vector<2000x128xf32>
    %swap3A_19 = arith.constant 0 : index
    %swap3A_20 = arith.constant 0 : index
    %swap3A_21 = vector.load %arg3[%swap3A_19, %swap3A_20] : memref<2000x128xf32, #tpu.memory_space<vmem>>, vector<2000x128xf32>
    tpu.vector_store %arg3[%swap3A_19, %swap3A_20], %mul3A_18 {strides = array<i32>} : memref<2000x128xf32, #tpu.memory_space<vmem>>, vector<2000x128xf32>,
    return
  }
  func.func @transform_0(%arg0: i32) -> (i32, i32) {
    %c0_i32 = arith.constant 0 : i32
    %c0_i32_0 = arith.constant 0 : i32
    return %arg0, %c0_i32 : i32, i32
  }
  func.func @transform_1(%arg0: i32) -> (i32, i32, i32) {
    %c0_i32 = arith.constant 0 : i32
    %c0_i32_0 = arith.constant 0 : i32
    %c0_i32_1 = arith.constant 0 : i32
    return %c0_i32, %arg0, %c0_i32_0 : i32, i32, i32
  }
  func.func @transform_2(%arg0: i32) -> (i32, i32) {
    %c0_i32 = arith.constant 0 : i32
    %c0_i32_0 = arith.constant 0 : i32
    return %arg0, %c0_i32 : i32, i32
  }
  func.func @transform_3(%arg0: i32) -> (i32, i32) {
    %c0_i32 = arith.constant 0 : i32
    %c0_i32_0 = arith.constant 0 : i32
    return %arg0, %c0_i32 : i32, i32
  }
}

module attributes {stable_mosaic.version = 14 : i64} {
  func.func @_combine_body(%arg0: i32, %arg1: memref<2x2000x128xf32, #tpu.memory_space<vmem>>, %arg2: memref<2000x128xf32, #tpu.memory_space<vmem>>, %arg3: memref<2000x128xf32, #tpu.memory_space<vmem>>, %arg4: memref<1x128xf32, #tpu.memory_space<vmem>>, %arg5: memref<128x128xf32, #tpu.memory_space<vmem>>, %arg6: memref<2000x128xf32, #tpu.memory_space<vmem>>) attributes {dimension_semantics = [#tpu.dimension_semantics<arbitrary>], iteration_bounds = array<i64: 5>, scalar_prefetch = 0 : i64, scratch_operands = 0 : i64, tpu.core_type = #tpu.core_type<tc>, window_params = [{transform_indices = @transform_0, window_bounds = array<i64: 2, 2000, 128>}, {transform_indices = @transform_1, window_bounds = array<i64: 2000, 128>}, {transform_indices = @transform_2, window_bounds = array<i64: 2000, 128>}, {pipeline_mode = #tpu.pipeline_mode<synchronous>, transform_indices = @transform_3, window_bounds = array<i64: 1, 128>}, {pipeline_mode = #tpu.pipeline_mode<synchronous>, transform_indices = @transform_4, window_bounds = array<i64: 128, 128>}, {transform_indices = @transform_5, window_bounds = array<i64: 2000, 128>}]} {
    %get3A = arith.constant 0 : index
    %get3A_0 = arith.constant 0 : index
    %get3A_1 = vector.load %arg3[%get3A, %get3A_0] : memref<2000x128xf32, #tpu.memory_space<vmem>>, vector<2000x128xf32>
    %get3A_2 = arith.constant 0 : index
    %get3A_3 = arith.constant 0 : index
    %get3A_4 = arith.constant 0 : index
    %get3A_5 = vector.load %arg1[%get3A_2, %get3A_3, %get3A_4] : memref<2x2000x128xf32, #tpu.memory_space<vmem>>, vector<1x2000x128xf32>
    %get3A_6 = vector.shape_cast %get3A_5 : vector<1x2000x128xf32> to vector<2000x128xf32>
    %get3A_7 = arith.constant 1 : index
    %get3A_8 = arith.constant 0 : index
    %get3A_9 = arith.constant 0 : index
    %get3A_10 = vector.load %arg1[%get3A_7, %get3A_8, %get3A_9] : memref<2x2000x128xf32, #tpu.memory_space<vmem>>, vector<1x2000x128xf32>
    %get3A_11 = vector.shape_cast %get3A_10 : vector<1x2000x128xf32> to vector<2000x128xf32>
    %add3A = arith.addf %get3A_6, %get3A_11 : vector<2000x128xf32>
    %get3A_12 = arith.constant 0 : index
    %get3A_13 = arith.constant 0 : index
    %get3A_14 = vector.load %arg2[%get3A_12, %get3A_13] : memref<2000x128xf32, #tpu.memory_space<vmem>>, vector<2000x128xf32>
    %add3A_15 = arith.addf %add3A, %get3A_14 : vector<2000x128xf32>
    %mul3A = arith.mulf %get3A_1, %add3A_15 : vector<2000x128xf32>
    %get3A_16 = arith.constant 0 : index
    %get3A_17 = arith.constant 0 : index
    %get3A_18 = vector.load %arg4[%get3A_16, %get3A_17] : memref<1x128xf32, #tpu.memory_space<vmem>>, vector<1x128xf32>
    %add3A_19 = vector.broadcast %get3A_18 : vector<1x128xf32> to vector<2000x128xf32>
    %add3A_20 = arith.addf %mul3A, %add3A_19 : vector<2000x128xf32>
    %max3A = arith.constant 0.000000e+00 : f32
    %max3A_21 = vector.broadcast %max3A : f32 to vector<2000x128xf32>
    %max3A_22 = arith.maximumf %add3A_20, %max3A_21 : vector<2000x128xf32>
    %get3A_23 = arith.constant 0 : index
    %get3A_24 = arith.constant 0 : index
    %get3A_25 = vector.load %arg5[%get3A_23, %get3A_24] : memref<128x128xf32, #tpu.memory_space<vmem>>, vector<128x128xf32>
    %dot_general3A = arith.constant dense<0.000000e+00> : vector<2000x128xf32>
    %dot_general3A_26 = tpu.matmul %max3A_22, %get3A_25, %dot_general3A {dimension_numbers = #tpu.dot_dimension_numbers<[1], [0], [0], [1], [0, 0, 1, 1], [], []>, transpose_lhs_hint = false} : vector<2000x128xf32>, vector<128x128xf32>, vector<2000x128xf32> -> vector<2000x128xf32>
    %mul3A_27 = arith.mulf %dot_general3A_26, %get3A_1 : vector<2000x128xf32>
    %swap3A = arith.constant 0 : index
    %swap3A_28 = arith.constant 0 : index
    %swap3A_29 = vector.load %arg6[%swap3A, %swap3A_28] : memref<2000x128xf32, #tpu.memory_space<vmem>>, vector<2000x128xf32>
    tpu.vector_store %arg6[%swap3A, %swap3A_28], %mul3A_27 {strides = array<i32>} : memref<2000x128xf32, #tpu.memory_space<vmem>>, vector<2000x128xf32>,
    return
  }
  func.func @transform_0(%arg0: i32) -> (i32, i32, i32) {
    %c0_i32 = arith.constant 0 : i32
    %c0_i32_0 = arith.constant 0 : i32
    %c0_i32_1 = arith.constant 0 : i32
    return %c0_i32, %arg0, %c0_i32_0 : i32, i32, i32
  }
  func.func @transform_1(%arg0: i32) -> (i32, i32) {
    %c0_i32 = arith.constant 0 : i32
    %c0_i32_0 = arith.constant 0 : i32
    return %arg0, %c0_i32 : i32, i32
  }
  func.func @transform_2(%arg0: i32) -> (i32, i32) {
    %c0_i32 = arith.constant 0 : i32
    %c0_i32_0 = arith.constant 0 : i32
    return %arg0, %c0_i32 : i32, i32
  }
  func.func @transform_3(%arg0: i32) -> (i32, i32) {
    %c0_i32 = arith.constant 0 : i32
    %c0_i32_0 = arith.constant 0 : i32
    %c0_i32_1 = arith.constant 0 : i32
    return %c0_i32, %c0_i32_0 : i32, i32
  }
  func.func @transform_4(%arg0: i32) -> (i32, i32) {
    %c0_i32 = arith.constant 0 : i32
    %c0_i32_0 = arith.constant 0 : i32
    %c0_i32_1 = arith.constant 0 : i32
    return %c0_i32, %c0_i32_0 : i32, i32
  }
  func.func @transform_5(%arg0: i32) -> (i32, i32) {
    %c0_i32 = arith.constant 0 : i32
    %c0_i32_0 = arith.constant 0 : i32
    return %arg0, %c0_i32 : i32, i32
  }
}

module attributes {stable_mosaic.version = 14 : i64} {
  func.func @_final_body(%arg0: i32, %arg1: memref<2x2000x128xf32, #tpu.memory_space<vmem>>, %arg2: memref<2000x128xf32, #tpu.memory_space<vmem>>, %arg3: memref<2000x128xf32, #tpu.memory_space<vmem>>, %arg4: memref<1x128xf32, #tpu.memory_space<vmem>>, %arg5: memref<128x64xf32, #tpu.memory_space<vmem>>, %arg6: memref<1x64xf32, #tpu.memory_space<vmem>>, %arg7: memref<64x128xf32, #tpu.memory_space<vmem>>, %arg8: memref<1x128xf32, #tpu.memory_space<vmem>>, %arg9: memref<1x128xf32, #tpu.memory_space<vmem>>, %arg10: memref<1x128xf32, #tpu.memory_space<vmem>>) attributes {dimension_semantics = [#tpu.dimension_semantics<arbitrary>], iteration_bounds = array<i64: 5>, scalar_prefetch = 0 : i64, scratch_operands = 1 : i64, tpu.core_type = #tpu.core_type<tc>, window_params = [{transform_indices = @transform_0, window_bounds = array<i64: 2, 2000, 128>}, {transform_indices = @transform_1, window_bounds = array<i64: 2000, 128>}, {transform_indices = @transform_2, window_bounds = array<i64: 2000, 128>}, {pipeline_mode = #tpu.pipeline_mode<synchronous>, transform_indices = @transform_3, window_bounds = array<i64: 1, 128>}, {pipeline_mode = #tpu.pipeline_mode<synchronous>, transform_indices = @transform_4, window_bounds = array<i64: 128, 64>}, {pipeline_mode = #tpu.pipeline_mode<synchronous>, transform_indices = @transform_5, window_bounds = array<i64: 1, 64>}, {pipeline_mode = #tpu.pipeline_mode<synchronous>, transform_indices = @transform_6, window_bounds = array<i64: 64, 128>}, {pipeline_mode = #tpu.pipeline_mode<synchronous>, transform_indices = @transform_7, window_bounds = array<i64: 1, 128>}, {pipeline_mode = #tpu.pipeline_mode<synchronous>, transform_indices = @transform_8, window_bounds = array<i64: 1, 128>}]} {
    %eq3A = arith.constant 0 : i32
    %eq3A_0 = arith.cmpi eq, %arg0, %eq3A : i32
    %convert_element_type3A = arith.extui %eq3A_0 : i1 to i32
    %cond3A = arith.constant 0 : i32
    %cond3A_1 = arith.cmpi ne, %convert_element_type3A, %cond3A : i32
    scf.if %cond3A_1 {
      %broadcast_in_dim3A_37 = arith.constant 0.000000e+00 : f32
      %broadcast_in_dim3A_38 = vector.broadcast %broadcast_in_dim3A_37 : f32 to vector<1x128xf32>
      %swap3A_39 = arith.constant 0 : index
      %swap3A_40 = arith.constant 0 : index
      %swap3A_41 = vector.load %arg10[%swap3A_39, %swap3A_40] : memref<1x128xf32, #tpu.memory_space<vmem>>, vector<1x128xf32>
      tpu.vector_store %arg10[%swap3A_39, %swap3A_40], %broadcast_in_dim3A_38 {strides = array<i32>} : memref<1x128xf32, #tpu.memory_space<vmem>>, vector<1x128xf32>,
    } else {
    }
    %get3A = arith.constant 0 : index
    %get3A_2 = arith.constant 0 : index
    %get3A_3 = vector.load %arg3[%get3A, %get3A_2] : memref<2000x128xf32, #tpu.memory_space<vmem>>, vector<2000x128xf32>
    %get3A_4 = arith.constant 0 : index
    %get3A_5 = arith.constant 0 : index
    %get3A_6 = arith.constant 0 : index
    %get3A_7 = vector.load %arg1[%get3A_4, %get3A_5, %get3A_6] : memref<2x2000x128xf32, #tpu.memory_space<vmem>>, vector<1x2000x128xf32>
    %get3A_8 = vector.shape_cast %get3A_7 : vector<1x2000x128xf32> to vector<2000x128xf32>
    %get3A_9 = arith.constant 1 : index
    %get3A_10 = arith.constant 0 : index
    %get3A_11 = arith.constant 0 : index
    %get3A_12 = vector.load %arg1[%get3A_9, %get3A_10, %get3A_11] : memref<2x2000x128xf32, #tpu.memory_space<vmem>>, vector<1x2000x128xf32>
    %get3A_13 = vector.shape_cast %get3A_12 : vector<1x2000x128xf32> to vector<2000x128xf32>
    %add3A = arith.addf %get3A_8, %get3A_13 : vector<2000x128xf32>
    %get3A_14 = arith.constant 0 : index
    %get3A_15 = arith.constant 0 : index
    %get3A_16 = vector.load %arg2[%get3A_14, %get3A_15] : memref<2000x128xf32, #tpu.memory_space<vmem>>, vector<2000x128xf32>
    %add3A_17 = arith.addf %add3A, %get3A_16 : vector<2000x128xf32>
    %mul3A = arith.mulf %get3A_3, %add3A_17 : vector<2000x128xf32>
    %get3A_18 = arith.constant 0 : index
    %get3A_19 = arith.constant 0 : index
    %get3A_20 = vector.load %arg4[%get3A_18, %get3A_19] : memref<1x128xf32, #tpu.memory_space<vmem>>, vector<1x128xf32>
    %add3A_21 = vector.broadcast %get3A_20 : vector<1x128xf32> to vector<2000x128xf32>
    %add3A_22 = arith.addf %mul3A, %add3A_21 : vector<2000x128xf32>
    %max3A = arith.constant 0.000000e+00 : f32
    %max3A_23 = vector.broadcast %max3A : f32 to vector<2000x128xf32>
    %max3A_24 = arith.maximumf %add3A_22, %max3A_23 : vector<2000x128xf32>
    %get3A_25 = arith.constant 0 : index
    %get3A_26 = arith.constant 0 : index
    %get3A_27 = vector.load %arg10[%get3A_25, %get3A_26] : memref<1x128xf32, #tpu.memory_space<vmem>>, vector<1x128xf32>
    %reduce_sum3A = arith.constant dense<0.000000e+00> : vector<128xf32>
    %reduce_sum3A_28 = vector.multi_reduction <add>, %max3A_24, %reduce_sum3A [0] : vector<2000x128xf32> to vector<128xf32>
    %broadcast_in_dim3A = vector.shape_cast %reduce_sum3A_28 : vector<128xf32> to vector<1x128xf32>
    %add3A_29 = arith.addf %get3A_27, %broadcast_in_dim3A : vector<1x128xf32>
    %swap3A = arith.constant 0 : index
    %swap3A_30 = arith.constant 0 : index
    %swap3A_31 = vector.load %arg10[%swap3A, %swap3A_30] : memref<1x128xf32, #tpu.memory_space<vmem>>, vector<1x128xf32>
    tpu.vector_store %arg10[%swap3A, %swap3A_30], %add3A_29 {strides = array<i32>} : memref<1x128xf32, #tpu.memory_space<vmem>>, vector<1x128xf32>,
    %eq3A_32 = arith.constant 4 : i32
    %eq3A_33 = arith.cmpi eq, %arg0, %eq3A_32 : i32
    %convert_element_type3A_34 = arith.extui %eq3A_33 : i1 to i32
    %cond3A_35 = arith.constant 0 : i32
    %cond3A_36 = arith.cmpi ne, %convert_element_type3A_34, %cond3A_35 : i32
    scf.if %cond3A_36 {
      %get3A_37 = arith.constant 0 : index
      %get3A_38 = arith.constant 0 : index
      %get3A_39 = vector.load %arg10[%get3A_37, %get3A_38] : memref<1x128xf32, #tpu.memory_space<vmem>>, vector<1x128xf32>
      %mul3A_40 = arith.constant 9.99999974E-5 : f32
      %mul3A_41 = vector.broadcast %mul3A_40 : f32 to vector<1x128xf32>
      %mul3A_42 = arith.mulf %get3A_39, %mul3A_41 : vector<1x128xf32>
      %get3A_43 = arith.constant 0 : index
      %get3A_44 = arith.constant 0 : index
      %get3A_45 = vector.load %arg5[%get3A_43, %get3A_44] : memref<128x64xf32, #tpu.memory_space<vmem>>, vector<128x64xf32>
      %dot_general3A = arith.constant dense<0.000000e+00> : vector<1x64xf32>
      %dot_general3A_46 = tpu.matmul %mul3A_42, %get3A_45, %dot_general3A {dimension_numbers = #tpu.dot_dimension_numbers<[1], [0], [0], [1], [0, 0, 1, 1], [], []>, transpose_lhs_hint = false} : vector<1x128xf32>, vector<128x64xf32>, vector<1x64xf32> -> vector<1x64xf32>
      %get3A_47 = arith.constant 0 : index
      %get3A_48 = arith.constant 0 : index
      %get3A_49 = vector.load %arg6[%get3A_47, %get3A_48] : memref<1x64xf32, #tpu.memory_space<vmem>>, vector<1x64xf32>
      %add3A_50 = arith.addf %dot_general3A_46, %get3A_49 : vector<1x64xf32>
      %max3A_51 = arith.constant 0.000000e+00 : f32
      %max3A_52 = vector.broadcast %max3A_51 : f32 to vector<1x64xf32>
      %max3A_53 = arith.maximumf %add3A_50, %max3A_52 : vector<1x64xf32>
      %get3A_54 = arith.constant 0 : index
      %get3A_55 = arith.constant 0 : index
      %get3A_56 = vector.load %arg7[%get3A_54, %get3A_55] : memref<64x128xf32, #tpu.memory_space<vmem>>, vector<64x128xf32>
      %dot_general3A_57 = arith.constant dense<0.000000e+00> : vector<1x128xf32>
      %dot_general3A_58 = tpu.matmul %max3A_53, %get3A_56, %dot_general3A_57 {dimension_numbers = #tpu.dot_dimension_numbers<[1], [0], [0], [1], [0, 0, 1, 1], [], []>, transpose_lhs_hint = false} : vector<1x64xf32>, vector<64x128xf32>, vector<1x128xf32> -> vector<1x128xf32>
      %get3A_59 = arith.constant 0 : index
      %get3A_60 = arith.constant 0 : index
      %get3A_61 = vector.load %arg8[%get3A_59, %get3A_60] : memref<1x128xf32, #tpu.memory_space<vmem>>, vector<1x128xf32>
      %add3A_62 = arith.addf %dot_general3A_58, %get3A_61 : vector<1x128xf32>
      %swap3A_63 = arith.constant 0 : index
      %swap3A_64 = arith.constant 0 : index
      %swap3A_65 = vector.load %arg9[%swap3A_63, %swap3A_64] : memref<1x128xf32, #tpu.memory_space<vmem>>, vector<1x128xf32>
      tpu.vector_store %arg9[%swap3A_63, %swap3A_64], %add3A_62 {strides = array<i32>} : memref<1x128xf32, #tpu.memory_space<vmem>>, vector<1x128xf32>,
    } else {
    }
    return
  }
  func.func @transform_0(%arg0: i32) -> (i32, i32, i32) {
    %c0_i32 = arith.constant 0 : i32
    %c0_i32_0 = arith.constant 0 : i32
    %c0_i32_1 = arith.constant 0 : i32
    return %c0_i32, %arg0, %c0_i32_0 : i32, i32, i32
  }
  func.func @transform_1(%arg0: i32) -> (i32, i32) {
    %c0_i32 = arith.constant 0 : i32
    %c0_i32_0 = arith.constant 0 : i32
    return %arg0, %c0_i32 : i32, i32
  }
  func.func @transform_2(%arg0: i32) -> (i32, i32) {
    %c0_i32 = arith.constant 0 : i32
    %c0_i32_0 = arith.constant 0 : i32
    return %arg0, %c0_i32 : i32, i32
  }
  func.func @transform_3(%arg0: i32) -> (i32, i32) {
    %c0_i32 = arith.constant 0 : i32
    %c0_i32_0 = arith.constant 0 : i32
    %c0_i32_1 = arith.constant 0 : i32
    return %c0_i32, %c0_i32_0 : i32, i32
  }
  func.func @transform_4(%arg0: i32) -> (i32, i32) {
    %c0_i32 = arith.constant 0 : i32
    %c0_i32_0 = arith.constant 0 : i32
    %c0_i32_1 = arith.constant 0 : i32
    return %c0_i32, %c0_i32_0 : i32, i32
  }
  func.func @transform_5(%arg0: i32) -> (i32, i32) {
    %c0_i32 = arith.constant 0 : i32
    %c0_i32_0 = arith.constant 0 : i32
    %c0_i32_1 = arith.constant 0 : i32
    return %c0_i32, %c0_i32_0 : i32, i32
  }
  func.func @transform_6(%arg0: i32) -> (i32, i32) {
    %c0_i32 = arith.constant 0 : i32
    %c0_i32_0 = arith.constant 0 : i32
    %c0_i32_1 = arith.constant 0 : i32
    return %c0_i32, %c0_i32_0 : i32, i32
  }
  func.func @transform_7(%arg0: i32) -> (i32, i32) {
    %c0_i32 = arith.constant 0 : i32
    %c0_i32_0 = arith.constant 0 : i32
    %c0_i32_1 = arith.constant 0 : i32
    return %c0_i32, %c0_i32_0 : i32, i32
  }
  func.func @transform_8(%arg0: i32) -> (i32, i32) {
    %c0_i32 = arith.constant 0 : i32
    %c0_i32_0 = arith.constant 0 : i32
    %c0_i32_1 = arith.constant 0 : i32
    return %c0_i32, %c0_i32_0 : i32, i32
  }
}

</mosaic_0001>

<sc_bundles>
// kernel: kernel.11.cloned.1.call-start
scs
__scs_entry_jumppad:
0x0: {  	(pc) =	sbr.rel $0x88, $3  }
0x1: {  	(tag) =	ssettag $0x0;
	lr =	simm.s32 $0x1  }
0x2: {  	[smem:$0x3F93] =	sst lr;
	_ =	strace $0xD0000000  }
0x3: {  	_ = 	snop  }
0x4: {  	_ = 	snop  }
0x5: {  	_ = 	snop  }
0x6: {  	_ = 	snop  }
0x7: {  	_ = 	snop  }
__scs_overlays_trampoline_lowered:
0x8: {  	[smem:$0x3FA2] =	sst s0  }
0x9: {  	[smem:$0x3FA3] =	sst s1  }
0xa: {  	[smem:$0x3FA4] =	sst s2  }
0xb: {  	[smem:$0x3FA5] =	sst s3  }
0xc: {  	[smem:$0x3FA6] =	sst s4  }
0xd: {  	[smem:$0x3FA7] =	sst s5  }
0xe: {  	[smem:$0x3FA8] =	sst s6  }
0xf: {  	[smem:$0x3FA9] =	sst s7  }
0x10: {  	[smem:$0x3FAA] =	sst s8  }
0x11: {  	[smem:$0x3FAB] =	sst s9;
	s0 =	simm.s32 @!p0 $0x0  }
0x12: {  	s1 =	sld [smem:$0x3F91];
	s0 =	simm.s32 @p0 $0x1  }
0x13: {  	[smem:$0x3FAC] =	sst s0;
	s0 =	simm.s32 @!p1 $0x0  }
0x14: {  	s2 =	sld [smem:$0x3F90];
	s0 =	simm.s32 @p1 $0x1  }
0x15: {  	[smem:$0x3FAD] =	sst s0;
	s0 =	simm.s32 @!p2 $0x0  }
0x16: {  	s3 =	sld [smem:$0x3FDB];
	s0 =	simm.s32 @p2 $0x1  }
0x17: {  	s4 =	simm.s32 $0x1BF5;
	[smem:$0x3FAF] =	sst s0  }
0x18: {  	s0 =	sld [smem:$0x3F92];
	_ =	swait.ge [sflag:s4], $0x0  }
0x19: {  	s7 =	sld [smem:$0x3F93]  }
0x1a: {  	s8 =	sadd.s32 $0xFFFFE003, lr  }
0x1b: {  	s9 =	sadd.s32 $0xFFFFFEF7, lr;
	s5 =	simm.s32 $0xFFFFFFFF;
	p2 =	slt.u32 s8, $0xFFFFF086  }
0x1c: {  	p1 =	slt.u32 s9, $0xF7A;
	s5 =	simm.s32 @!p2 $0x0  }
0x1d: {  	s5 =	simm.s32 @p1 $0x1;
	p0 =	seq.s32 s7, s2  }
0x1e: {  	s7 =	smul.u32 @!p0 $0xF7A, s2;
	p2 =	seq.s32 @!p0 s5, $0x0  }
0x1f: {  	s9 =	smul.u32 $0xF7A, s1;
	s8 =	simm.s32 @!p0 $0x1BF5;
	p2 =	por !p2, p0  }
0x20: {  	[sflag:s8] =	ssyncset.s32 @!p0 $0xFFFFF086;
	s6 =	sadd.s32 @!p0 s3, s7;
	s7 =	simm.s32 @!p0 $0x108  }
0x21: {  	s3 =	sadd.s32 s3, s9;
	s6 =	sadd.s32 @!p0 $0x88, s6;
	s7 =	simm.s32 @p2 $0x1082  }
0x22: {  	[simem:s7], [sflag:s8] =	dma.local @!p0 [hbm:s6], $0xF7A  }
0x23: {  	s9 =	sor.u32 $0xD0000000, s2;
	s6 =	simm.s32 $0x108;
	_ =	swait.ge @!p0 [sflag:s8], $0x0  }
0x24: {  	s3 =	sadd.s32 $0x88, s3;
	s6 =	simm.s32 @!p1 $0x1082;
	[sflag:s4] =	ssyncset.s32 $0xFFFFF086  }
0x25: {  	[simem:s6], [sflag:s4] =	dma.local [hbm:s3], $0xF7A  }
0x26: {  	[smem:$0x3F93] =	sst s1;
	(tag) =	ssettag s2;
	_ =	strace s9  }
0x27: {  	s1 =	sld [smem:$0x3FA3]  }
0x28: {  	s2 =	sld [smem:$0x3FA4]  }
0x29: {  	s4 =	sld [smem:$0x3FA6]  }
0x2a: {  	p0 =	seq.s32 s5, $0x0;
	s5 =	sld [smem:$0x3FA7]  }
0x2b: {  	s6 =	sld [smem:$0x3FA8]  }
0x2c: {  	s7 =	sld [smem:$0x3FA9]  }
0x2d: {  	s3 =	simm.s32 $0x108;
	s8 =	sld [smem:$0x3FAA]  }
0x2e: {  	s3 =	simm.s32 @!p0 $0x1082;
	s9 =	sld [smem:$0x3FAB]  }
0x2f: {  	lr =	sadd.s32 s0, s3;
	s0 =	sld [smem:$0x3FA2]  }
0x30: {  	s3 =	sld [smem:$0x3FA5]  }
0x31: {  	[smem:$0x3FAE] =	sst s10  }
0x32: {  	s10 =	sld [smem:$0x3FAC];
	_ =	sdelay $0x3  }
0x33: {  	p0 =	seq.s32 s10, $0x1;
	s10 =	sld [smem:$0x3FAE];
	_ =	sdelay $0x3  }
0x34: {  	[smem:$0x3FAE] =	sst s10  }
0x35: {  	s10 =	sld [smem:$0x3FAD];
	_ =	sdelay $0x3  }
0x36: {  	p1 =	seq.s32 s10, $0x1;
	s10 =	sld [smem:$0x3FAE];
	_ =	sdelay $0x3  }
0x37: {  	[smem:$0x3FAE] =	sst s10  }
0x38: {  	s10 =	sld [smem:$0x3FAF]  }
0x39: {  	_ = 	snop;
	(pc) =	sbr.ind lr, $3  }
0x3a: {  	_ = 	snop  }
0x3b: {  	_ = 	snop  }
0x3c: {  	p2 =	seq.s32 s10, $0x1;
	s10 =	sld [smem:$0x3FAE]  }
0x3d: {  	_ =	shalt  }
0x3e: {  	_ =	shalt  }
0x3f: {  	_ =	shalt  }
0x40: {  	_ =	shalt  }
0x41: {  	_ =	shalt  }
0x42: {  	_ =	shalt  }
0x43: {  	_ =	shalt  }
0x44: {  	_ =	shalt  }
0x45: {  	_ =	shalt  }
0x46: {  	_ =	shalt  }
0x47: {  	_ =	shalt  }
0x48: {  	_ =	shalt  }
0x49: {  	_ =	shalt  }
0x4a: {  	_ =	shalt  }
0x4b: {  	_ =	shalt  }
0x4c: {  	_ =	shalt  }
0x4d: {  	_ =	shalt  }
0x4e: {  	_ =	shalt  }
0x4f: {  	_ =	shalt  }
0x50: {  	_ =	shalt  }
0x51: {  	_ =	shalt  }
0x52: {  	_ =	shalt  }
0x53: {  	_ =	shalt  }
0x54: {  	_ =	shalt  }
0x55: {  	_ =	shalt  }
0x56: {  	_ =	shalt  }
0x57: {  	_ =	shalt  }
0x58: {  	_ =	shalt  }
0x59: {  	_ =	shalt  }
0x5a: {  	_ =	shalt  }
0x5b: {  	_ =	shalt  }
0x5c: {  	_ =	shalt  }
0x5d: {  	_ =	shalt  }
0x5e: {  	_ =	shalt  }
0x5f: {  	_ =	shalt  }
0x60: {  	_ =	shalt  }
0x61: {  	_ =	shalt  }
0x62: {  	_ =	shalt  }
0x63: {  	_ =	shalt  }
0x64: {  	_ =	shalt  }
0x65: {  	_ =	shalt  }
0x66: {  	_ =	shalt  }
0x67: {  	_ =	shalt  }
0x68: {  	_ =	shalt  }
0x69: {  	_ =	shalt  }
0x6a: {  	_ =	shalt  }
0x6b: {  	_ =	shalt  }
0x6c: {  	_ =	shalt  }
0x6d: {  	_ =	shalt  }
0x6e: {  	_ =	shalt  }
0x6f: {  	_ =	shalt  }
0x70: {  	_ =	shalt  }
0x71: {  	_ =	shalt  }
0x72: {  	_ =	shalt  }
0x73: {  	_ =	shalt  }
0x74: {  	_ =	shalt  }
0x75: {  	_ =	shalt  }
0x76: {  	_ =	shalt  }
0x77: {  	_ =	shalt  }
0x78: {  	_ =	shalt  }
0x79: {  	_ =	shalt  }
0x7a: {  	_ =	shalt  }
0x7b: {  	_ =	shalt  }
0x7c: {  	_ =	shalt  }
0x7d: {  	_ =	shalt  }
0x7e: {  	_ =	shalt  }
0x7f: {  	_ =	shalt  }
0x80: {  	_ =	shalt  }
0x81: {  	_ =	shalt  }
0x82: {  	_ =	shalt  }
0x83: {  	_ =	shalt  }
0x84: {  	_ =	shalt  }
0x85: {  	_ =	shalt  }
0x86: {  	_ =	shalt  }
0x87: {  	_ =	shalt  }
.Lfunc_end0:
.L_simem_size_0:
called_computation_lowered:
.L_overlay_start_0:
0x88: {  	s2 =	sld [smem:$0x3FD9]  }
0x89: {  	s3 =	sld [smem:$0x3FFE];
	_ =	sdelay $0x1  }
0x8a: {  	s1 =	srdreg.scid  }
0x8b: {  	s0 =	sand.u32 $0x1, s1  }
0x8c: {  	s16 =	sshll.u32 s0, $0xA;
	s2 =	sadd.s32 s3, s2  }
0x8d: {  	s2 =	sadd.s32 s2, s16  }
0x8e: {  	[smem:$0x3FBA] =	sst s2  }
0x8f: {  	_ = 	snop  }
0x90: {  	(tm) =	ssettm $0x1  }
0x91: {  	s17 =	sld [smem:$0x3FFB];
	_ =	sdelay $0x3  }
0x92: {  	_ =	strace s17  }
0x93: {  	s2 =	sld [smem:$0x3FFC];
	_ =	sdelay $0x3  }
0x94: {  	_ =	strace s2  }
0x95: {  	s2 =	sld [smem:$0x3FFD];
	_ =	sdelay $0x3  }
0x96: {  	_ =	strace s2  }
0x97: {  	_ =	strace $0x8FFFFFFF  }
0x98: {  	s18 =	sld [smem:$0x3FDB];
	_ =	sdelay $0x1  }
0x99: {  	s19 =	simm.s32 $_scs_section_size  }
0x9a: {  	s4 =	simm.s32 $_size__tile_overlayer_lowered;
	s5 =	simm.s32 $_tile_overlayer_lowered  }
0x9b: {  	s22 =	simm.s32 $0x1BFF;
	s21 =	sshll.u32 s5, $0x1;
	s2 =	sadd.s32 s19, s18  }
0x9c: {  	s6 =	simm.s32 $0x0;
	s20 =	sshll.u32 s4, $0x1;
	s4 =	sadd.s32 s21, s2  }
0x9d: {  	[timem:s6], [sflag:s22] =	dma.local [hbm:s4], s20  }
0x9e: {  	_ =	swait.ge [sflag:s22], s20  }
0x9f: {  	s3 =	ssub.s32 $0x0, s20;
	[sflag:s22] =	ssyncset.done $0x0  }
0xa0: {  	[sflag:s22] =	ssyncadd.s32 s3;
	_ =	sdelay $0x1  }
0xa1: {  	s23 =	simm.s32 $0x1B8B  }
0xa2: {  	_ =	swait.ge [sflag:s23], $0x1  }
0xa3: {  	[sflag:s23] =	ssyncset.done $0x0  }
0xa4: {  	s25 =	simm.s32 $0x1B8E;
	s24 =	sld [smem:$0x3FFE];
	[sflag:s23] =	ssyncadd.s32 $0xFFFFFFFF  }
0xa5: {  	s26 =	simm.s32 $execute0_lowered;
	[smem:$0x3FD2] =	sst s25  }
0xa6: {  	s4 =	sshll.u32 s26, $0x1;
	_ =	strace $0x80000046;
	[dreg:$0x1] =	wrdreg $0xFFFFFFFF  }
0xa7: {  	s28 =	simm.s32 $_size_execute0_lowered;
	s2 =	sadd.s32 s2, s4;
	[dreg:$0x0] =	wrdreg $0x0  }
0xa8: {  	s4 =	sshll.u32 s28, $0x1;
	[dreg:$0x2] =	wrdreg s2  }
0xa9: {  	[dreg:$0x3] =	wrdreg s4  }
0xaa: {  	[dreg:$0x4] =	wrdreg $0xC0  }
0xab: {  	_ =	task [dreg:s6], $0x5FFFF  }
0xac: {  	[dreg:$0x1] =	wrdreg $0xFFFFFFFF  }
0xad: {  	[dreg:$0x0] =	wrdreg $0x60  }
0xae: {  	[dreg:$0x2] =	wrdreg s24  }
0xaf: {  	[dreg:$0x3] =	wrdreg $0x68000  }
0xb0: {  	[dreg:$0x4] =	wrdreg $0x9  }
0xb1: {  	_ =	task.clear_ibuf [dreg:s6], $0x5FFFF;
	_ =	strace $0x90000046  }
0xb2: {  	s29 =	simm.s32 $0x9;
	_ =	strace $0x80000048  }
0xb3: {  	_ =	swait.ge [sflag:s29], $0x1  }
0xb4: {  	[sflag:s29] =	ssyncadd.s32 $0xFFFFFFFF  }
0xb5: {  	_ =	strace $0x90000048  }
0xb6: {  	_ =	sfence  }
0xb7: {  	s30 =	sld [smem:$0x0];
	_ =	sdelay $0x2  }
0xb8: {  	s31 =	sshll.u32 s1, $0xD;
	s1 =	sshrl.u32 s1, $0x2  }
0xb9: {  	s3 =	sand.u32 $0x4000, s31;
	s1 =	sadd.s32 s1, s30  }
0xba: {  	s0 =	sor.u32 s3, s0;
	s1 =	sshll.u32 s1, $0x11  }
0xbb: {  	s0 =	sor.u32 s1, s0  }
0xbc: {  	s0 =	sadd.s32 $0x8F2B, s0  }
0xbd: {  	[sflag:s0] =	ssyncadd.remote.s32 $0x1  }
0xbe: {  	_ =	sfence.sel $0xFFFF  }
0xbf: {  	[dreg:$0x0] =	wrdreg $0xFFFFFFFF;
	(pc) =	sbr.abs _section_cstart, $3  }
0xc0: {  	[dreg:$0x1] =	wrdreg $0xFFFFFFFF  }
0xc1: {  	_ =	task.clear_ibuf [dreg:s6], $0x2FFFF;
	_ =	strace $0x9FFFFFFF  }
0xc2: {  	(tm) =	ssettm $0x7FFFFFFF  }
0xc3: {  	_ =	shalt  }
tec
execute0_lowered:
.L_overlay_start_1:
0x0: {  	(tag) =	ssettag $0x1  }
0x1: {  	s0 =	srdreg.scid;
	s6 =	rddreg [dreg:$0x0]  }
0x2: {  	s2 =	rddreg [dreg:$0x1];
	s1 =	stileid.u32;
	s3 =	simm.s32 $0x0  }
0x3: {  	s21 =	simm.s32 $0x80;
	s22 =	simm.s32 $0x1;
	s23 =	simm.s32 $0x0  }
0x4: {  	s8 =	sand.u32 $0x1, s0;
	[smem:$0x7FF] =	sst s3;
	s9 =	smul.u32 $0x50000, s1  }
0x5: {  	s12 =	smul.u32 $0x14000, s1;
	s5 =	sadd.s32 $0x18000, s6;
	s16 =	sadd.s32 $0x19000, s6  }
0x6: {  	s31 =	sshll.u32 s1, $0x6;
	s4 =	sshll.u32 s8, $0x4;
	_ =	strace $0x80000047  }
0x7: {  	s7 =	ssub.s32 $0x2, s8;
	s19 =	smul.u32 $0x140000, s8;
	s4 =	sor.u32 s1, s4  }
0x8: {  	s10 =	sshrl.u32 s7, $0x1;
	s30 =	sshrl.u32 s9, $0x2;
	s13 =	sadd.s32 $0x4000, s12  }
0x9: {  	s14 =	sadd.s32 $0x8000, s12;
	s15 =	sadd.s32 $0xC000, s12;
	s20 =	sadd.s32 $0x10000, s12  }
0xa: {  	s4 =	smul.u32 $0x500, s4;
	s17 =	ssub.s32 s7, s10;
	s18 =	sadd.s32 s30, s2  }
0xb: {  	s7 =	sadd.s32 s13, s2;
	s8 =	sadd.s32 s14, s2;
	s9 =	sadd.s32 s15, s2  }
0xc: {  	s10 =	sadd.s32 s20, s2;
	s12 =	sadd.s32 s12, s19;
	s13 =	sadd.s32 s19, s13  }
0xd: {  	s14 =	sadd.s32 s19, s14;
	s15 =	sadd.s32 s19, s15;
	s19 =	sadd.s32 s19, s20  }
0xe: {  	s20 =	simm.s32 $0x2800;
	s12 =	sshrl.u32 s12, $0x3;
	s13 =	sshrl.u32 s13, $0x3  }
0xf: {  	s14 =	sshrl.u32 s14, $0x3;
	s15 =	sshrl.u32 s15, $0x3;
	s19 =	sshrl.u32 s19, $0x3  }
0x10: {  	s17 =	smax.u32 s17, $0x1;
	s18 =	sshrl.u32 s18, $0x3;
	s11 =	sadd.s32 s4, s6  }
0x11: {  	s4 =	sadd.s32 $0x18800, s6;
	s6 =	sor.u32 $0x1C02, s31;
	s12 =	sadd.s32 s16, s12  }
0x12: {  	s13 =	sadd.s32 s16, s13;
	s14 =	sadd.s32 s16, s14;
	s15 =	sadd.s32 s16, s15  }
0x13: {  	s16 =	sadd.s32 s16, s19;
	s19 =	simm.s32 $0x2;
	s11 =	sadd.s32 $0x4000, s11  }
.LBB2_1:
0x14: {  	[spmem:s18], [sflag:s6] =	dma.local [hbm:s5], $0x800  }
0x15: {  	_ =	swait.ge [sflag:s19], $0x800  }
0x16: {  	[sflag:s19] =	ssyncset.done $0x0  }
0x17: {  	s24 =	sshrl.u32 s7, $0x3;
	[sflag:s19] =	ssyncadd.s32 $0xFFFFF800  }
0x18: {  	[spmem:s24], [sflag:s6] =	dma.local [hbm:s5], $0x800  }
0x19: {  	_ =	swait.ge [sflag:s19], $0x800  }
0x1a: {  	[sflag:s19] =	ssyncset.done $0x0  }
0x1b: {  	s25 =	sshrl.u32 s8, $0x3;
	[sflag:s19] =	ssyncadd.s32 $0xFFFFF800  }
0x1c: {  	[spmem:s25], [sflag:s6] =	dma.local [hbm:s5], $0x800  }
0x1d: {  	_ =	swait.ge [sflag:s19], $0x800  }
0x1e: {  	[sflag:s19] =	ssyncset.done $0x0  }
0x1f: {  	s26 =	sshrl.u32 s9, $0x3;
	[sflag:s19] =	ssyncadd.s32 $0xFFFFF800  }
0x20: {  	[spmem:s26], [sflag:s6] =	dma.local [hbm:s5], $0x800  }
0x21: {  	_ =	swait.ge [sflag:s19], $0x800  }
0x22: {  	[sflag:s19] =	ssyncset.done $0x0  }
0x23: {  	s28 =	sshrl.u32 s10, $0x3;
	[sflag:s19] =	ssyncadd.s32 $0xFFFFF800  }
0x24: {  	[spmem:s28], [sflag:s6] =	dma.local [hbm:s5], $0x800  }
0x25: {  	_ =	swait.ge [sflag:s19], $0x800  }
0x26: {  	[sflag:s19] =	ssyncset.done $0x0  }
0x27: {  	[sflag:s19] =	ssyncadd.s32 $0xFFFFF800  }
0x28: {  	[tilespmem:s3], [sflag:$0x2] =	stream.linear.gather [hbm4b:s11+s3], $0x2800, $0x38;
	[tilespmem:$0x1A800] =	vst v63  }
0x29: {  	_ =	swait.ge [sflag:s19], $0x2800  }
0x2a: {  	[sflag:s19] =	ssyncset.done $0x0  }
0x2b: {  	[sflag:s19] =	ssyncadd.s32 $0xFFFFD800  }
0x2c: {  	[tilespmem:s20], [sflag:$0x2] =	stream.linear.gather [hbm4b:s4+s3], $0x4000, $0x38;
	[tilespmem:$0x1A800] =	vst v63  }
0x2d: {  	_ =	swait.ge [sflag:s19], $0x4000  }
0x2e: {  	[sflag:s19] =	ssyncset.done $0x0  }
0x2f: {  	[sflag:s19] =	ssyncadd.s32 $0xFFFFC000  }
0x30: {  	s29 =	simm.s32 $0x0;
	[bflag:$0x0] =	sbarrier.arrive $0xFFFF  }
0x31: {  	[spmem:s2] =	stream.indirect.scatter.add.f32 [tilespmem:s20], [sflag:$0x1], $0x80, s29, s21, $0xb8;
	[tilespmem:$0x1A800] =	vst v63  }
0x32: {  	s29 =	simm.s32 $0x80  }
0x33: {  	[spmem:s2] =	stream.indirect.scatter.add.f32 [tilespmem:s20], [sflag:$0x1], $0x80, s29, s21, $0xb8;
	[tilespmem:$0x1A800] =	vst v63  }
0x34: {  	s29 =	simm.s32 $0x100  }
0x35: {  	[spmem:s2] =	stream.indirect.scatter.add.f32 [tilespmem:s20], [sflag:$0x1], $0x80, s29, s21, $0xb8;
	[tilespmem:$0x1A800] =	vst v63  }
0x36: {  	s29 =	simm.s32 $0x180  }
0x37: {  	[spmem:s2] =	stream.indirect.scatter.add.f32 [tilespmem:s20], [sflag:$0x1], $0x80, s29, s21, $0xb8;
	[tilespmem:$0x1A800] =	vst v63  }
0x38: {  	_ =	swait.ge [sflag:s22], $0x4000  }
0x39: {  	[sflag:s22] =	ssyncset.done $0x0  }
0x3a: {  	[sflag:s22] =	ssyncadd.s32 $0xFFFFC000  }
0x3b: {  	_ =	swait.ge [sflag:s22], $0x4000  }
0x3c: {  	[sflag:s22] =	ssyncset.done $0x0  }
0x3d: {  	[sflag:s22] =	ssyncadd.s32 $0xFFFFC000  }
0x3e: {  	_ =	swait.ge [sflag:s22], $0x4000  }
0x3f: {  	[sflag:s22] =	ssyncset.done $0x0  }
0x40: {  	[sflag:s22] =	ssyncadd.s32 $0xFFFFC000  }
0x41: {  	_ =	swait.ge [sflag:s22], $0x4000  }
0x42: {  	s30 =	simm.s32 $0x1000;
	s29 =	simm.s32 $0x800;
	[sflag:s22] =	ssyncset.done $0x0  }
.LBB2_2:
0x43: {  	s31 =	sshra.s32 s29, $0x2  }
0x44: {  	[sflag:s22] =	ssyncadd.s32 $0xFFFFC000;
	s29 =	smov.u32 s30;
	s0 =	sadd.s32 $0x800, s30  }
0x45: {  	[spmem:s2] =	stream.indirect.scatter.add.f32 [tilespmem:s20], [sflag:$0x1], $0x80, s31, s21, $0xb8;
	[tilespmem:$0x1A800] =	vst v63  }
0x46: {  	p0 =	sne.s32 s30, $0x9800;
	s30 =	sadd.s32 $0x80, s31  }
0x47: {  	[spmem:s2] =	stream.indirect.scatter.add.f32 [tilespmem:s20], [sflag:$0x1], $0x80, s30, s21, $0xb8;
	[tilespmem:$0x1A800] =	vst v63  }
0x48: {  	s30 =	sadd.s32 $0x100, s31  }
0x49: {  	[spmem:s2] =	stream.indirect.scatter.add.f32 [tilespmem:s20], [sflag:$0x1], $0x80, s30, s21, $0xb8;
	[tilespmem:$0x1A800] =	vst v63  }
0x4a: {  	s30 =	sadd.s32 $0x180, s31  }
0x4b: {  	[spmem:s2] =	stream.indirect.scatter.add.f32 [tilespmem:s20], [sflag:$0x1], $0x80, s30, s21, $0xb8;
	[tilespmem:$0x1A800] =	vst v63  }
0x4c: {  	_ =	swait.ge [sflag:s22], $0x4000  }
0x4d: {  	[sflag:s22] =	ssyncset.done $0x0  }
0x4e: {  	[sflag:s22] =	ssyncadd.s32 $0xFFFFC000  }
0x4f: {  	_ =	swait.ge [sflag:s22], $0x4000  }
0x50: {  	[sflag:s22] =	ssyncset.done $0x0  }
0x51: {  	[sflag:s22] =	ssyncadd.s32 $0xFFFFC000  }
.Ltmp0:
0x52: {  	_ =	swait.ge [sflag:s22], $0x4000;
	(pc) =	sbr.rel @p0 .LBB2_2-.Ltmp0, $4  }
0x53: {  	[sflag:s22] =	ssyncset.done $0x0  }
0x54: {  	[sflag:s22] =	ssyncadd.s32 $0xFFFFC000  }
0x55: {  	_ =	swait.ge [sflag:s22], $0x4000  }
0x56: {  	s30 =	smov.u32 s0;
	[sflag:s22] =	ssyncset.done $0x0  }
0x57: {  	s0 =	sshra.s32 s29, $0x2;
	[sflag:s22] =	ssyncadd.s32 $0xFFFFC000  }
0x58: {  	[spmem:s2] =	stream.indirect.scatter.add.f32 [tilespmem:s20], [sflag:$0x1], $0x80, s0, s21, $0xb8;
	[tilespmem:$0x1A800] =	vst v63  }
0x59: {  	s29 =	sadd.s32 $0x80, s0  }
0x5a: {  	[spmem:s2] =	stream.indirect.scatter.add.f32 [tilespmem:s20], [sflag:$0x1], $0x80, s29, s21, $0xb8;
	[tilespmem:$0x1A800] =	vst v63  }
0x5b: {  	s31 =	sadd.s32 $0x100, s0  }
0x5c: {  	[spmem:s2] =	stream.indirect.scatter.add.f32 [tilespmem:s20], [sflag:$0x1], $0x80, s31, s21, $0xb8;
	[tilespmem:$0x1A800] =	vst v63  }
0x5d: {  	s0 =	sadd.s32 $0x180, s0  }
0x5e: {  	[spmem:s2] =	stream.indirect.scatter.add.f32 [tilespmem:s20], [sflag:$0x1], $0x80, s0, s21, $0xb8;
	[tilespmem:$0x1A800] =	vst v63  }
0x5f: {  	_ =	swait.ge [sflag:s22], $0x4000  }
0x60: {  	[sflag:s22] =	ssyncset.done $0x0  }
0x61: {  	[sflag:s22] =	ssyncadd.s32 $0xFFFFC000  }
0x62: {  	_ =	swait.ge [sflag:s22], $0x4000  }
0x63: {  	[sflag:s22] =	ssyncset.done $0x0  }
0x64: {  	[sflag:s22] =	ssyncadd.s32 $0xFFFFC000  }
0x65: {  	_ =	swait.ge [sflag:s22], $0x4000  }
0x66: {  	[sflag:s22] =	ssyncset.done $0x0  }
0x67: {  	[sflag:s22] =	ssyncadd.s32 $0xFFFFC000  }
0x68: {  	_ =	swait.ge [sflag:s22], $0x4000  }
0x69: {  	[sflag:s22] =	ssyncset.done $0x0  }
0x6a: {  	[sflag:s22] =	ssyncadd.s32 $0xFFFFC000  }
0x6b: {  	[bflag:$0x0] =	sbarrier.arrive $0xFFFF  }
0x6c: {  	[hbm:s12], [sflag:s6] =	dma.local [spmem:s18], $0x800  }
0x6d: {  	_ =	swait.ge [sflag:s19], $0x800  }
0x6e: {  	[sflag:s19] =	ssyncset.done $0x0  }
0x6f: {  	[sflag:s19] =	ssyncadd.s32 $0xFFFFF800  }
0x70: {  	[hbm:s13], [sflag:s6] =	dma.local [spmem:s24], $0x800  }
0x71: {  	_ =	swait.ge [sflag:s19], $0x800  }
0x72: {  	[sflag:s19] =	ssyncset.done $0x0  }
0x73: {  	[sflag:s19] =	ssyncadd.s32 $0xFFFFF800  }
0x74: {  	[hbm:s14], [sflag:s6] =	dma.local [spmem:s25], $0x800  }
0x75: {  	_ =	swait.ge [sflag:s19], $0x800  }
0x76: {  	[sflag:s19] =	ssyncset.done $0x0  }
0x77: {  	[sflag:s19] =	ssyncadd.s32 $0xFFFFF800  }
0x78: {  	[hbm:s15], [sflag:s6] =	dma.local [spmem:s26], $0x800  }
0x79: {  	s23 =	sadd.s32 $0x1, s23;
	_ =	swait.ge [sflag:s19], $0x800  }
0x7a: {  	p0 =	sne.s32 s23, s17;
	[sflag:s19] =	ssyncset.done $0x0  }
.Ltmp1:
0x7b: {  	[sflag:s19] =	ssyncadd.s32 $0xFFFFF800;
	(pc) =	sbr.rel @p0 .LBB2_1-.Ltmp1, $4  }
0x7c: {  	[hbm:s16], [sflag:s6] =	dma.local [spmem:s28], $0x800  }
0x7d: {  	_ =	swait.ge [sflag:s19], $0x800  }
0x7e: {  	[sflag:s19] =	ssyncset.done $0x0  }
0x7f: {  	[sflag:s19] =	ssyncadd.s32 $0xFFFFF800  }
0x80: {  	_ =	sfence.sel $0x180000  }
0x81: {  	[bflag:$0x0] =	sbarrier.arrive $0xFFFF  }
0x82: {  	_ =	strace $0x90000047  }
0x83: {  	[bflag:$0x2] =	sbarrier.arrive $0xFFFF  }
0x84: {  	p0 =	sne.s32 s1, $0x0;
	s0 =	rddreg [dreg:$0x2]  }
0x85: {  	s0 =	sadd.s32 @!p0 $0x100000, s0  }
0x86: {  	[sflag:s0] =	ssyncadd.tile.s32 @!p0 $0x1;
	_ =	shalt  }
.Lfunc_end2:
_tile_overlayer_lowered:
.L_overlay_start_2:
0x87: {  	(tag) =	ssettag $0x2  }
0x88: {  	s0 =	rddreg [dreg:$0x0];
	s2 =	stileid.u32  }
0x89: {  	s1 =	rddreg [dreg:$0x1];
	p0 =	sne.s32 s2, $0x0  }
0x8a: {  	s3 =	rddreg [dreg:$0x2];
	[bflag:$0x3] =	sbarrier.arrive $0xFFFF;
	s2 =	simm.s32 @!p0 $0x1C02  }
0x8b: {  	[timem:s3], [sflag:s2] =	dma.local @!p0 [hbm:s0], s1  }
0x8c: {  	s0 =	simm.s32 @!p0 $0x2  }
0x8d: {  	_ =	swait.ge @!p0 [sflag:s0], s1  }
0x8e: {  	s1 =	ssub.s32 @!p0 $0x0, s1;
	[sflag:s0] =	ssyncset.done @!p0 $0x0  }
0x8f: {  	[sflag:s0] =	ssyncadd.s32 @!p0 s1  }
0x90: {  	[bflag:$0x3] =	sbarrier.arrive $0xFFFF  }
0x91: {  	_ =	shalt  }

// kernel: kernel.14.cloned.1.call-start
scs
__scs_entry_jumppad:
0x0: {  	(pc) =	sbr.rel $0x88, $3  }
0x1: {  	(tag) =	ssettag $0x0;
	lr =	simm.s32 $0x1  }
0x2: {  	[smem:$0x3F93] =	sst lr;
	_ =	strace $0xD0000000  }
0x3: {  	_ = 	snop  }
0x4: {  	_ = 	snop  }
0x5: {  	_ = 	snop  }
0x6: {  	_ = 	snop  }
0x7: {  	_ = 	snop  }
__scs_overlays_trampoline_lowered:
0x8: {  	[smem:$0x3FA2] =	sst s0  }
0x9: {  	[smem:$0x3FA3] =	sst s1  }
0xa: {  	[smem:$0x3FA4] =	sst s2  }
0xb: {  	[smem:$0x3FA5] =	sst s3  }
0xc: {  	[smem:$0x3FA6] =	sst s4  }
0xd: {  	[smem:$0x3FA7] =	sst s5  }
0xe: {  	[smem:$0x3FA8] =	sst s6  }
0xf: {  	[smem:$0x3FA9] =	sst s7  }
0x10: {  	[smem:$0x3FAA] =	sst s8  }
0x11: {  	[smem:$0x3FAB] =	sst s9;
	s0 =	simm.s32 @!p0 $0x0  }
0x12: {  	s1 =	sld [smem:$0x3F91];
	s0 =	simm.s32 @p0 $0x1  }
0x13: {  	[smem:$0x3FAC] =	sst s0;
	s0 =	simm.s32 @!p1 $0x0  }
0x14: {  	s2 =	sld [smem:$0x3F90];
	s0 =	simm.s32 @p1 $0x1  }
0x15: {  	[smem:$0x3FAD] =	sst s0;
	s0 =	simm.s32 @!p2 $0x0  }
0x16: {  	s3 =	sld [smem:$0x3FDB];
	s0 =	simm.s32 @p2 $0x1  }
0x17: {  	s4 =	simm.s32 $0x1BF5;
	[smem:$0x3FAF] =	sst s0  }
0x18: {  	s0 =	sld [smem:$0x3F92];
	_ =	swait.ge [sflag:s4], $0x0  }
0x19: {  	s7 =	sld [smem:$0x3F93]  }
0x1a: {  	s8 =	sadd.s32 $0xFFFFE003, lr  }
0x1b: {  	s9 =	sadd.s32 $0xFFFFFEF7, lr;
	s5 =	simm.s32 $0xFFFFFFFF;
	p2 =	slt.u32 s8, $0xFFFFF086  }
0x1c: {  	p1 =	slt.u32 s9, $0xF7A;
	s5 =	simm.s32 @!p2 $0x0  }
0x1d: {  	s5 =	simm.s32 @p1 $0x1;
	p0 =	seq.s32 s7, s2  }
0x1e: {  	s7 =	smul.u32 @!p0 $0xF7A, s2;
	p2 =	seq.s32 @!p0 s5, $0x0  }
0x1f: {  	s9 =	smul.u32 $0xF7A, s1;
	s8 =	simm.s32 @!p0 $0x1BF5;
	p2 =	por !p2, p0  }
0x20: {  	[sflag:s8] =	ssyncset.s32 @!p0 $0xFFFFF086;
	s6 =	sadd.s32 @!p0 s3, s7;
	s7 =	simm.s32 @!p0 $0x108  }
0x21: {  	s3 =	sadd.s32 s3, s9;
	s6 =	sadd.s32 @!p0 $0x88, s6;
	s7 =	simm.s32 @p2 $0x1082  }
0x22: {  	[simem:s7], [sflag:s8] =	dma.local @!p0 [hbm:s6], $0xF7A  }
0x23: {  	s9 =	sor.u32 $0xD0000000, s2;
	s6 =	simm.s32 $0x108;
	_ =	swait.ge @!p0 [sflag:s8], $0x0  }
0x24: {  	s3 =	sadd.s32 $0x88, s3;
	s6 =	simm.s32 @!p1 $0x1082;
	[sflag:s4] =	ssyncset.s32 $0xFFFFF086  }
0x25: {  	[simem:s6], [sflag:s4] =	dma.local [hbm:s3], $0xF7A  }
0x26: {  	[smem:$0x3F93] =	sst s1;
	(tag) =	ssettag s2;
	_ =	strace s9  }
0x27: {  	s1 =	sld [smem:$0x3FA3]  }
0x28: {  	s2 =	sld [smem:$0x3FA4]  }
0x29: {  	s4 =	sld [smem:$0x3FA6]  }
0x2a: {  	p0 =	seq.s32 s5, $0x0;
	s5 =	sld [smem:$0x3FA7]  }
0x2b: {  	s6 =	sld [smem:$0x3FA8]  }
0x2c: {  	s7 =	sld [smem:$0x3FA9]  }
0x2d: {  	s3 =	simm.s32 $0x108;
	s8 =	sld [smem:$0x3FAA]  }
0x2e: {  	s3 =	simm.s32 @!p0 $0x1082;
	s9 =	sld [smem:$0x3FAB]  }
0x2f: {  	lr =	sadd.s32 s0, s3;
	s0 =	sld [smem:$0x3FA2]  }
0x30: {  	s3 =	sld [smem:$0x3FA5]  }
0x31: {  	[smem:$0x3FAE] =	sst s10  }
0x32: {  	s10 =	sld [smem:$0x3FAC];
	_ =	sdelay $0x3  }
0x33: {  	p0 =	seq.s32 s10, $0x1;
	s10 =	sld [smem:$0x3FAE];
	_ =	sdelay $0x3  }
0x34: {  	[smem:$0x3FAE] =	sst s10  }
0x35: {  	s10 =	sld [smem:$0x3FAD];
	_ =	sdelay $0x3  }
0x36: {  	p1 =	seq.s32 s10, $0x1;
	s10 =	sld [smem:$0x3FAE];
	_ =	sdelay $0x3  }
0x37: {  	[smem:$0x3FAE] =	sst s10  }
0x38: {  	s10 =	sld [smem:$0x3FAF]  }
0x39: {  	_ = 	snop;
	(pc) =	sbr.ind lr, $3  }
0x3a: {  	_ = 	snop  }
0x3b: {  	_ = 	snop  }
0x3c: {  	p2 =	seq.s32 s10, $0x1;
	s10 =	sld [smem:$0x3FAE]  }
0x3d: {  	_ =	shalt  }
0x3e: {  	_ =	shalt  }
0x3f: {  	_ =	shalt  }
0x40: {  	_ =	shalt  }
0x41: {  	_ =	shalt  }
0x42: {  	_ =	shalt  }
0x43: {  	_ =	shalt  }
0x44: {  	_ =	shalt  }
0x45: {  	_ =	shalt  }
0x46: {  	_ =	shalt  }
0x47: {  	_ =	shalt  }
0x48: {  	_ =	shalt  }
0x49: {  	_ =	shalt  }
0x4a: {  	_ =	shalt  }
0x4b: {  	_ =	shalt  }
0x4c: {  	_ =	shalt  }
0x4d: {  	_ =	shalt  }
0x4e: {  	_ =	shalt  }
0x4f: {  	_ =	shalt  }
0x50: {  	_ =	shalt  }
0x51: {  	_ =	shalt  }
0x52: {  	_ =	shalt  }
0x53: {  	_ =	shalt  }
0x54: {  	_ =	shalt  }
0x55: {  	_ =	shalt  }
0x56: {  	_ =	shalt  }
0x57: {  	_ =	shalt  }
0x58: {  	_ =	shalt  }
0x59: {  	_ =	shalt  }
0x5a: {  	_ =	shalt  }
0x5b: {  	_ =	shalt  }
0x5c: {  	_ =	shalt  }
0x5d: {  	_ =	shalt  }
0x5e: {  	_ =	shalt  }
0x5f: {  	_ =	shalt  }
0x60: {  	_ =	shalt  }
0x61: {  	_ =	shalt  }
0x62: {  	_ =	shalt  }
0x63: {  	_ =	shalt  }
0x64: {  	_ =	shalt  }
0x65: {  	_ =	shalt  }
0x66: {  	_ =	shalt  }
0x67: {  	_ =	shalt  }
0x68: {  	_ =	shalt  }
0x69: {  	_ =	shalt  }
0x6a: {  	_ =	shalt  }
0x6b: {  	_ =	shalt  }
0x6c: {  	_ =	shalt  }
0x6d: {  	_ =	shalt  }
0x6e: {  	_ =	shalt  }
0x6f: {  	_ =	shalt  }
0x70: {  	_ =	shalt  }
0x71: {  	_ =	shalt  }
0x72: {  	_ =	shalt  }
0x73: {  	_ =	shalt  }
0x74: {  	_ =	shalt  }
0x75: {  	_ =	shalt  }
0x76: {  	_ =	shalt  }
0x77: {  	_ =	shalt  }
0x78: {  	_ =	shalt  }
0x79: {  	_ =	shalt  }
0x7a: {  	_ =	shalt  }
0x7b: {  	_ =	shalt  }
0x7c: {  	_ =	shalt  }
0x7d: {  	_ =	shalt  }
0x7e: {  	_ =	shalt  }
0x7f: {  	_ =	shalt  }
0x80: {  	_ =	shalt  }
0x81: {  	_ =	shalt  }
0x82: {  	_ =	shalt  }
0x83: {  	_ =	shalt  }
0x84: {  	_ =	shalt  }
0x85: {  	_ =	shalt  }
0x86: {  	_ =	shalt  }
0x87: {  	_ =	shalt  }
.Lfunc_end0:
.L_simem_size_0:
called_computation.1_lowered:
.L_overlay_start_0:
0x88: {  	s2 =	sld [smem:$0x3FD9]  }
0x89: {  	s3 =	sld [smem:$0x3FFE];
	_ =	sdelay $0x1  }
0x8a: {  	s1 =	srdreg.scid  }
0x8b: {  	s0 =	sand.u32 $0x1, s1  }
0x8c: {  	s16 =	sshll.u32 s0, $0xA;
	s2 =	sadd.s32 s3, s2  }
0x8d: {  	s2 =	sadd.s32 s2, s16  }
0x8e: {  	[smem:$0x3FBA] =	sst s2  }
0x8f: {  	_ = 	snop  }
0x90: {  	(tm) =	ssettm $0x1  }
0x91: {  	s17 =	sld [smem:$0x3FFB];
	_ =	sdelay $0x3  }
0x92: {  	_ =	strace s17  }
0x93: {  	s2 =	sld [smem:$0x3FFC];
	_ =	sdelay $0x3  }
0x94: {  	_ =	strace s2  }
0x95: {  	s2 =	sld [smem:$0x3FFD];
	_ =	sdelay $0x3  }
0x96: {  	_ =	strace s2  }
0x97: {  	_ =	strace $0x8FFFFFFF  }
0x98: {  	s18 =	sld [smem:$0x3FDB];
	_ =	sdelay $0x1  }
0x99: {  	s19 =	simm.s32 $_scs_section_size  }
0x9a: {  	s4 =	simm.s32 $_size__tile_overlayer_lowered;
	s5 =	simm.s32 $_tile_overlayer_lowered  }
0x9b: {  	s22 =	simm.s32 $0x1BFF;
	s21 =	sshll.u32 s5, $0x1;
	s2 =	sadd.s32 s19, s18  }
0x9c: {  	s6 =	simm.s32 $0x0;
	s20 =	sshll.u32 s4, $0x1;
	s4 =	sadd.s32 s21, s2  }
0x9d: {  	[timem:s6], [sflag:s22] =	dma.local [hbm:s4], s20  }
0x9e: {  	_ =	swait.ge [sflag:s22], s20  }
0x9f: {  	s3 =	ssub.s32 $0x0, s20;
	[sflag:s22] =	ssyncset.done $0x0  }
0xa0: {  	[sflag:s22] =	ssyncadd.s32 s3;
	_ =	sdelay $0x1  }
0xa1: {  	s23 =	simm.s32 $0x1B8B  }
0xa2: {  	_ =	swait.ge [sflag:s23], $0x1  }
0xa3: {  	[sflag:s23] =	ssyncset.done $0x0  }
0xa4: {  	s25 =	simm.s32 $0x1B8E;
	s24 =	sld [smem:$0x3FFE];
	[sflag:s23] =	ssyncadd.s32 $0xFFFFFFFF  }
0xa5: {  	s26 =	simm.s32 $execute0_lowered;
	[smem:$0x3FD2] =	sst s25  }
0xa6: {  	s4 =	sshll.u32 s26, $0x1;
	_ =	strace $0x80000049;
	[dreg:$0x1] =	wrdreg $0xFFFFFFFF  }
0xa7: {  	s28 =	simm.s32 $_size_execute0_lowered;
	s2 =	sadd.s32 s2, s4;
	[dreg:$0x0] =	wrdreg $0x0  }
0xa8: {  	s4 =	sshll.u32 s28, $0x1;
	[dreg:$0x2] =	wrdreg s2  }
0xa9: {  	[dreg:$0x3] =	wrdreg s4  }
0xaa: {  	[dreg:$0x4] =	wrdreg $0xC0  }
0xab: {  	_ =	task [dreg:s6], $0x5FFFF  }
0xac: {  	[dreg:$0x1] =	wrdreg $0xFFFFFFFF  }
0xad: {  	[dreg:$0x0] =	wrdreg $0x60  }
0xae: {  	[dreg:$0x2] =	wrdreg s24  }
0xaf: {  	[dreg:$0x3] =	wrdreg $0xA8000  }
0xb0: {  	[dreg:$0x4] =	wrdreg $0x9  }
0xb1: {  	_ =	task.clear_ibuf [dreg:s6], $0x5FFFF;
	_ =	strace $0x90000049  }
0xb2: {  	s29 =	simm.s32 $0x9;
	_ =	strace $0x8000004B  }
0xb3: {  	_ =	swait.ge [sflag:s29], $0x1  }
0xb4: {  	[sflag:s29] =	ssyncadd.s32 $0xFFFFFFFF  }
0xb5: {  	_ =	strace $0x9000004B  }
0xb6: {  	_ =	sfence  }
0xb7: {  	s30 =	sld [smem:$0x0];
	_ =	sdelay $0x2  }
0xb8: {  	s31 =	sshll.u32 s1, $0xD;
	s1 =	sshrl.u32 s1, $0x2  }
0xb9: {  	s3 =	sand.u32 $0x4000, s31;
	s1 =	sadd.s32 s1, s30  }
0xba: {  	s0 =	sor.u32 s3, s0;
	s1 =	sshll.u32 s1, $0x11  }
0xbb: {  	s0 =	sor.u32 s1, s0  }
0xbc: {  	s0 =	sadd.s32 $0x8F2B, s0  }
0xbd: {  	[sflag:s0] =	ssyncadd.remote.s32 $0x1  }
0xbe: {  	_ =	sfence.sel $0xFFFF  }
0xbf: {  	[dreg:$0x0] =	wrdreg $0xFFFFFFFF;
	(pc) =	sbr.abs _section_cstart, $3  }
0xc0: {  	[dreg:$0x1] =	wrdreg $0xFFFFFFFF  }
0xc1: {  	_ =	task.clear_ibuf [dreg:s6], $0x2FFFF;
	_ =	strace $0x9FFFFFFF  }
0xc2: {  	(tm) =	ssettm $0x7FFFFFFF  }
0xc3: {  	_ =	shalt  }
tec
execute0_lowered:
.L_overlay_start_1:
0x0: {  	(tag) =	ssettag $0x1  }
0x1: {  	s0 =	rddreg [dreg:$0x0]  }
0x2: {  	s1 =	rddreg [dreg:$0x1]  }
0x3: {  	s2 =	simm.s32 $0x0;
	s3 =	srdreg.scid;
	s14 =	stileid.u32  }
0x4: {  	s28 =	simm.s32 $0x3;
	s29 =	simm.s32 $0x2;
	s30 =	simm.s32 $0x4  }
0x5: {  	s31 =	simm.s32 $0x1380;
	[smem:$0x7FF] =	sst s2;
	s4 =	sadd.s32 $0x18800, s0  }
0x6: {  	s5 =	sadd.s32 $0xE000, s0;
	s3 =	sand.u32 $0x1, s3;
	s9 =	smul.u32 $0x50000, s14  }
0x7: {  	s6 =	sadd.s32 $0x4000, s0;
	s7 =	sadd.s32 $0x18000, s0;
	s12 =	smul.u32 $0x14000, s14  }
0x8: {  	s0 =	sadd.s32 $0x3FA00, s0;
	s11 =	sshll.u32 s14, $0x6;
	s14 =	smul.u32 $0xA0, s14  }
0x9: {  	_ =	strace $0x8000004A;
	s8 =	ssub.s32 $0x2, s3;
	s13 =	smul.u32 $0x140000, s3  }
0xa: {  	p0 =	sne.s32 s3, $0x0;
	s3 =	simm.s32 $0x2780;
	s10 =	sshrl.u32 s8, $0x1  }
0xb: {  	s9 =	sshrl.u32 s9, $0x2;
	s18 =	sadd.s32 $0x8000, s12;
	s20 =	sadd.s32 $0xC000, s12  }
0xc: {  	s21 =	sadd.s32 $0x10000, s12;
	s8 =	ssub.s32 s8, s10;
	s9 =	sadd.s32 s9, s1  }
0xd: {  	s19 =	sadd.s32 s18, s1;
	s16 =	sadd.s32 s20, s1;
	s17 =	sadd.s32 s21, s1  }
0xe: {  	s22 =	sadd.s32 s13, s18;
	s23 =	sadd.s32 s13, s20;
	[dreg:$0x3] =	wrdreg s9  }
0xf: {  	s24 =	sadd.s32 s13, s21;
	s21 =	simm.s32 $0x5;
	[dreg:$0x5] =	wrdreg s19  }
0x10: {  	s9 =	sor.u32 $0x1C05, s11;
	s11 =	sadd.s32 $0x4000, s12;
	[dreg:$0x6] =	wrdreg s16  }
0x11: {  	s12 =	sadd.s32 s12, s13;
	[dreg:$0x7] =	wrdreg s17;
	s26 =	sshrl.u32 s24, $0x3  }
0x12: {  	s20 =	smax.u32 s8, $0x1;
	s24 =	simm.s32 $0x2800;
	s15 =	sadd.s32 s11, s1  }
0x13: {  	s12 =	sshrl.u32 s12, $0x3;
	s10 =	sadd.s32 s13, s11;
	s11 =	sshrl.u32 s23, $0x3  }
0x14: {  	s19 =	sadd.s32 s0, s26;
	s23 =	simm.s32 $0x80;
	[dreg:$0x4] =	wrdreg s15  }
.Ltmp0:
0x15: {  	s12 =	sadd.s32 s0, s12;
	s10 =	sshrl.u32 s10, $0x3;
	(pc) =	sbr.rel .LBB2_1-.Ltmp0, $4  }
0x16: {  	s26 =	simm.s32 $0x6800;
	[dreg:$0x8] =	wrdreg s12;
	s10 =	sadd.s32 s0, s10  }
0x17: {  	s25 =	sadd.s32 s0, s11;
	[dreg:$0x9] =	wrdreg s10;
	s10 =	sshrl.u32 s22, $0x3  }
0x18: {  	[dreg:$0xb] =	wrdreg s25;
	s25 =	simm.s32 $0x1;
	s10 =	sadd.s32 s0, s10  }
0x19: {  	s22 =	simm.s32 $0x1400;
	s0 =	simm.s32 $0x2700;
	[dreg:$0xa] =	wrdreg s10  }
.LBB2_5:
0x1a: {  	[bflag:$0x0] =	sbarrier.arrive $0xFFFF  }
0x1b: {  	s15 =	rddreg [dreg:$0x8]  }
0x1c: {  	[hbm:s15], [sflag:s9] =	dma.local [spmem:s8], $0x800  }
0x1d: {  	_ =	swait.ge [sflag:s21], $0x800  }
0x1e: {  	[sflag:s21] =	ssyncset.done $0x0  }
0x1f: {  	s16 =	rddreg [dreg:$0x9];
	[sflag:s21] =	ssyncadd.s32 $0xFFFFF800  }
0x20: {  	[hbm:s16], [sflag:s9] =	dma.local [spmem:s10], $0x800  }
0x21: {  	_ =	swait.ge [sflag:s21], $0x800  }
0x22: {  	[sflag:s21] =	ssyncset.done $0x0  }
0x23: {  	s17 =	rddreg [dreg:$0xa];
	[sflag:s21] =	ssyncadd.s32 $0xFFFFF800  }
0x24: {  	[hbm:s17], [sflag:s9] =	dma.local [spmem:s11], $0x800  }
0x25: {  	_ =	swait.ge [sflag:s21], $0x800  }
0x26: {  	[sflag:s21] =	ssyncset.done $0x0  }
0x27: {  	s18 =	rddreg [dreg:$0xb];
	[sflag:s21] =	ssyncadd.s32 $0xFFFFF800  }
0x28: {  	[hbm:s18], [sflag:s9] =	dma.local [spmem:s12], $0x800  }
0x29: {  	s2 =	sadd.s32 $0x1, s2;
	_ =	swait.ge [sflag:s21], $0x800  }
0x2a: {  	p1 =	sne.s32 s2, s20;
	[sflag:s21] =	ssyncset.done $0x0  }
.Ltmp1:
0x2b: {  	[sflag:s21] =	ssyncadd.s32 $0xFFFFF800;
	(pc) =	sbr.rel @!p1 .LBB2_6-.Ltmp1, $4  }
0x2c: {  	[hbm:s19], [sflag:s9] =	dma.local [spmem:s13], $0x800  }
0x2d: {  	_ =	swait.ge [sflag:s21], $0x800  }
0x2e: {  	[sflag:s21] =	ssyncset.done $0x0  }
0x2f: {  	[sflag:s21] =	ssyncadd.s32 $0xFFFFF800  }
.LBB2_1:
0x30: {  	s8 =	rddreg [dreg:$0x3]  }
0x31: {  	s8 =	sshrl.u32 s8, $0x3  }
0x32: {  	[spmem:s8], [sflag:s9] =	dma.local [hbm:s7], $0x800  }
0x33: {  	_ =	swait.ge [sflag:s21], $0x800  }
0x34: {  	[sflag:s21] =	ssyncset.done $0x0;
	s10 =	rddreg [dreg:$0x4]  }
0x35: {  	[sflag:s21] =	ssyncadd.s32 $0xFFFFF800;
	s10 =	sshrl.u32 s10, $0x3  }
0x36: {  	[spmem:s10], [sflag:s9] =	dma.local [hbm:s7], $0x800  }
0x37: {  	_ =	swait.ge [sflag:s21], $0x800  }
0x38: {  	[sflag:s21] =	ssyncset.done $0x0;
	s11 =	rddreg [dreg:$0x5]  }
0x39: {  	[sflag:s21] =	ssyncadd.s32 $0xFFFFF800;
	s11 =	sshrl.u32 s11, $0x3  }
0x3a: {  	[spmem:s11], [sflag:s9] =	dma.local [hbm:s7], $0x800  }
0x3b: {  	_ =	swait.ge [sflag:s21], $0x800  }
0x3c: {  	[sflag:s21] =	ssyncset.done $0x0;
	s12 =	rddreg [dreg:$0x6]  }
0x3d: {  	[sflag:s21] =	ssyncadd.s32 $0xFFFFF800;
	s12 =	sshrl.u32 s12, $0x3  }
0x3e: {  	[spmem:s12], [sflag:s9] =	dma.local [hbm:s7], $0x800  }
0x3f: {  	_ =	swait.ge [sflag:s21], $0x800  }
0x40: {  	[sflag:s21] =	ssyncset.done $0x0;
	s13 =	rddreg [dreg:$0x7]  }
0x41: {  	[sflag:s21] =	ssyncadd.s32 $0xFFFFF800;
	s13 =	sshrl.u32 s13, $0x3  }
0x42: {  	[spmem:s13], [sflag:s9] =	dma.local [hbm:s7], $0x800  }
.Ltmp2:
0x43: {  	_ =	swait.ge [sflag:s21], $0x800;
	(pc) =	sbr.rel @p0 .LBB2_5-.Ltmp2, $4  }
0x44: {  	[sflag:s21] =	ssyncset.done $0x0  }
0x45: {  	[sflag:s21] =	ssyncadd.s32 $0xFFFFF800  }
0x46: {  	[bflag:$0x0] =	sbarrier.arrive $0xFFFF  }
0x47: {  	s15 =	simm.s32 $0x0  }
.LBB2_2:
0x48: {  	s16 =	smul.u32 $0x28, s15;
	_ =	sdelay $0x1  }
0x49: {  	s16 =	sadd.s32 s14, s16  }
0x4a: {  	s16 =	sshll.u32 s16, $0x4  }
0x4b: {  	s18 =	simm.s32 $0x0;
	s17 =	sadd.s32 s5, s16  }
0x4c: {  	[tilespmem:s18], [sflag:$0x5] =	stream.linear.gather [hbm4b:s17+s18], $0x1400, $0x38;
	[tilespmem:$0x1E800] =	vst v63  }
0x4d: {  	_ =	swait.ge [sflag:s21], $0x1400  }
0x4e: {  	[sflag:s21] =	ssyncset.done $0x0  }
0x4f: {  	s16 =	sadd.s32 s6, s16;
	[sflag:s21] =	ssyncadd.s32 $0xFFFFEC00  }
0x50: {  	[tilespmem:s22], [sflag:$0x5] =	stream.linear.gather [hbm4b:s16+s18], $0x1400, $0x38;
	[tilespmem:$0x1E800] =	vst v63  }
0x51: {  	_ =	swait.ge [sflag:s21], $0x1400  }
0x52: {  	[sflag:s21] =	ssyncset.done $0x0  }
0x53: {  	[sflag:s21] =	ssyncadd.s32 $0xFFFFEC00  }
0x54: {  	[tilespmem:s24], [sflag:$0x1] =	stream.indirect.gather [hbm4b:s4+s23], $0x80, s18, s23, $0xb8;
	[tilespmem:$0x1E800] =	vst v63  }
0x55: {  	_ =	swait.ge [sflag:s25], $0x4000  }
0x56: {  	[sflag:s25] =	ssyncset.done $0x0  }
0x57: {  	s17 =	simm.s32 $0x80;
	[sflag:s25] =	ssyncadd.s32 $0xFFFFC000  }
0x58: {  	[tilespmem:s26], [sflag:$0x2] =	stream.indirect.gather [hbm4b:s4+s23], $0x80, s17, s23, $0xb8;
	[tilespmem:$0x1E800] =	vst v63  }
0x59: {  	s18 =	simm.s32 $0x1400  }
0x5a: {  	[spmem:s1] =	stream.indirect.scatter.add.f32 [tilespmem:s24], [sflag:$0x3], $0x80, s18, s23, $0xb8;
	[tilespmem:$0x1E800] =	vst v63  }
0x5b: {  	_ =	swait.ge [sflag:s28], $0x4000  }
0x5c: {  	[sflag:s28] =	ssyncset.done $0x0  }
0x5d: {  	[sflag:s28] =	ssyncadd.s32 $0xFFFFC000  }
0x5e: {  	_ =	swait.ge [sflag:s29], $0x4000  }
0x5f: {  	[sflag:s29] =	ssyncset.done $0x0  }
0x60: {  	s17 =	simm.s32 $0x100;
	[sflag:s29] =	ssyncadd.s32 $0xFFFFC000  }
0x61: {  	[tilespmem:s24], [sflag:$0x1] =	stream.indirect.gather [hbm4b:s4+s23], $0x80, s17, s23, $0xb8;
	[tilespmem:$0x1E800] =	vst v63  }
0x62: {  	s18 =	simm.s32 $0x1480  }
0x63: {  	[spmem:s1] =	stream.indirect.scatter.add.f32 [tilespmem:s26], [sflag:$0x4], $0x80, s18, s23, $0xb8;
	[tilespmem:$0x1E800] =	vst v63  }
0x64: {  	_ =	swait.ge [sflag:s30], $0x4000  }
0x65: {  	s16 =	simm.s32 $0x400;
	[sflag:s30] =	ssyncset.done $0x0  }
.LBB2_3:
0x66: {  	p1 =	sne.s32 s16, $0x4800  }
0x67: {  	[sflag:s30] =	ssyncadd.s32 $0xFFFFC000;
	s17 =	smov.u32 s16;
	s16 =	sadd.s32 $0x400, s16  }
0x68: {  	_ = 	snop  }
0x69: {  	_ =	swait.ge [sflag:s25], $0x4000  }
0x6a: {  	s17 =	sshra.s32 s17, $0x2;
	[sflag:s25] =	ssyncset.done $0x0  }
0x6b: {  	s18 =	sadd.s32 $0x80, s17;
	[sflag:s25] =	ssyncadd.s32 $0xFFFFC000  }
0x6c: {  	[tilespmem:s26], [sflag:$0x2] =	stream.indirect.gather [hbm4b:s4+s23], $0x80, s18, s23, $0xb8;
	[tilespmem:$0x1E800] =	vst v63  }
0x6d: {  	s18 =	sadd.s32 $0x1400, s17  }
0x6e: {  	[spmem:s1] =	stream.indirect.scatter.add.f32 [tilespmem:s24], [sflag:$0x3], $0x80, s18, s23, $0xb8;
	[tilespmem:$0x1E800] =	vst v63  }
0x6f: {  	_ =	swait.ge [sflag:s28], $0x4000  }
0x70: {  	[sflag:s28] =	ssyncset.done $0x0  }
0x71: {  	[sflag:s28] =	ssyncadd.s32 $0xFFFFC000  }
0x72: {  	_ =	swait.ge [sflag:s29], $0x4000  }
0x73: {  	[sflag:s29] =	ssyncset.done $0x0  }
0x74: {  	s18 =	sadd.s32 $0x100, s17;
	[sflag:s29] =	ssyncadd.s32 $0xFFFFC000  }
0x75: {  	[tilespmem:s24], [sflag:$0x1] =	stream.indirect.gather [hbm4b:s4+s23], $0x80, s18, s23, $0xb8;
	[tilespmem:$0x1E800] =	vst v63  }
.Ltmp3:
0x76: {  	_ = 	snop;
	(pc) =	sbr.rel @p1 .LBB2_3-.Ltmp3, $4  }
0x77: {  	s17 =	sadd.s32 $0x1480, s17  }
0x78: {  	[spmem:s1] =	stream.indirect.scatter.add.f32 [tilespmem:s26], [sflag:$0x4], $0x80, s17, s23, $0xb8;
	[tilespmem:$0x1E800] =	vst v63  }
0x79: {  	_ =	swait.ge [sflag:s30], $0x4000  }
0x7a: {  	[sflag:s30] =	ssyncset.done $0x0  }
0x7b: {  	[sflag:s30] =	ssyncadd.s32 $0xFFFFC000  }
0x7c: {  	_ =	swait.ge [sflag:s25], $0x4000  }
0x7d: {  	[sflag:s25] =	ssyncset.done $0x0  }
0x7e: {  	[sflag:s25] =	ssyncadd.s32 $0xFFFFC000  }
0x7f: {  	[tilespmem:s26], [sflag:$0x2] =	stream.indirect.gather [hbm4b:s4+s23], $0x80, s31, s23, $0xb8;
	[tilespmem:$0x1E800] =	vst v63  }
0x80: {  	_ = 	snop  }
0x81: {  	[spmem:s1] =	stream.indirect.scatter.add.f32 [tilespmem:s24], [sflag:$0x3], $0x80, s0, s23, $0xb8;
	[tilespmem:$0x1E800] =	vst v63  }
0x82: {  	_ =	swait.ge [sflag:s28], $0x4000  }
0x83: {  	[sflag:s28] =	ssyncset.done $0x0  }
0x84: {  	[sflag:s28] =	ssyncadd.s32 $0xFFFFC000  }
0x85: {  	_ =	swait.ge [sflag:s29], $0x4000  }
0x86: {  	s15 =	sadd.s32 $0x1, s15;
	[sflag:s29] =	ssyncset.done $0x0  }
0x87: {  	p1 =	sne.s32 s15, $0x4;
	[sflag:s29] =	ssyncadd.s32 $0xFFFFC000  }
0x88: {  	[spmem:s1] =	stream.indirect.scatter.add.f32 [tilespmem:s26], [sflag:$0x4], $0x80, s3, s23, $0xb8;
	[tilespmem:$0x1E800] =	vst v63  }
.Ltmp4:
0x89: {  	_ = 	snop;
	(pc) =	sbr.rel @p1 .LBB2_2-.Ltmp4, $4  }
.Ltmp5:
0x8a: {  	_ = 	snop;
	(pc) =	sbr.rel @!p1 .LBB2_5-.Ltmp5, $4  }
0x8b: {  	_ =	swait.ge [sflag:s30], $0x4000  }
0x8c: {  	[sflag:s30] =	ssyncset.done $0x0  }
0x8d: {  	[sflag:s30] =	ssyncadd.s32 $0xFFFFC000  }
0x8e: {  	_ = 	snop  }
.LBB2_6:
0x8f: {  	_ =	sfence.sel $0x180000  }
0x90: {  	[bflag:$0x0] =	sbarrier.arrive $0xFFFF  }
0x91: {  	_ =	strace $0x9000004A  }
0x92: {  	s0 =	stileid.u32;
	[bflag:$0x2] =	sbarrier.arrive $0xFFFF  }
0x93: {  	p0 =	sne.s32 s0, $0x0;
	s0 =	rddreg [dreg:$0x2]  }
0x94: {  	s0 =	sadd.s32 @!p0 $0x100000, s0  }
0x95: {  	[sflag:s0] =	ssyncadd.tile.s32 @!p0 $0x1;
	_ =	shalt  }
.Lfunc_end2:
_tile_overlayer_lowered:
.L_overlay_start_2:
0x96: {  	(tag) =	ssettag $0x2  }
0x97: {  	s0 =	rddreg [dreg:$0x0];
	s2 =	stileid.u32  }
0x98: {  	s1 =	rddreg [dreg:$0x1];
	p0 =	sne.s32 s2, $0x0  }
0x99: {  	s3 =	rddreg [dreg:$0x2];
	[bflag:$0x3] =	sbarrier.arrive $0xFFFF;
	s2 =	simm.s32 @!p0 $0x1C05  }
0x9a: {  	[timem:s3], [sflag:s2] =	dma.local @!p0 [hbm:s0], s1  }
0x9b: {  	s0 =	simm.s32 @!p0 $0x5  }
0x9c: {  	_ =	swait.ge @!p0 [sflag:s0], s1  }
0x9d: {  	s1 =	ssub.s32 @!p0 $0x0, s1;
	[sflag:s0] =	ssyncset.done @!p0 $0x0  }
0x9e: {  	[sflag:s0] =	ssyncadd.s32 @!p0 s1  }
0x9f: {  	[bflag:$0x3] =	sbarrier.arrive $0xFFFF  }
0xa0: {  	_ =	shalt  }

// kernel: kernel.17.cloned.1.call-start
scs
__scs_entry_jumppad:
0x0: {  	(pc) =	sbr.rel $0x88, $3  }
0x1: {  	(tag) =	ssettag $0x0;
	lr =	simm.s32 $0x1  }
0x2: {  	[smem:$0x3F93] =	sst lr;
	_ =	strace $0xD0000000  }
0x3: {  	_ = 	snop  }
0x4: {  	_ = 	snop  }
0x5: {  	_ = 	snop  }
0x6: {  	_ = 	snop  }
0x7: {  	_ = 	snop  }
__scs_overlays_trampoline_lowered:
0x8: {  	[smem:$0x3FA2] =	sst s0  }
0x9: {  	[smem:$0x3FA3] =	sst s1  }
0xa: {  	[smem:$0x3FA4] =	sst s2  }
0xb: {  	[smem:$0x3FA5] =	sst s3  }
0xc: {  	[smem:$0x3FA6] =	sst s4  }
0xd: {  	[smem:$0x3FA7] =	sst s5  }
0xe: {  	[smem:$0x3FA8] =	sst s6  }
0xf: {  	[smem:$0x3FA9] =	sst s7  }
0x10: {  	[smem:$0x3FAA] =	sst s8  }
0x11: {  	[smem:$0x3FAB] =	sst s9;
	s0 =	simm.s32 @!p0 $0x0  }
0x12: {  	s1 =	sld [smem:$0x3F91];
	s0 =	simm.s32 @p0 $0x1  }
0x13: {  	[smem:$0x3FAC] =	sst s0;
	s0 =	simm.s32 @!p1 $0x0  }
0x14: {  	s2 =	sld [smem:$0x3F90];
	s0 =	simm.s32 @p1 $0x1  }
0x15: {  	[smem:$0x3FAD] =	sst s0;
	s0 =	simm.s32 @!p2 $0x0  }
0x16: {  	s3 =	sld [smem:$0x3FDB];
	s0 =	simm.s32 @p2 $0x1  }
0x17: {  	s4 =	simm.s32 $0x1BF5;
	[smem:$0x3FAF] =	sst s0  }
0x18: {  	s0 =	sld [smem:$0x3F92];
	_ =	swait.ge [sflag:s4], $0x0  }
0x19: {  	s7 =	sld [smem:$0x3F93]  }
0x1a: {  	s8 =	sadd.s32 $0xFFFFE003, lr  }
0x1b: {  	s9 =	sadd.s32 $0xFFFFFEF7, lr;
	s5 =	simm.s32 $0xFFFFFFFF;
	p2 =	slt.u32 s8, $0xFFFFF086  }
0x1c: {  	p1 =	slt.u32 s9, $0xF7A;
	s5 =	simm.s32 @!p2 $0x0  }
0x1d: {  	s5 =	simm.s32 @p1 $0x1;
	p0 =	seq.s32 s7, s2  }
0x1e: {  	s7 =	smul.u32 @!p0 $0xF7A, s2;
	p2 =	seq.s32 @!p0 s5, $0x0  }
0x1f: {  	s9 =	smul.u32 $0xF7A, s1;
	s8 =	simm.s32 @!p0 $0x1BF5;
	p2 =	por !p2, p0  }
0x20: {  	[sflag:s8] =	ssyncset.s32 @!p0 $0xFFFFF086;
	s6 =	sadd.s32 @!p0 s3, s7;
	s7 =	simm.s32 @!p0 $0x108  }
0x21: {  	s3 =	sadd.s32 s3, s9;
	s6 =	sadd.s32 @!p0 $0x88, s6;
	s7 =	simm.s32 @p2 $0x1082  }
0x22: {  	[simem:s7], [sflag:s8] =	dma.local @!p0 [hbm:s6], $0xF7A  }
0x23: {  	s9 =	sor.u32 $0xD0000000, s2;
	s6 =	simm.s32 $0x108;
	_ =	swait.ge @!p0 [sflag:s8], $0x0  }
0x24: {  	s3 =	sadd.s32 $0x88, s3;
	s6 =	simm.s32 @!p1 $0x1082;
	[sflag:s4] =	ssyncset.s32 $0xFFFFF086  }
0x25: {  	[simem:s6], [sflag:s4] =	dma.local [hbm:s3], $0xF7A  }
0x26: {  	[smem:$0x3F93] =	sst s1;
	(tag) =	ssettag s2;
	_ =	strace s9  }
0x27: {  	s1 =	sld [smem:$0x3FA3]  }
0x28: {  	s2 =	sld [smem:$0x3FA4]  }
0x29: {  	s4 =	sld [smem:$0x3FA6]  }
0x2a: {  	p0 =	seq.s32 s5, $0x0;
	s5 =	sld [smem:$0x3FA7]  }
0x2b: {  	s6 =	sld [smem:$0x3FA8]  }
0x2c: {  	s7 =	sld [smem:$0x3FA9]  }
0x2d: {  	s3 =	simm.s32 $0x108;
	s8 =	sld [smem:$0x3FAA]  }
0x2e: {  	s3 =	simm.s32 @!p0 $0x1082;
	s9 =	sld [smem:$0x3FAB]  }
0x2f: {  	lr =	sadd.s32 s0, s3;
	s0 =	sld [smem:$0x3FA2]  }
0x30: {  	s3 =	sld [smem:$0x3FA5]  }
0x31: {  	[smem:$0x3FAE] =	sst s10  }
0x32: {  	s10 =	sld [smem:$0x3FAC];
	_ =	sdelay $0x3  }
0x33: {  	p0 =	seq.s32 s10, $0x1;
	s10 =	sld [smem:$0x3FAE];
	_ =	sdelay $0x3  }
0x34: {  	[smem:$0x3FAE] =	sst s10  }
0x35: {  	s10 =	sld [smem:$0x3FAD];
	_ =	sdelay $0x3  }
0x36: {  	p1 =	seq.s32 s10, $0x1;
	s10 =	sld [smem:$0x3FAE];
	_ =	sdelay $0x3  }
0x37: {  	[smem:$0x3FAE] =	sst s10  }
0x38: {  	s10 =	sld [smem:$0x3FAF]  }
0x39: {  	_ = 	snop;
	(pc) =	sbr.ind lr, $3  }
0x3a: {  	_ = 	snop  }
0x3b: {  	_ = 	snop  }
0x3c: {  	p2 =	seq.s32 s10, $0x1;
	s10 =	sld [smem:$0x3FAE]  }
0x3d: {  	_ =	shalt  }
0x3e: {  	_ =	shalt  }
0x3f: {  	_ =	shalt  }
0x40: {  	_ =	shalt  }
0x41: {  	_ =	shalt  }
0x42: {  	_ =	shalt  }
0x43: {  	_ =	shalt  }
0x44: {  	_ =	shalt  }
0x45: {  	_ =	shalt  }
0x46: {  	_ =	shalt  }
0x47: {  	_ =	shalt  }
0x48: {  	_ =	shalt  }
0x49: {  	_ =	shalt  }
0x4a: {  	_ =	shalt  }
0x4b: {  	_ =	shalt  }
0x4c: {  	_ =	shalt  }
0x4d: {  	_ =	shalt  }
0x4e: {  	_ =	shalt  }
0x4f: {  	_ =	shalt  }
0x50: {  	_ =	shalt  }
0x51: {  	_ =	shalt  }
0x52: {  	_ =	shalt  }
0x53: {  	_ =	shalt  }
0x54: {  	_ =	shalt  }
0x55: {  	_ =	shalt  }
0x56: {  	_ =	shalt  }
0x57: {  	_ =	shalt  }
0x58: {  	_ =	shalt  }
0x59: {  	_ =	shalt  }
0x5a: {  	_ =	shalt  }
0x5b: {  	_ =	shalt  }
0x5c: {  	_ =	shalt  }
0x5d: {  	_ =	shalt  }
0x5e: {  	_ =	shalt  }
0x5f: {  	_ =	shalt  }
0x60: {  	_ =	shalt  }
0x61: {  	_ =	shalt  }
0x62: {  	_ =	shalt  }
0x63: {  	_ =	shalt  }
0x64: {  	_ =	shalt  }
0x65: {  	_ =	shalt  }
0x66: {  	_ =	shalt  }
0x67: {  	_ =	shalt  }
0x68: {  	_ =	shalt  }
0x69: {  	_ =	shalt  }
0x6a: {  	_ =	shalt  }
0x6b: {  	_ =	shalt  }
0x6c: {  	_ =	shalt  }
0x6d: {  	_ =	shalt  }
0x6e: {  	_ =	shalt  }
0x6f: {  	_ =	shalt  }
0x70: {  	_ =	shalt  }
0x71: {  	_ =	shalt  }
0x72: {  	_ =	shalt  }
0x73: {  	_ =	shalt  }
0x74: {  	_ =	shalt  }
0x75: {  	_ =	shalt  }
0x76: {  	_ =	shalt  }
0x77: {  	_ =	shalt  }
0x78: {  	_ =	shalt  }
0x79: {  	_ =	shalt  }
0x7a: {  	_ =	shalt  }
0x7b: {  	_ =	shalt  }
0x7c: {  	_ =	shalt  }
0x7d: {  	_ =	shalt  }
0x7e: {  	_ =	shalt  }
0x7f: {  	_ =	shalt  }
0x80: {  	_ =	shalt  }
0x81: {  	_ =	shalt  }
0x82: {  	_ =	shalt  }
0x83: {  	_ =	shalt  }
0x84: {  	_ =	shalt  }
0x85: {  	_ =	shalt  }
0x86: {  	_ =	shalt  }
0x87: {  	_ =	shalt  }
.Lfunc_end0:
.L_simem_size_0:
called_computation.2_lowered:
.L_overlay_start_0:
0x88: {  	s2 =	sld [smem:$0x3FD9]  }
0x89: {  	s3 =	sld [smem:$0x3FFE];
	_ =	sdelay $0x1  }
0x8a: {  	s1 =	srdreg.scid  }
0x8b: {  	s0 =	sand.u32 $0x1, s1  }
0x8c: {  	s16 =	sshll.u32 s0, $0xA;
	s2 =	sadd.s32 s3, s2  }
0x8d: {  	s2 =	sadd.s32 s2, s16  }
0x8e: {  	[smem:$0x3FBA] =	sst s2  }
0x8f: {  	_ = 	snop  }
0x90: {  	(tm) =	ssettm $0x1  }
0x91: {  	s17 =	sld [smem:$0x3FFB];
	_ =	sdelay $0x3  }
0x92: {  	_ =	strace s17  }
0x93: {  	s2 =	sld [smem:$0x3FFC];
	_ =	sdelay $0x3  }
0x94: {  	_ =	strace s2  }
0x95: {  	s2 =	sld [smem:$0x3FFD];
	_ =	sdelay $0x3  }
0x96: {  	_ =	strace s2  }
0x97: {  	_ =	strace $0x8FFFFFFF  }
0x98: {  	s18 =	sld [smem:$0x3FDB];
	_ =	sdelay $0x1  }
0x99: {  	s19 =	simm.s32 $_scs_section_size  }
0x9a: {  	s4 =	simm.s32 $_size__tile_overlayer_lowered;
	s5 =	simm.s32 $_tile_overlayer_lowered  }
0x9b: {  	s22 =	simm.s32 $0x1BFF;
	s21 =	sshll.u32 s5, $0x1;
	s2 =	sadd.s32 s19, s18  }
0x9c: {  	s6 =	simm.s32 $0x0;
	s20 =	sshll.u32 s4, $0x1;
	s4 =	sadd.s32 s21, s2  }
0x9d: {  	[timem:s6], [sflag:s22] =	dma.local [hbm:s4], s20  }
0x9e: {  	_ =	swait.ge [sflag:s22], s20  }
0x9f: {  	s3 =	ssub.s32 $0x0, s20;
	[sflag:s22] =	ssyncset.done $0x0  }
0xa0: {  	[sflag:s22] =	ssyncadd.s32 s3;
	_ =	sdelay $0x1  }
0xa1: {  	s23 =	simm.s32 $0x1B8B  }
0xa2: {  	_ =	swait.ge [sflag:s23], $0x1  }
0xa3: {  	[sflag:s23] =	ssyncset.done $0x0  }
0xa4: {  	s25 =	simm.s32 $0x1B8E;
	s24 =	sld [smem:$0x3FFE];
	[sflag:s23] =	ssyncadd.s32 $0xFFFFFFFF  }
0xa5: {  	s26 =	simm.s32 $execute0_lowered;
	[smem:$0x3FD2] =	sst s25  }
0xa6: {  	s4 =	sshll.u32 s26, $0x1;
	_ =	strace $0x8000004C;
	[dreg:$0x1] =	wrdreg $0xFFFFFFFF  }
0xa7: {  	s28 =	simm.s32 $_size_execute0_lowered;
	s2 =	sadd.s32 s2, s4;
	[dreg:$0x0] =	wrdreg $0x0  }
0xa8: {  	s4 =	sshll.u32 s28, $0x1;
	[dreg:$0x2] =	wrdreg s2  }
0xa9: {  	[dreg:$0x3] =	wrdreg s4  }
0xaa: {  	[dreg:$0x4] =	wrdreg $0xC0  }
0xab: {  	_ =	task [dreg:s6], $0x5FFFF  }
0xac: {  	[dreg:$0x1] =	wrdreg $0xFFFFFFFF  }
0xad: {  	[dreg:$0x0] =	wrdreg $0x60  }
0xae: {  	[dreg:$0x2] =	wrdreg s24  }
0xaf: {  	[dreg:$0x3] =	wrdreg $0xA8000  }
0xb0: {  	[dreg:$0x4] =	wrdreg $0x9  }
0xb1: {  	_ =	task.clear_ibuf [dreg:s6], $0x5FFFF;
	_ =	strace $0x9000004C  }
0xb2: {  	s29 =	simm.s32 $0x9;
	_ =	strace $0x8000004E  }
0xb3: {  	_ =	swait.ge [sflag:s29], $0x1  }
0xb4: {  	[sflag:s29] =	ssyncadd.s32 $0xFFFFFFFF  }
0xb5: {  	_ =	strace $0x9000004E  }
0xb6: {  	_ =	sfence  }
0xb7: {  	s30 =	sld [smem:$0x0];
	_ =	sdelay $0x2  }
0xb8: {  	s31 =	sshll.u32 s1, $0xD;
	s1 =	sshrl.u32 s1, $0x2  }
0xb9: {  	s3 =	sand.u32 $0x4000, s31;
	s1 =	sadd.s32 s1, s30  }
0xba: {  	s0 =	sor.u32 s3, s0;
	s1 =	sshll.u32 s1, $0x11  }
0xbb: {  	s0 =	sor.u32 s1, s0  }
0xbc: {  	s0 =	sadd.s32 $0x8F2B, s0  }
0xbd: {  	[sflag:s0] =	ssyncadd.remote.s32 $0x1  }
0xbe: {  	_ =	sfence.sel $0xFFFF  }
0xbf: {  	[dreg:$0x0] =	wrdreg $0xFFFFFFFF;
	(pc) =	sbr.abs _section_cstart, $3  }
0xc0: {  	[dreg:$0x1] =	wrdreg $0xFFFFFFFF  }
0xc1: {  	_ =	task.clear_ibuf [dreg:s6], $0x2FFFF;
	_ =	strace $0x9FFFFFFF  }
0xc2: {  	(tm) =	ssettm $0x7FFFFFFF  }
0xc3: {  	_ =	shalt  }
tec
execute0_lowered:
.L_overlay_start_1:
0x0: {  	(tag) =	ssettag $0x1  }
0x1: {  	s0 =	rddreg [dreg:$0x0]  }
0x2: {  	s1 =	rddreg [dreg:$0x1]  }
0x3: {  	s2 =	simm.s32 $0x0;
	s3 =	srdreg.scid;
	s14 =	stileid.u32  }
0x4: {  	s28 =	simm.s32 $0x3;
	s29 =	simm.s32 $0x2;
	s30 =	simm.s32 $0x4  }
0x5: {  	s31 =	simm.s32 $0x1380;
	[smem:$0x7FF] =	sst s2;
	s4 =	sadd.s32 $0x18800, s0  }
0x6: {  	s5 =	sadd.s32 $0xE000, s0;
	s3 =	sand.u32 $0x1, s3;
	s9 =	smul.u32 $0x50000, s14  }
0x7: {  	s6 =	sadd.s32 $0x4000, s0;
	s7 =	sadd.s32 $0x18000, s0;
	s12 =	smul.u32 $0x14000, s14  }
0x8: {  	s0 =	sadd.s32 $0x3FA00, s0;
	s11 =	sshll.u32 s14, $0x6;
	s14 =	smul.u32 $0xA0, s14  }
0x9: {  	_ =	strace $0x8000004D;
	s8 =	ssub.s32 $0x2, s3;
	s13 =	smul.u32 $0x140000, s3  }
0xa: {  	p0 =	sne.s32 s3, $0x0;
	s3 =	simm.s32 $0x2780;
	s10 =	sshrl.u32 s8, $0x1  }
0xb: {  	s9 =	sshrl.u32 s9, $0x2;
	s18 =	sadd.s32 $0x8000, s12;
	s20 =	sadd.s32 $0xC000, s12  }
0xc: {  	s21 =	sadd.s32 $0x10000, s12;
	s8 =	ssub.s32 s8, s10;
	s9 =	sadd.s32 s9, s1  }
0xd: {  	s19 =	sadd.s32 s18, s1;
	s16 =	sadd.s32 s20, s1;
	s17 =	sadd.s32 s21, s1  }
0xe: {  	s22 =	sadd.s32 s13, s18;
	s23 =	sadd.s32 s13, s20;
	[dreg:$0x3] =	wrdreg s9  }
0xf: {  	s24 =	sadd.s32 s13, s21;
	s21 =	simm.s32 $0x5;
	[dreg:$0x5] =	wrdreg s19  }
0x10: {  	s9 =	sor.u32 $0x1C05, s11;
	s11 =	sadd.s32 $0x4000, s12;
	[dreg:$0x6] =	wrdreg s16  }
0x11: {  	s12 =	sadd.s32 s12, s13;
	[dreg:$0x7] =	wrdreg s17;
	s26 =	sshrl.u32 s24, $0x3  }
0x12: {  	s20 =	smax.u32 s8, $0x1;
	s24 =	simm.s32 $0x2800;
	s15 =	sadd.s32 s11, s1  }
0x13: {  	s12 =	sshrl.u32 s12, $0x3;
	s10 =	sadd.s32 s13, s11;
	s11 =	sshrl.u32 s23, $0x3  }
0x14: {  	s19 =	sadd.s32 s0, s26;
	s23 =	simm.s32 $0x80;
	[dreg:$0x4] =	wrdreg s15  }
.Ltmp0:
0x15: {  	s12 =	sadd.s32 s0, s12;
	s10 =	sshrl.u32 s10, $0x3;
	(pc) =	sbr.rel .LBB2_1-.Ltmp0, $4  }
0x16: {  	s26 =	simm.s32 $0x6800;
	[dreg:$0x8] =	wrdreg s12;
	s10 =	sadd.s32 s0, s10  }
0x17: {  	s25 =	sadd.s32 s0, s11;
	[dreg:$0x9] =	wrdreg s10;
	s10 =	sshrl.u32 s22, $0x3  }
0x18: {  	[dreg:$0xb] =	wrdreg s25;
	s25 =	simm.s32 $0x1;
	s10 =	sadd.s32 s0, s10  }
0x19: {  	s22 =	simm.s32 $0x1400;
	s0 =	simm.s32 $0x2700;
	[dreg:$0xa] =	wrdreg s10  }
.LBB2_5:
0x1a: {  	[bflag:$0x0] =	sbarrier.arrive $0xFFFF  }
0x1b: {  	s15 =	rddreg [dreg:$0x8]  }
0x1c: {  	[hbm:s15], [sflag:s9] =	dma.local [spmem:s8], $0x800  }
0x1d: {  	_ =	swait.ge [sflag:s21], $0x800  }
0x1e: {  	[sflag:s21] =	ssyncset.done $0x0  }
0x1f: {  	s16 =	rddreg [dreg:$0x9];
	[sflag:s21] =	ssyncadd.s32 $0xFFFFF800  }
0x20: {  	[hbm:s16], [sflag:s9] =	dma.local [spmem:s10], $0x800  }
0x21: {  	_ =	swait.ge [sflag:s21], $0x800  }
0x22: {  	[sflag:s21] =	ssyncset.done $0x0  }
0x23: {  	s17 =	rddreg [dreg:$0xa];
	[sflag:s21] =	ssyncadd.s32 $0xFFFFF800  }
0x24: {  	[hbm:s17], [sflag:s9] =	dma.local [spmem:s11], $0x800  }
0x25: {  	_ =	swait.ge [sflag:s21], $0x800  }
0x26: {  	[sflag:s21] =	ssyncset.done $0x0  }
0x27: {  	s18 =	rddreg [dreg:$0xb];
	[sflag:s21] =	ssyncadd.s32 $0xFFFFF800  }
0x28: {  	[hbm:s18], [sflag:s9] =	dma.local [spmem:s12], $0x800  }
0x29: {  	s2 =	sadd.s32 $0x1, s2;
	_ =	swait.ge [sflag:s21], $0x800  }
0x2a: {  	p1 =	sne.s32 s2, s20;
	[sflag:s21] =	ssyncset.done $0x0  }
.Ltmp1:
0x2b: {  	[sflag:s21] =	ssyncadd.s32 $0xFFFFF800;
	(pc) =	sbr.rel @!p1 .LBB2_6-.Ltmp1, $4  }
0x2c: {  	[hbm:s19], [sflag:s9] =	dma.local [spmem:s13], $0x800  }
0x2d: {  	_ =	swait.ge [sflag:s21], $0x800  }
0x2e: {  	[sflag:s21] =	ssyncset.done $0x0  }
0x2f: {  	[sflag:s21] =	ssyncadd.s32 $0xFFFFF800  }
.LBB2_1:
0x30: {  	s8 =	rddreg [dreg:$0x3]  }
0x31: {  	s8 =	sshrl.u32 s8, $0x3  }
0x32: {  	[spmem:s8], [sflag:s9] =	dma.local [hbm:s7], $0x800  }
0x33: {  	_ =	swait.ge [sflag:s21], $0x800  }
0x34: {  	[sflag:s21] =	ssyncset.done $0x0;
	s10 =	rddreg [dreg:$0x4]  }
0x35: {  	[sflag:s21] =	ssyncadd.s32 $0xFFFFF800;
	s10 =	sshrl.u32 s10, $0x3  }
0x36: {  	[spmem:s10], [sflag:s9] =	dma.local [hbm:s7], $0x800  }
0x37: {  	_ =	swait.ge [sflag:s21], $0x800  }
0x38: {  	[sflag:s21] =	ssyncset.done $0x0;
	s11 =	rddreg [dreg:$0x5]  }
0x39: {  	[sflag:s21] =	ssyncadd.s32 $0xFFFFF800;
	s11 =	sshrl.u32 s11, $0x3  }
0x3a: {  	[spmem:s11], [sflag:s9] =	dma.local [hbm:s7], $0x800  }
0x3b: {  	_ =	swait.ge [sflag:s21], $0x800  }
0x3c: {  	[sflag:s21] =	ssyncset.done $0x0;
	s12 =	rddreg [dreg:$0x6]  }
0x3d: {  	[sflag:s21] =	ssyncadd.s32 $0xFFFFF800;
	s12 =	sshrl.u32 s12, $0x3  }
0x3e: {  	[spmem:s12], [sflag:s9] =	dma.local [hbm:s7], $0x800  }
0x3f: {  	_ =	swait.ge [sflag:s21], $0x800  }
0x40: {  	[sflag:s21] =	ssyncset.done $0x0;
	s13 =	rddreg [dreg:$0x7]  }
0x41: {  	[sflag:s21] =	ssyncadd.s32 $0xFFFFF800;
	s13 =	sshrl.u32 s13, $0x3  }
0x42: {  	[spmem:s13], [sflag:s9] =	dma.local [hbm:s7], $0x800  }
.Ltmp2:
0x43: {  	_ =	swait.ge [sflag:s21], $0x800;
	(pc) =	sbr.rel @p0 .LBB2_5-.Ltmp2, $4  }
0x44: {  	[sflag:s21] =	ssyncset.done $0x0  }
0x45: {  	[sflag:s21] =	ssyncadd.s32 $0xFFFFF800  }
0x46: {  	[bflag:$0x0] =	sbarrier.arrive $0xFFFF  }
0x47: {  	s15 =	simm.s32 $0x0  }
.LBB2_2:
0x48: {  	s16 =	smul.u32 $0x28, s15;
	_ =	sdelay $0x1  }
0x49: {  	s16 =	sadd.s32 s14, s16  }
0x4a: {  	s16 =	sshll.u32 s16, $0x4  }
0x4b: {  	s18 =	simm.s32 $0x0;
	s17 =	sadd.s32 s5, s16  }
0x4c: {  	[tilespmem:s18], [sflag:$0x5] =	stream.linear.gather [hbm4b:s17+s18], $0x1400, $0x38;
	[tilespmem:$0x1E800] =	vst v63  }
0x4d: {  	_ =	swait.ge [sflag:s21], $0x1400  }
0x4e: {  	[sflag:s21] =	ssyncset.done $0x0  }
0x4f: {  	s16 =	sadd.s32 s6, s16;
	[sflag:s21] =	ssyncadd.s32 $0xFFFFEC00  }
0x50: {  	[tilespmem:s22], [sflag:$0x5] =	stream.linear.gather [hbm4b:s16+s18], $0x1400, $0x38;
	[tilespmem:$0x1E800] =	vst v63  }
0x51: {  	_ =	swait.ge [sflag:s21], $0x1400  }
0x52: {  	[sflag:s21] =	ssyncset.done $0x0  }
0x53: {  	[sflag:s21] =	ssyncadd.s32 $0xFFFFEC00  }
0x54: {  	[tilespmem:s24], [sflag:$0x1] =	stream.indirect.gather [hbm4b:s4+s23], $0x80, s18, s23, $0xb8;
	[tilespmem:$0x1E800] =	vst v63  }
0x55: {  	_ =	swait.ge [sflag:s25], $0x4000  }
0x56: {  	[sflag:s25] =	ssyncset.done $0x0  }
0x57: {  	s17 =	simm.s32 $0x80;
	[sflag:s25] =	ssyncadd.s32 $0xFFFFC000  }
0x58: {  	[tilespmem:s26], [sflag:$0x2] =	stream.indirect.gather [hbm4b:s4+s23], $0x80, s17, s23, $0xb8;
	[tilespmem:$0x1E800] =	vst v63  }
0x59: {  	s18 =	simm.s32 $0x1400  }
0x5a: {  	[spmem:s1] =	stream.indirect.scatter.add.f32 [tilespmem:s24], [sflag:$0x3], $0x80, s18, s23, $0xb8;
	[tilespmem:$0x1E800] =	vst v63  }
0x5b: {  	_ =	swait.ge [sflag:s28], $0x4000  }
0x5c: {  	[sflag:s28] =	ssyncset.done $0x0  }
0x5d: {  	[sflag:s28] =	ssyncadd.s32 $0xFFFFC000  }
0x5e: {  	_ =	swait.ge [sflag:s29], $0x4000  }
0x5f: {  	[sflag:s29] =	ssyncset.done $0x0  }
0x60: {  	s17 =	simm.s32 $0x100;
	[sflag:s29] =	ssyncadd.s32 $0xFFFFC000  }
0x61: {  	[tilespmem:s24], [sflag:$0x1] =	stream.indirect.gather [hbm4b:s4+s23], $0x80, s17, s23, $0xb8;
	[tilespmem:$0x1E800] =	vst v63  }
0x62: {  	s18 =	simm.s32 $0x1480  }
0x63: {  	[spmem:s1] =	stream.indirect.scatter.add.f32 [tilespmem:s26], [sflag:$0x4], $0x80, s18, s23, $0xb8;
	[tilespmem:$0x1E800] =	vst v63  }
0x64: {  	_ =	swait.ge [sflag:s30], $0x4000  }
0x65: {  	s16 =	simm.s32 $0x400;
	[sflag:s30] =	ssyncset.done $0x0  }
.LBB2_3:
0x66: {  	p1 =	sne.s32 s16, $0x4800  }
0x67: {  	[sflag:s30] =	ssyncadd.s32 $0xFFFFC000;
	s17 =	smov.u32 s16;
	s16 =	sadd.s32 $0x400, s16  }
0x68: {  	_ = 	snop  }
0x69: {  	_ =	swait.ge [sflag:s25], $0x4000  }
0x6a: {  	s17 =	sshra.s32 s17, $0x2;
	[sflag:s25] =	ssyncset.done $0x0  }
0x6b: {  	s18 =	sadd.s32 $0x80, s17;
	[sflag:s25] =	ssyncadd.s32 $0xFFFFC000  }
0x6c: {  	[tilespmem:s26], [sflag:$0x2] =	stream.indirect.gather [hbm4b:s4+s23], $0x80, s18, s23, $0xb8;
	[tilespmem:$0x1E800] =	vst v63  }
0x6d: {  	s18 =	sadd.s32 $0x1400, s17  }
0x6e: {  	[spmem:s1] =	stream.indirect.scatter.add.f32 [tilespmem:s24], [sflag:$0x3], $0x80, s18, s23, $0xb8;
	[tilespmem:$0x1E800] =	vst v63  }
0x6f: {  	_ =	swait.ge [sflag:s28], $0x4000  }
0x70: {  	[sflag:s28] =	ssyncset.done $0x0  }
0x71: {  	[sflag:s28] =	ssyncadd.s32 $0xFFFFC000  }
0x72: {  	_ =	swait.ge [sflag:s29], $0x4000  }
0x73: {  	[sflag:s29] =	ssyncset.done $0x0  }
0x74: {  	s18 =	sadd.s32 $0x100, s17;
	[sflag:s29] =	ssyncadd.s32 $0xFFFFC000  }
0x75: {  	[tilespmem:s24], [sflag:$0x1] =	stream.indirect.gather [hbm4b:s4+s23], $0x80, s18, s23, $0xb8;
	[tilespmem:$0x1E800] =	vst v63  }
.Ltmp3:
0x76: {  	_ = 	snop;
	(pc) =	sbr.rel @p1 .LBB2_3-.Ltmp3, $4  }
0x77: {  	s17 =	sadd.s32 $0x1480, s17  }
0x78: {  	[spmem:s1] =	stream.indirect.scatter.add.f32 [tilespmem:s26], [sflag:$0x4], $0x80, s17, s23, $0xb8;
	[tilespmem:$0x1E800] =	vst v63  }
0x79: {  	_ =	swait.ge [sflag:s30], $0x4000  }
0x7a: {  	[sflag:s30] =	ssyncset.done $0x0  }
0x7b: {  	[sflag:s30] =	ssyncadd.s32 $0xFFFFC000  }
0x7c: {  	_ =	swait.ge [sflag:s25], $0x4000  }
0x7d: {  	[sflag:s25] =	ssyncset.done $0x0  }
0x7e: {  	[sflag:s25] =	ssyncadd.s32 $0xFFFFC000  }
0x7f: {  	[tilespmem:s26], [sflag:$0x2] =	stream.indirect.gather [hbm4b:s4+s23], $0x80, s31, s23, $0xb8;
	[tilespmem:$0x1E800] =	vst v63  }
0x80: {  	_ = 	snop  }
0x81: {  	[spmem:s1] =	stream.indirect.scatter.add.f32 [tilespmem:s24], [sflag:$0x3], $0x80, s0, s23, $0xb8;
	[tilespmem:$0x1E800] =	vst v63  }
0x82: {  	_ =	swait.ge [sflag:s28], $0x4000  }
0x83: {  	[sflag:s28] =	ssyncset.done $0x0  }
0x84: {  	[sflag:s28] =	ssyncadd.s32 $0xFFFFC000  }
0x85: {  	_ =	swait.ge [sflag:s29], $0x4000  }
0x86: {  	s15 =	sadd.s32 $0x1, s15;
	[sflag:s29] =	ssyncset.done $0x0  }
0x87: {  	p1 =	sne.s32 s15, $0x4;
	[sflag:s29] =	ssyncadd.s32 $0xFFFFC000  }
0x88: {  	[spmem:s1] =	stream.indirect.scatter.add.f32 [tilespmem:s26], [sflag:$0x4], $0x80, s3, s23, $0xb8;
	[tilespmem:$0x1E800] =	vst v63  }
.Ltmp4:
0x89: {  	_ = 	snop;
	(pc) =	sbr.rel @p1 .LBB2_2-.Ltmp4, $4  }
.Ltmp5:
0x8a: {  	_ = 	snop;
	(pc) =	sbr.rel @!p1 .LBB2_5-.Ltmp5, $4  }
0x8b: {  	_ =	swait.ge [sflag:s30], $0x4000  }
0x8c: {  	[sflag:s30] =	ssyncset.done $0x0  }
0x8d: {  	[sflag:s30] =	ssyncadd.s32 $0xFFFFC000  }
0x8e: {  	_ = 	snop  }
.LBB2_6:
0x8f: {  	_ =	sfence.sel $0x180000  }
0x90: {  	[bflag:$0x0] =	sbarrier.arrive $0xFFFF  }
0x91: {  	_ =	strace $0x9000004D  }
0x92: {  	s0 =	stileid.u32;
	[bflag:$0x2] =	sbarrier.arrive $0xFFFF  }
0x93: {  	p0 =	sne.s32 s0, $0x0;
	s0 =	rddreg [dreg:$0x2]  }
0x94: {  	s0 =	sadd.s32 @!p0 $0x100000, s0  }
0x95: {  	[sflag:s0] =	ssyncadd.tile.s32 @!p0 $0x1;
	_ =	shalt  }
.Lfunc_end2:
_tile_overlayer_lowered:
.L_overlay_start_2:
0x96: {  	(tag) =	ssettag $0x2  }
0x97: {  	s0 =	rddreg [dreg:$0x0];
	s2 =	stileid.u32  }
0x98: {  	s1 =	rddreg [dreg:$0x1];
	p0 =	sne.s32 s2, $0x0  }
0x99: {  	s3 =	rddreg [dreg:$0x2];
	[bflag:$0x3] =	sbarrier.arrive $0xFFFF;
	s2 =	simm.s32 @!p0 $0x1C05  }
0x9a: {  	[timem:s3], [sflag:s2] =	dma.local @!p0 [hbm:s0], s1  }
0x9b: {  	s0 =	simm.s32 @!p0 $0x5  }
0x9c: {  	_ =	swait.ge @!p0 [sflag:s0], s1  }
0x9d: {  	s1 =	ssub.s32 @!p0 $0x0, s1;
	[sflag:s0] =	ssyncset.done @!p0 $0x0  }
0x9e: {  	[sflag:s0] =	ssyncadd.s32 @!p0 s1  }
0x9f: {  	[bflag:$0x3] =	sbarrier.arrive $0xFFFF  }
0xa0: {  	_ =	shalt  }

// kernel: kernel.20.cloned.1.call-start
scs
__scs_entry_jumppad:
0x0: {  	(pc) =	sbr.rel $0x88, $3  }
0x1: {  	(tag) =	ssettag $0x0;
	lr =	simm.s32 $0x1  }
0x2: {  	[smem:$0x3F93] =	sst lr;
	_ =	strace $0xD0000000  }
0x3: {  	_ = 	snop  }
0x4: {  	_ = 	snop  }
0x5: {  	_ = 	snop  }
0x6: {  	_ = 	snop  }
0x7: {  	_ = 	snop  }
__scs_overlays_trampoline_lowered:
0x8: {  	[smem:$0x3FA2] =	sst s0  }
0x9: {  	[smem:$0x3FA3] =	sst s1  }
0xa: {  	[smem:$0x3FA4] =	sst s2  }
0xb: {  	[smem:$0x3FA5] =	sst s3  }
0xc: {  	[smem:$0x3FA6] =	sst s4  }
0xd: {  	[smem:$0x3FA7] =	sst s5  }
0xe: {  	[smem:$0x3FA8] =	sst s6  }
0xf: {  	[smem:$0x3FA9] =	sst s7  }
0x10: {  	[smem:$0x3FAA] =	sst s8  }
0x11: {  	[smem:$0x3FAB] =	sst s9;
	s0 =	simm.s32 @!p0 $0x0  }
0x12: {  	s1 =	sld [smem:$0x3F91];
	s0 =	simm.s32 @p0 $0x1  }
0x13: {  	[smem:$0x3FAC] =	sst s0;
	s0 =	simm.s32 @!p1 $0x0  }
0x14: {  	s2 =	sld [smem:$0x3F90];
	s0 =	simm.s32 @p1 $0x1  }
0x15: {  	[smem:$0x3FAD] =	sst s0;
	s0 =	simm.s32 @!p2 $0x0  }
0x16: {  	s3 =	sld [smem:$0x3FDB];
	s0 =	simm.s32 @p2 $0x1  }
0x17: {  	s4 =	simm.s32 $0x1BF5;
	[smem:$0x3FAF] =	sst s0  }
0x18: {  	s0 =	sld [smem:$0x3F92];
	_ =	swait.ge [sflag:s4], $0x0  }
0x19: {  	s7 =	sld [smem:$0x3F93]  }
0x1a: {  	s8 =	sadd.s32 $0xFFFFE003, lr  }
0x1b: {  	s9 =	sadd.s32 $0xFFFFFEF7, lr;
	s5 =	simm.s32 $0xFFFFFFFF;
	p2 =	slt.u32 s8, $0xFFFFF086  }
0x1c: {  	p1 =	slt.u32 s9, $0xF7A;
	s5 =	simm.s32 @!p2 $0x0  }
0x1d: {  	s5 =	simm.s32 @p1 $0x1;
	p0 =	seq.s32 s7, s2  }
0x1e: {  	s7 =	smul.u32 @!p0 $0xF7A, s2;
	p2 =	seq.s32 @!p0 s5, $0x0  }
0x1f: {  	s9 =	smul.u32 $0xF7A, s1;
	s8 =	simm.s32 @!p0 $0x1BF5;
	p2 =	por !p2, p0  }
0x20: {  	[sflag:s8] =	ssyncset.s32 @!p0 $0xFFFFF086;
	s6 =	sadd.s32 @!p0 s3, s7;
	s7 =	simm.s32 @!p0 $0x108  }
0x21: {  	s3 =	sadd.s32 s3, s9;
	s6 =	sadd.s32 @!p0 $0x88, s6;
	s7 =	simm.s32 @p2 $0x1082  }
0x22: {  	[simem:s7], [sflag:s8] =	dma.local @!p0 [hbm:s6], $0xF7A  }
0x23: {  	s9 =	sor.u32 $0xD0000000, s2;
	s6 =	simm.s32 $0x108;
	_ =	swait.ge @!p0 [sflag:s8], $0x0  }
0x24: {  	s3 =	sadd.s32 $0x88, s3;
	s6 =	simm.s32 @!p1 $0x1082;
	[sflag:s4] =	ssyncset.s32 $0xFFFFF086  }
0x25: {  	[simem:s6], [sflag:s4] =	dma.local [hbm:s3], $0xF7A  }
0x26: {  	[smem:$0x3F93] =	sst s1;
	(tag) =	ssettag s2;
	_ =	strace s9  }
0x27: {  	s1 =	sld [smem:$0x3FA3]  }
0x28: {  	s2 =	sld [smem:$0x3FA4]  }
0x29: {  	s4 =	sld [smem:$0x3FA6]  }
0x2a: {  	p0 =	seq.s32 s5, $0x0;
	s5 =	sld [smem:$0x3FA7]  }
0x2b: {  	s6 =	sld [smem:$0x3FA8]  }
0x2c: {  	s7 =	sld [smem:$0x3FA9]  }
0x2d: {  	s3 =	simm.s32 $0x108;
	s8 =	sld [smem:$0x3FAA]  }
0x2e: {  	s3 =	simm.s32 @!p0 $0x1082;
	s9 =	sld [smem:$0x3FAB]  }
0x2f: {  	lr =	sadd.s32 s0, s3;
	s0 =	sld [smem:$0x3FA2]  }
0x30: {  	s3 =	sld [smem:$0x3FA5]  }
0x31: {  	[smem:$0x3FAE] =	sst s10  }
0x32: {  	s10 =	sld [smem:$0x3FAC];
	_ =	sdelay $0x3  }
0x33: {  	p0 =	seq.s32 s10, $0x1;
	s10 =	sld [smem:$0x3FAE];
	_ =	sdelay $0x3  }
0x34: {  	[smem:$0x3FAE] =	sst s10  }
0x35: {  	s10 =	sld [smem:$0x3FAD];
	_ =	sdelay $0x3  }
0x36: {  	p1 =	seq.s32 s10, $0x1;
	s10 =	sld [smem:$0x3FAE];
	_ =	sdelay $0x3  }
0x37: {  	[smem:$0x3FAE] =	sst s10  }
0x38: {  	s10 =	sld [smem:$0x3FAF]  }
0x39: {  	_ = 	snop;
	(pc) =	sbr.ind lr, $3  }
0x3a: {  	_ = 	snop  }
0x3b: {  	_ = 	snop  }
0x3c: {  	p2 =	seq.s32 s10, $0x1;
	s10 =	sld [smem:$0x3FAE]  }
0x3d: {  	_ =	shalt  }
0x3e: {  	_ =	shalt  }
0x3f: {  	_ =	shalt  }
0x40: {  	_ =	shalt  }
0x41: {  	_ =	shalt  }
0x42: {  	_ =	shalt  }
0x43: {  	_ =	shalt  }
0x44: {  	_ =	shalt  }
0x45: {  	_ =	shalt  }
0x46: {  	_ =	shalt  }
0x47: {  	_ =	shalt  }
0x48: {  	_ =	shalt  }
0x49: {  	_ =	shalt  }
0x4a: {  	_ =	shalt  }
0x4b: {  	_ =	shalt  }
0x4c: {  	_ =	shalt  }
0x4d: {  	_ =	shalt  }
0x4e: {  	_ =	shalt  }
0x4f: {  	_ =	shalt  }
0x50: {  	_ =	shalt  }
0x51: {  	_ =	shalt  }
0x52: {  	_ =	shalt  }
0x53: {  	_ =	shalt  }
0x54: {  	_ =	shalt  }
0x55: {  	_ =	shalt  }
0x56: {  	_ =	shalt  }
0x57: {  	_ =	shalt  }
0x58: {  	_ =	shalt  }
0x59: {  	_ =	shalt  }
0x5a: {  	_ =	shalt  }
0x5b: {  	_ =	shalt  }
0x5c: {  	_ =	shalt  }
0x5d: {  	_ =	shalt  }
0x5e: {  	_ =	shalt  }
0x5f: {  	_ =	shalt  }
0x60: {  	_ =	shalt  }
0x61: {  	_ =	shalt  }
0x62: {  	_ =	shalt  }
0x63: {  	_ =	shalt  }
0x64: {  	_ =	shalt  }
0x65: {  	_ =	shalt  }
0x66: {  	_ =	shalt  }
0x67: {  	_ =	shalt  }
0x68: {  	_ =	shalt  }
0x69: {  	_ =	shalt  }
0x6a: {  	_ =	shalt  }
0x6b: {  	_ =	shalt  }
0x6c: {  	_ =	shalt  }
0x6d: {  	_ =	shalt  }
0x6e: {  	_ =	shalt  }
0x6f: {  	_ =	shalt  }
0x70: {  	_ =	shalt  }
0x71: {  	_ =	shalt  }
0x72: {  	_ =	shalt  }
0x73: {  	_ =	shalt  }
0x74: {  	_ =	shalt  }
0x75: {  	_ =	shalt  }
0x76: {  	_ =	shalt  }
0x77: {  	_ =	shalt  }
0x78: {  	_ =	shalt  }
0x79: {  	_ =	shalt  }
0x7a: {  	_ =	shalt  }
0x7b: {  	_ =	shalt  }
0x7c: {  	_ =	shalt  }
0x7d: {  	_ =	shalt  }
0x7e: {  	_ =	shalt  }
0x7f: {  	_ =	shalt  }
0x80: {  	_ =	shalt  }
0x81: {  	_ =	shalt  }
0x82: {  	_ =	shalt  }
0x83: {  	_ =	shalt  }
0x84: {  	_ =	shalt  }
0x85: {  	_ =	shalt  }
0x86: {  	_ =	shalt  }
0x87: {  	_ =	shalt  }
.Lfunc_end0:
.L_simem_size_0:
called_computation.3_lowered:
.L_overlay_start_0:
0x88: {  	s2 =	sld [smem:$0x3FD9]  }
0x89: {  	s3 =	sld [smem:$0x3FFE];
	_ =	sdelay $0x1  }
0x8a: {  	s1 =	srdreg.scid  }
0x8b: {  	s0 =	sand.u32 $0x1, s1  }
0x8c: {  	s16 =	sshll.u32 s0, $0xA;
	s2 =	sadd.s32 s3, s2  }
0x8d: {  	s2 =	sadd.s32 s2, s16  }
0x8e: {  	[smem:$0x3FBA] =	sst s2  }
0x8f: {  	_ = 	snop  }
0x90: {  	(tm) =	ssettm $0x1  }
0x91: {  	s17 =	sld [smem:$0x3FFB];
	_ =	sdelay $0x3  }
0x92: {  	_ =	strace s17  }
0x93: {  	s2 =	sld [smem:$0x3FFC];
	_ =	sdelay $0x3  }
0x94: {  	_ =	strace s2  }
0x95: {  	s2 =	sld [smem:$0x3FFD];
	_ =	sdelay $0x3  }
0x96: {  	_ =	strace s2  }
0x97: {  	_ =	strace $0x8FFFFFFF  }
0x98: {  	s18 =	sld [smem:$0x3FDB];
	_ =	sdelay $0x1  }
0x99: {  	s19 =	simm.s32 $_scs_section_size  }
0x9a: {  	s4 =	simm.s32 $_size__tile_overlayer_lowered;
	s5 =	simm.s32 $_tile_overlayer_lowered  }
0x9b: {  	s22 =	simm.s32 $0x1BFF;
	s21 =	sshll.u32 s5, $0x1;
	s2 =	sadd.s32 s19, s18  }
0x9c: {  	s6 =	simm.s32 $0x0;
	s20 =	sshll.u32 s4, $0x1;
	s4 =	sadd.s32 s21, s2  }
0x9d: {  	[timem:s6], [sflag:s22] =	dma.local [hbm:s4], s20  }
0x9e: {  	_ =	swait.ge [sflag:s22], s20  }
0x9f: {  	s3 =	ssub.s32 $0x0, s20;
	[sflag:s22] =	ssyncset.done $0x0  }
0xa0: {  	[sflag:s22] =	ssyncadd.s32 s3;
	_ =	sdelay $0x1  }
0xa1: {  	s23 =	simm.s32 $0x1B8B  }
0xa2: {  	_ =	swait.ge [sflag:s23], $0x1  }
0xa3: {  	[sflag:s23] =	ssyncset.done $0x0  }
0xa4: {  	s25 =	simm.s32 $0x1B8E;
	s24 =	sld [smem:$0x3FFE];
	[sflag:s23] =	ssyncadd.s32 $0xFFFFFFFF  }
0xa5: {  	s26 =	simm.s32 $execute0_lowered;
	[smem:$0x3FD2] =	sst s25  }
0xa6: {  	s4 =	sshll.u32 s26, $0x1;
	_ =	strace $0x8000004F;
	[dreg:$0x1] =	wrdreg $0xFFFFFFFF  }
0xa7: {  	s28 =	simm.s32 $_size_execute0_lowered;
	s2 =	sadd.s32 s2, s4;
	[dreg:$0x0] =	wrdreg $0x0  }
0xa8: {  	s4 =	sshll.u32 s28, $0x1;
	[dreg:$0x2] =	wrdreg s2  }
0xa9: {  	[dreg:$0x3] =	wrdreg s4  }
0xaa: {  	[dreg:$0x4] =	wrdreg $0xC0  }
0xab: {  	_ =	task [dreg:s6], $0x5FFFF  }
0xac: {  	[dreg:$0x1] =	wrdreg $0xFFFFFFFF  }
0xad: {  	[dreg:$0x0] =	wrdreg $0x60  }
0xae: {  	[dreg:$0x2] =	wrdreg s24  }
0xaf: {  	[dreg:$0x3] =	wrdreg $0xA8000  }
0xb0: {  	[dreg:$0x4] =	wrdreg $0x9  }
0xb1: {  	_ =	task.clear_ibuf [dreg:s6], $0x5FFFF;
	_ =	strace $0x9000004F  }
0xb2: {  	s29 =	simm.s32 $0x9;
	_ =	strace $0x80000051  }
0xb3: {  	_ =	swait.ge [sflag:s29], $0x1  }
0xb4: {  	[sflag:s29] =	ssyncadd.s32 $0xFFFFFFFF  }
0xb5: {  	_ =	strace $0x90000051  }
0xb6: {  	_ =	sfence  }
0xb7: {  	s30 =	sld [smem:$0x0];
	_ =	sdelay $0x2  }
0xb8: {  	s31 =	sshll.u32 s1, $0xD;
	s1 =	sshrl.u32 s1, $0x2  }
0xb9: {  	s3 =	sand.u32 $0x4000, s31;
	s1 =	sadd.s32 s1, s30  }
0xba: {  	s0 =	sor.u32 s3, s0;
	s1 =	sshll.u32 s1, $0x11  }
0xbb: {  	s0 =	sor.u32 s1, s0  }
0xbc: {  	s0 =	sadd.s32 $0x8F2B, s0  }
0xbd: {  	[sflag:s0] =	ssyncadd.remote.s32 $0x1  }
0xbe: {  	_ =	sfence.sel $0xFFFF  }
0xbf: {  	[dreg:$0x0] =	wrdreg $0xFFFFFFFF;
	(pc) =	sbr.abs _section_cstart, $3  }
0xc0: {  	[dreg:$0x1] =	wrdreg $0xFFFFFFFF  }
0xc1: {  	_ =	task.clear_ibuf [dreg:s6], $0x2FFFF;
	_ =	strace $0x9FFFFFFF  }
0xc2: {  	(tm) =	ssettm $0x7FFFFFFF  }
0xc3: {  	_ =	shalt  }
tec
execute0_lowered:
.L_overlay_start_1:
0x0: {  	(tag) =	ssettag $0x1  }
0x1: {  	s0 =	rddreg [dreg:$0x0]  }
0x2: {  	s1 =	rddreg [dreg:$0x1]  }
0x3: {  	s2 =	simm.s32 $0x0;
	s3 =	srdreg.scid;
	s14 =	stileid.u32  }
0x4: {  	s28 =	simm.s32 $0x3;
	s29 =	simm.s32 $0x2;
	s30 =	simm.s32 $0x4  }
0x5: {  	s31 =	simm.s32 $0x1380;
	[smem:$0x7FF] =	sst s2;
	s4 =	sadd.s32 $0x18800, s0  }
0x6: {  	s5 =	sadd.s32 $0xE000, s0;
	s3 =	sand.u32 $0x1, s3;
	s9 =	smul.u32 $0x50000, s14  }
0x7: {  	s6 =	sadd.s32 $0x4000, s0;
	s7 =	sadd.s32 $0x18000, s0;
	s12 =	smul.u32 $0x14000, s14  }
0x8: {  	s0 =	sadd.s32 $0x3FA00, s0;
	s11 =	sshll.u32 s14, $0x6;
	s14 =	smul.u32 $0xA0, s14  }
0x9: {  	_ =	strace $0x80000050;
	s8 =	ssub.s32 $0x2, s3;
	s13 =	smul.u32 $0x140000, s3  }
0xa: {  	p0 =	sne.s32 s3, $0x0;
	s3 =	simm.s32 $0x2780;
	s10 =	sshrl.u32 s8, $0x1  }
0xb: {  	s9 =	sshrl.u32 s9, $0x2;
	s18 =	sadd.s32 $0x8000, s12;
	s20 =	sadd.s32 $0xC000, s12  }
0xc: {  	s21 =	sadd.s32 $0x10000, s12;
	s8 =	ssub.s32 s8, s10;
	s9 =	sadd.s32 s9, s1  }
0xd: {  	s19 =	sadd.s32 s18, s1;
	s16 =	sadd.s32 s20, s1;
	s17 =	sadd.s32 s21, s1  }
0xe: {  	s22 =	sadd.s32 s13, s18;
	s23 =	sadd.s32 s13, s20;
	[dreg:$0x3] =	wrdreg s9  }
0xf: {  	s24 =	sadd.s32 s13, s21;
	s21 =	simm.s32 $0x5;
	[dreg:$0x5] =	wrdreg s19  }
0x10: {  	s9 =	sor.u32 $0x1C05, s11;
	s11 =	sadd.s32 $0x4000, s12;
	[dreg:$0x6] =	wrdreg s16  }
0x11: {  	s12 =	sadd.s32 s12, s13;
	[dreg:$0x7] =	wrdreg s17;
	s26 =	sshrl.u32 s24, $0x3  }
0x12: {  	s20 =	smax.u32 s8, $0x1;
	s24 =	simm.s32 $0x2800;
	s15 =	sadd.s32 s11, s1  }
0x13: {  	s12 =	sshrl.u32 s12, $0x3;
	s10 =	sadd.s32 s13, s11;
	s11 =	sshrl.u32 s23, $0x3  }
0x14: {  	s19 =	sadd.s32 s0, s26;
	s23 =	simm.s32 $0x80;
	[dreg:$0x4] =	wrdreg s15  }
.Ltmp0:
0x15: {  	s12 =	sadd.s32 s0, s12;
	s10 =	sshrl.u32 s10, $0x3;
	(pc) =	sbr.rel .LBB2_1-.Ltmp0, $4  }
0x16: {  	s26 =	simm.s32 $0x6800;
	[dreg:$0x8] =	wrdreg s12;
	s10 =	sadd.s32 s0, s10  }
0x17: {  	s25 =	sadd.s32 s0, s11;
	[dreg:$0x9] =	wrdreg s10;
	s10 =	sshrl.u32 s22, $0x3  }
0x18: {  	[dreg:$0xb] =	wrdreg s25;
	s25 =	simm.s32 $0x1;
	s10 =	sadd.s32 s0, s10  }
0x19: {  	s22 =	simm.s32 $0x1400;
	s0 =	simm.s32 $0x2700;
	[dreg:$0xa] =	wrdreg s10  }
.LBB2_5:
0x1a: {  	[bflag:$0x0] =	sbarrier.arrive $0xFFFF  }
0x1b: {  	s15 =	rddreg [dreg:$0x8]  }
0x1c: {  	[hbm:s15], [sflag:s9] =	dma.local [spmem:s8], $0x800  }
0x1d: {  	_ =	swait.ge [sflag:s21], $0x800  }
0x1e: {  	[sflag:s21] =	ssyncset.done $0x0  }
0x1f: {  	s16 =	rddreg [dreg:$0x9];
	[sflag:s21] =	ssyncadd.s32 $0xFFFFF800  }
0x20: {  	[hbm:s16], [sflag:s9] =	dma.local [spmem:s10], $0x800  }
0x21: {  	_ =	swait.ge [sflag:s21], $0x800  }
0x22: {  	[sflag:s21] =	ssyncset.done $0x0  }
0x23: {  	s17 =	rddreg [dreg:$0xa];
	[sflag:s21] =	ssyncadd.s32 $0xFFFFF800  }
0x24: {  	[hbm:s17], [sflag:s9] =	dma.local [spmem:s11], $0x800  }
0x25: {  	_ =	swait.ge [sflag:s21], $0x800  }
0x26: {  	[sflag:s21] =	ssyncset.done $0x0  }
0x27: {  	s18 =	rddreg [dreg:$0xb];
	[sflag:s21] =	ssyncadd.s32 $0xFFFFF800  }
0x28: {  	[hbm:s18], [sflag:s9] =	dma.local [spmem:s12], $0x800  }
0x29: {  	s2 =	sadd.s32 $0x1, s2;
	_ =	swait.ge [sflag:s21], $0x800  }
0x2a: {  	p1 =	sne.s32 s2, s20;
	[sflag:s21] =	ssyncset.done $0x0  }
.Ltmp1:
0x2b: {  	[sflag:s21] =	ssyncadd.s32 $0xFFFFF800;
	(pc) =	sbr.rel @!p1 .LBB2_6-.Ltmp1, $4  }
0x2c: {  	[hbm:s19], [sflag:s9] =	dma.local [spmem:s13], $0x800  }
0x2d: {  	_ =	swait.ge [sflag:s21], $0x800  }
0x2e: {  	[sflag:s21] =	ssyncset.done $0x0  }
0x2f: {  	[sflag:s21] =	ssyncadd.s32 $0xFFFFF800  }
.LBB2_1:
0x30: {  	s8 =	rddreg [dreg:$0x3]  }
0x31: {  	s8 =	sshrl.u32 s8, $0x3  }
0x32: {  	[spmem:s8], [sflag:s9] =	dma.local [hbm:s7], $0x800  }
0x33: {  	_ =	swait.ge [sflag:s21], $0x800  }
0x34: {  	[sflag:s21] =	ssyncset.done $0x0;
	s10 =	rddreg [dreg:$0x4]  }
0x35: {  	[sflag:s21] =	ssyncadd.s32 $0xFFFFF800;
	s10 =	sshrl.u32 s10, $0x3  }
0x36: {  	[spmem:s10], [sflag:s9] =	dma.local [hbm:s7], $0x800  }
0x37: {  	_ =	swait.ge [sflag:s21], $0x800  }
0x38: {  	[sflag:s21] =	ssyncset.done $0x0;
	s11 =	rddreg [dreg:$0x5]  }
0x39: {  	[sflag:s21] =	ssyncadd.s32 $0xFFFFF800;
	s11 =	sshrl.u32 s11, $0x3  }
0x3a: {  	[spmem:s11], [sflag:s9] =	dma.local [hbm:s7], $0x800  }
0x3b: {  	_ =	swait.ge [sflag:s21], $0x800  }
0x3c: {  	[sflag:s21] =	ssyncset.done $0x0;
	s12 =	rddreg [dreg:$0x6]  }
0x3d: {  	[sflag:s21] =	ssyncadd.s32 $0xFFFFF800;
	s12 =	sshrl.u32 s12, $0x3  }
0x3e: {  	[spmem:s12], [sflag:s9] =	dma.local [hbm:s7], $0x800  }
0x3f: {  	_ =	swait.ge [sflag:s21], $0x800  }
0x40: {  	[sflag:s21] =	ssyncset.done $0x0;
	s13 =	rddreg [dreg:$0x7]  }
0x41: {  	[sflag:s21] =	ssyncadd.s32 $0xFFFFF800;
	s13 =	sshrl.u32 s13, $0x3  }
0x42: {  	[spmem:s13], [sflag:s9] =	dma.local [hbm:s7], $0x800  }
.Ltmp2:
0x43: {  	_ =	swait.ge [sflag:s21], $0x800;
	(pc) =	sbr.rel @p0 .LBB2_5-.Ltmp2, $4  }
0x44: {  	[sflag:s21] =	ssyncset.done $0x0  }
0x45: {  	[sflag:s21] =	ssyncadd.s32 $0xFFFFF800  }
0x46: {  	[bflag:$0x0] =	sbarrier.arrive $0xFFFF  }
0x47: {  	s15 =	simm.s32 $0x0  }
.LBB2_2:
0x48: {  	s16 =	smul.u32 $0x28, s15;
	_ =	sdelay $0x1  }
0x49: {  	s16 =	sadd.s32 s14, s16  }
0x4a: {  	s16 =	sshll.u32 s16, $0x4  }
0x4b: {  	s18 =	simm.s32 $0x0;
	s17 =	sadd.s32 s5, s16  }
0x4c: {  	[tilespmem:s18], [sflag:$0x5] =	stream.linear.gather [hbm4b:s17+s18], $0x1400, $0x38;
	[tilespmem:$0x1E800] =	vst v63  }
0x4d: {  	_ =	swait.ge [sflag:s21], $0x1400  }
0x4e: {  	[sflag:s21] =	ssyncset.done $0x0  }
0x4f: {  	s16 =	sadd.s32 s6, s16;
	[sflag:s21] =	ssyncadd.s32 $0xFFFFEC00  }
0x50: {  	[tilespmem:s22], [sflag:$0x5] =	stream.linear.gather [hbm4b:s16+s18], $0x1400, $0x38;
	[tilespmem:$0x1E800] =	vst v63  }
0x51: {  	_ =	swait.ge [sflag:s21], $0x1400  }
0x52: {  	[sflag:s21] =	ssyncset.done $0x0  }
0x53: {  	[sflag:s21] =	ssyncadd.s32 $0xFFFFEC00  }
0x54: {  	[tilespmem:s24], [sflag:$0x1] =	stream.indirect.gather [hbm4b:s4+s23], $0x80, s18, s23, $0xb8;
	[tilespmem:$0x1E800] =	vst v63  }
0x55: {  	_ =	swait.ge [sflag:s25], $0x4000  }
0x56: {  	[sflag:s25] =	ssyncset.done $0x0  }
0x57: {  	s17 =	simm.s32 $0x80;
	[sflag:s25] =	ssyncadd.s32 $0xFFFFC000  }
0x58: {  	[tilespmem:s26], [sflag:$0x2] =	stream.indirect.gather [hbm4b:s4+s23], $0x80, s17, s23, $0xb8;
	[tilespmem:$0x1E800] =	vst v63  }
0x59: {  	s18 =	simm.s32 $0x1400  }
0x5a: {  	[spmem:s1] =	stream.indirect.scatter.add.f32 [tilespmem:s24], [sflag:$0x3], $0x80, s18, s23, $0xb8;
	[tilespmem:$0x1E800] =	vst v63  }
0x5b: {  	_ =	swait.ge [sflag:s28], $0x4000  }
0x5c: {  	[sflag:s28] =	ssyncset.done $0x0  }
0x5d: {  	[sflag:s28] =	ssyncadd.s32 $0xFFFFC000  }
0x5e: {  	_ =	swait.ge [sflag:s29], $0x4000  }
0x5f: {  	[sflag:s29] =	ssyncset.done $0x0  }
0x60: {  	s17 =	simm.s32 $0x100;
	[sflag:s29] =	ssyncadd.s32 $0xFFFFC000  }
0x61: {  	[tilespmem:s24], [sflag:$0x1] =	stream.indirect.gather [hbm4b:s4+s23], $0x80, s17, s23, $0xb8;
	[tilespmem:$0x1E800] =	vst v63  }
0x62: {  	s18 =	simm.s32 $0x1480  }
0x63: {  	[spmem:s1] =	stream.indirect.scatter.add.f32 [tilespmem:s26], [sflag:$0x4], $0x80, s18, s23, $0xb8;
	[tilespmem:$0x1E800] =	vst v63  }
0x64: {  	_ =	swait.ge [sflag:s30], $0x4000  }
0x65: {  	s16 =	simm.s32 $0x400;
	[sflag:s30] =	ssyncset.done $0x0  }
.LBB2_3:
0x66: {  	p1 =	sne.s32 s16, $0x4800  }
0x67: {  	[sflag:s30] =	ssyncadd.s32 $0xFFFFC000;
	s17 =	smov.u32 s16;
	s16 =	sadd.s32 $0x400, s16  }
0x68: {  	_ = 	snop  }
0x69: {  	_ =	swait.ge [sflag:s25], $0x4000  }
0x6a: {  	s17 =	sshra.s32 s17, $0x2;
	[sflag:s25] =	ssyncset.done $0x0  }
0x6b: {  	s18 =	sadd.s32 $0x80, s17;
	[sflag:s25] =	ssyncadd.s32 $0xFFFFC000  }
0x6c: {  	[tilespmem:s26], [sflag:$0x2] =	stream.indirect.gather [hbm4b:s4+s23], $0x80, s18, s23, $0xb8;
	[tilespmem:$0x1E800] =	vst v63  }
0x6d: {  	s18 =	sadd.s32 $0x1400, s17  }
0x6e: {  	[spmem:s1] =	stream.indirect.scatter.add.f32 [tilespmem:s24], [sflag:$0x3], $0x80, s18, s23, $0xb8;
	[tilespmem:$0x1E800] =	vst v63  }
0x6f: {  	_ =	swait.ge [sflag:s28], $0x4000  }
0x70: {  	[sflag:s28] =	ssyncset.done $0x0  }
0x71: {  	[sflag:s28] =	ssyncadd.s32 $0xFFFFC000  }
0x72: {  	_ =	swait.ge [sflag:s29], $0x4000  }
0x73: {  	[sflag:s29] =	ssyncset.done $0x0  }
0x74: {  	s18 =	sadd.s32 $0x100, s17;
	[sflag:s29] =	ssyncadd.s32 $0xFFFFC000  }
0x75: {  	[tilespmem:s24], [sflag:$0x1] =	stream.indirect.gather [hbm4b:s4+s23], $0x80, s18, s23, $0xb8;
	[tilespmem:$0x1E800] =	vst v63  }
.Ltmp3:
0x76: {  	_ = 	snop;
	(pc) =	sbr.rel @p1 .LBB2_3-.Ltmp3, $4  }
0x77: {  	s17 =	sadd.s32 $0x1480, s17  }
0x78: {  	[spmem:s1] =	stream.indirect.scatter.add.f32 [tilespmem:s26], [sflag:$0x4], $0x80, s17, s23, $0xb8;
	[tilespmem:$0x1E800] =	vst v63  }
0x79: {  	_ =	swait.ge [sflag:s30], $0x4000  }
0x7a: {  	[sflag:s30] =	ssyncset.done $0x0  }
0x7b: {  	[sflag:s30] =	ssyncadd.s32 $0xFFFFC000  }
0x7c: {  	_ =	swait.ge [sflag:s25], $0x4000  }
0x7d: {  	[sflag:s25] =	ssyncset.done $0x0  }
0x7e: {  	[sflag:s25] =	ssyncadd.s32 $0xFFFFC000  }
0x7f: {  	[tilespmem:s26], [sflag:$0x2] =	stream.indirect.gather [hbm4b:s4+s23], $0x80, s31, s23, $0xb8;
	[tilespmem:$0x1E800] =	vst v63  }
0x80: {  	_ = 	snop  }
0x81: {  	[spmem:s1] =	stream.indirect.scatter.add.f32 [tilespmem:s24], [sflag:$0x3], $0x80, s0, s23, $0xb8;
	[tilespmem:$0x1E800] =	vst v63  }
0x82: {  	_ =	swait.ge [sflag:s28], $0x4000  }
0x83: {  	[sflag:s28] =	ssyncset.done $0x0  }
0x84: {  	[sflag:s28] =	ssyncadd.s32 $0xFFFFC000  }
0x85: {  	_ =	swait.ge [sflag:s29], $0x4000  }
0x86: {  	s15 =	sadd.s32 $0x1, s15;
	[sflag:s29] =	ssyncset.done $0x0  }
0x87: {  	p1 =	sne.s32 s15, $0x4;
	[sflag:s29] =	ssyncadd.s32 $0xFFFFC000  }
0x88: {  	[spmem:s1] =	stream.indirect.scatter.add.f32 [tilespmem:s26], [sflag:$0x4], $0x80, s3, s23, $0xb8;
	[tilespmem:$0x1E800] =	vst v63  }
.Ltmp4:
0x89: {  	_ = 	snop;
	(pc) =	sbr.rel @p1 .LBB2_2-.Ltmp4, $4  }
.Ltmp5:
0x8a: {  	_ = 	snop;
	(pc) =	sbr.rel @!p1 .LBB2_5-.Ltmp5, $4  }
0x8b: {  	_ =	swait.ge [sflag:s30], $0x4000  }
0x8c: {  	[sflag:s30] =	ssyncset.done $0x0  }
0x8d: {  	[sflag:s30] =	ssyncadd.s32 $0xFFFFC000  }
0x8e: {  	_ = 	snop  }
.LBB2_6:
0x8f: {  	_ =	sfence.sel $0x180000  }
0x90: {  	[bflag:$0x0] =	sbarrier.arrive $0xFFFF  }
0x91: {  	_ =	strace $0x90000050  }
0x92: {  	s0 =	stileid.u32;
	[bflag:$0x2] =	sbarrier.arrive $0xFFFF  }
0x93: {  	p0 =	sne.s32 s0, $0x0;
	s0 =	rddreg [dreg:$0x2]  }
0x94: {  	s0 =	sadd.s32 @!p0 $0x100000, s0  }
0x95: {  	[sflag:s0] =	ssyncadd.tile.s32 @!p0 $0x1;
	_ =	shalt  }
.Lfunc_end2:
_tile_overlayer_lowered:
.L_overlay_start_2:
0x96: {  	(tag) =	ssettag $0x2  }
0x97: {  	s0 =	rddreg [dreg:$0x0];
	s2 =	stileid.u32  }
0x98: {  	s1 =	rddreg [dreg:$0x1];
	p0 =	sne.s32 s2, $0x0  }
0x99: {  	s3 =	rddreg [dreg:$0x2];
	[bflag:$0x3] =	sbarrier.arrive $0xFFFF;
	s2 =	simm.s32 @!p0 $0x1C05  }
0x9a: {  	[timem:s3], [sflag:s2] =	dma.local @!p0 [hbm:s0], s1  }
0x9b: {  	s0 =	simm.s32 @!p0 $0x5  }
0x9c: {  	_ =	swait.ge @!p0 [sflag:s0], s1  }
0x9d: {  	s1 =	ssub.s32 @!p0 $0x0, s1;
	[sflag:s0] =	ssyncset.done @!p0 $0x0  }
0x9e: {  	[sflag:s0] =	ssyncadd.s32 @!p0 s1  }
0x9f: {  	[bflag:$0x3] =	sbarrier.arrive $0xFFFF  }
0xa0: {  	_ =	shalt  }

</sc_bundles>
